<compile_context>
chip_gen: v7x
topology: tpu7x:2x2x1
jax: 0.10.2.dev20260603
libtpu: 0.0.44.dev20260713+nightly
codegen_flags: <defaults>
</compile_context>

<pallas_src>
import functools

import jax
import jax.numpy as jnp
from jax import lax
from jax.experimental import pallas as pl
from jax.experimental.pallas import tpu as pltpu
from jax.experimental.pallas import tpu_sc as plsc

ROWS = 16384
COLS = 64
TOP_K_N = 8
NEG_FILL_VAL = -1000000000.0

NUM_WORKERS = 32
ROWS_PER_WORKER = ROWS // NUM_WORKERS
CHUNK = 128
NUM_CHUNKS = ROWS_PER_WORKER // CHUNK
LANES = 16
VPR = COLS // LANES


def _sort_desc(v):
    return plsc.sort_key_val(v, v, descending=True)[0]


def _merge_desc(a, b):
    return _sort_desc(jnp.maximum(a, lax.rev(b, (0,))))


def _row_topk_softmax(xs):
    s = [_sort_desc(v) for v in xs]
    t = _merge_desc(_merge_desc(s[0], s[1]), _merge_desc(s[2], s[3]))
    thr = t[7]
    rmax = t[0]

    gt = [v > thr for v in xs]
    eq = [v == thr for v in xs]
    num_gt = plsc.all_reduce_population_count(t > thr)
    need_eq = TOP_K_N - num_gt

    sel = []
    carry = jnp.zeros((LANES,), jnp.int32)
    for i in range(VPR):
        eqi = eq[i].astype(jnp.int32)
        prefix = plsc.cumsum(eqi) - eqi + carry
        carry = carry + plsc.all_reduce_population_count(eq[i])
        sel.append(gt[i] | (eq[i] & (prefix < need_eq)))

    fl = [jnp.where(sel[i], xs[i], NEG_FILL_VAL) for i in range(VPR)]
    e = [jnp.where(sel[i], jnp.exp(xs[i] - rmax), 0.0) for i in range(VPR)]
    denom = jnp.sum((e[0] + e[1]) + (e[2] + e[3]))
    recip = jnp.ones((LANES,), jnp.float32) / denom
    p = [e[i] * recip for i in range(VPR)]
    return p, fl


def _make_sc_kernel():
    mesh = plsc.VectorSubcoreMesh(core_axis_name="c", subcore_axis_name="s")

    @functools.partial(
        pl.kernel,
        out_type=[
            jax.ShapeDtypeStruct((ROWS, COLS), jnp.float32),
            jax.ShapeDtypeStruct((ROWS, COLS), jnp.float32),
        ],
        mesh=mesh,
        compiler_params=pltpu.CompilerParams(needs_layout_passes=False),
        scratch_types=[
            pltpu.VMEM((2, CHUNK, COLS), jnp.float32),
            pltpu.VMEM((2, CHUNK, COLS), jnp.float32),
            pltpu.VMEM((2, CHUNK, COLS), jnp.float32),
            pltpu.SemaphoreType.DMA,
            pltpu.SemaphoreType.DMA,
            pltpu.SemaphoreType.DMA,
            pltpu.SemaphoreType.DMA,
        ],
    )
    def sc_kernel(x_hbm, p_hbm, f_hbm, x_v, p_v, f_v,
                  in_sem0, in_sem1, out_sem0, out_sem1):
        wid = lax.axis_index("s") * 2 + lax.axis_index("c")
        base_row = wid * ROWS_PER_WORKER
        in_sems = (in_sem0, in_sem1)
        out_sems = (out_sem0, out_sem1)

        def rows_at(ci):
            return pl.ds(base_row + ci * CHUNK, CHUNK)

        def start_in(ci):
            return pltpu.async_copy(
                x_hbm.at[rows_at(ci)], x_v.at[ci % 2], in_sems[ci % 2])

        def start_out(ci):
            b = ci % 2
            return [
                pltpu.async_copy(p_v.at[b], p_hbm.at[rows_at(ci)], out_sems[b]),
                pltpu.async_copy(f_v.at[b], f_hbm.at[rows_at(ci)], out_sems[b]),
            ]

        h_in = {0: start_in(0)}
        h_out = {}
        for ci in range(NUM_CHUNKS):
            b = ci % 2
            if ci + 1 < NUM_CHUNKS:
                h_in[ci + 1] = start_in(ci + 1)
            h_in[ci].wait()
            if ci - 2 >= 0:
                for h in h_out[ci - 2]:
                    h.wait()

            @plsc.parallel_loop(0, CHUNK, unroll=1)
            def row_body(r):
                xs = [x_v[b, r, pl.ds(LANES * i, LANES)] for i in range(VPR)]
                p, fl = _row_topk_softmax(xs)
                for i in range(VPR):
                    p_v[b, r, pl.ds(LANES * i, LANES)] = p[i]
                    f_v[b, r, pl.ds(LANES * i, LANES)] = fl[i]

            h_out[ci] = start_out(ci)
        for ci in (NUM_CHUNKS - 2, NUM_CHUNKS - 1):
            for h in h_out[ci]:
                h.wait()

    return sc_kernel


_sc_call = _make_sc_kernel()


@jax.jit
def kernel(logits):
    probs, final_logits = _sc_call(logits)
    return probs, final_logits, probs > 0.0

# --- scband reference (transcript-rebuilt; emitter-appended) ---
"""Pipeline reference for scband-abstract-bank-selector-85203561218154 (READ-ONLY COPY).

The authoritative reference and input builder live on the scoring server;
editing this copy changes nothing except your own understanding.
"""

import jax, jax.numpy as jnp
import numpy as np

TOP_K = 8
NEG_FILL = -1000000000.0

def setup_inputs(seed: int = 0) -> dict:
    key = jax.random.key(seed)
    logits = jax.random.normal(key, (16384, 64), dtype=jnp.float32)
    return {"logits": logits}

def reference(logits):
    # AbstractBankSelector.select_logits in dense mode with top_k=8, top_p=0.0, rand=0,
    # control_dropout=0.0 (eval -> identity dropout).
    # 1) top-k selection mask (make_top_k_selection_mask)
    _, idx = jax.lax.top_k(logits, TOP_K)  # (..., k) indices of top-k logits
    selection_mask = jnp.zeros(logits.shape, dtype=bool)
    row_ids = jnp.arange(logits.shape[0])[:, None]
    selection_mask = selection_mask.at[row_ids, idx].set(True)
    # top_p == 0.0 -> all-false mask; rand == 0 -> all-false mask; union is just top-k mask.
    # 2) dense mode: keep selected logits, fill the rest with -1e9
    final_logits = jnp.where(selection_mask, logits, jnp.full_like(logits, NEG_FILL))
    # 3) probabilities over the (masked) logits
    probabilities = jax.nn.softmax(final_logits, axis=-1)
    # SelectionSpec(index=None (dense), probabilities=probabilities); return the tensors.
    return (probabilities, final_logits, selection_mask)

if __name__ == "__main__":
    import jax
    _d = setup_inputs()
    print(jax.jit(kernel)(*tuple(_d.values())))

</pallas_src>

<mosaic_0001>
#map = affine_map<(d0, d1) -> (0, 0)>
module attributes {stable_mosaic.version = 14 : i64} {
  func.func @sc_kernel(%arg0: i32, %arg1: i32, %arg2: memref<16384x64xf32, #tpu.memory_space<hbm>>, %arg3: memref<16384x64xf32, #tpu.memory_space<hbm>>, %arg4: memref<16384x64xf32, #tpu.memory_space<hbm>>, %arg5: memref<2x128x64xf32, #tpu.memory_space<vmem>>, %arg6: memref<2x128x64xf32, #tpu.memory_space<vmem>>, %arg7: memref<2x128x64xf32, #tpu.memory_space<vmem>>, %arg8: memref<!tpu.dma_semaphore, #tpu.memory_space<semaphore_mem>>, %arg9: memref<!tpu.dma_semaphore, #tpu.memory_space<semaphore_mem>>, %arg10: memref<!tpu.dma_semaphore, #tpu.memory_space<semaphore_mem>>, %arg11: memref<!tpu.dma_semaphore, #tpu.memory_space<semaphore_mem>>) attributes {dimension_semantics = [#tpu.dimension_semantics<core_parallel>, #tpu.dimension_semantics<subcore_parallel>], iteration_bounds = array<i64: 2, 16>, scalar_prefetch = 0 : i64, scratch_operands = 7 : i64, tpu.core_type = #tpu.core_type<sc_vector_subcore>, window_params = [{transform_indices = #map}, {transform_indices = #map}, {transform_indices = #map}]} {
    %mul3A = arith.constant 2 : i32
    %mul3A_0 = arith.muli %arg1, %mul3A : i32
    %add3A = arith.addi %mul3A_0, %arg0 : i32
    %mul3A_1 = arith.constant 512 : i32
    %mul3A_2 = arith.muli %add3A, %mul3A_1 : i32
    %add3A_3 = arith.constant 0 : i32
    %add3A_4 = arith.addi %mul3A_2, %add3A_3 : i32
    %dma_start3A = arith.constant 0 : i32
    %dma_start3A_5 = arith.constant 0 : i32
    %dma_start3A_6 = arith.constant 0 : i32
    %dma_start3A_7 = tpu.memref_slice %arg5[%dma_start3A, %dma_start3A_5, %dma_start3A_6] : memref<2x128x64xf32, #tpu.memory_space<vmem>> -> memref<1x128x64xf32, #tpu.memory_space<vmem>>
    %dma_start3A_8 = tpu.memref_squeeze %dma_start3A_7 : memref<1x128x64xf32, #tpu.memory_space<vmem>> -> memref<128x64xf32, #tpu.memory_space<vmem>>
    %dma_start3A_9 = arith.constant 0 : i32
    %dma_start3A_10 = tpu.memref_slice %arg2[%add3A_4, %dma_start3A_9] : memref<16384x64xf32, #tpu.memory_space<hbm>> -> memref<128x64xf32, #tpu.memory_space<hbm>>
    %dma_start3A_11 = arith.constant 0 : i32
    %dma_start3A_12 = arith.constant 0 : i32
    %dma_start3A_13 = tpu.memref_slice %arg5[%dma_start3A, %dma_start3A_11, %dma_start3A_12] : memref<2x128x64xf32, #tpu.memory_space<vmem>> -> memref<1x128x64xf32, #tpu.memory_space<vmem>>
    %dma_start3A_14 = tpu.memref_squeeze %dma_start3A_13 : memref<1x128x64xf32, #tpu.memory_space<vmem>> -> memref<128x64xf32, #tpu.memory_space<vmem>>
    %dma_start3A_15 = arith.constant 0 : i32
    %dma_start3A_16 = tpu.memref_slice %arg2[%add3A_4, %dma_start3A_15] : memref<16384x64xf32, #tpu.memory_space<hbm>> -> memref<128x64xf32, #tpu.memory_space<hbm>>
    tpu.enqueue_dma source(%dma_start3A_16 : memref<128x64xf32, #tpu.memory_space<hbm>>) target(%dma_start3A_14 : memref<128x64xf32, #tpu.memory_space<vmem>>) target_semaphore(%arg8 : memref<!tpu.dma_semaphore, #tpu.memory_space<semaphore_mem>>)
    %add3A_17 = arith.constant 128 : i32
    %add3A_18 = arith.addi %mul3A_2, %add3A_17 : i32
    %dma_start3A_19 = arith.constant 1 : i32
    %dma_start3A_20 = arith.constant 0 : i32
    %dma_start3A_21 = arith.constant 0 : i32
    %dma_start3A_22 = tpu.memref_slice %arg5[%dma_start3A_19, %dma_start3A_20, %dma_start3A_21] : memref<2x128x64xf32, #tpu.memory_space<vmem>> -> memref<1x128x64xf32, #tpu.memory_space<vmem>>
    %dma_start3A_23 = tpu.memref_squeeze %dma_start3A_22 : memref<1x128x64xf32, #tpu.memory_space<vmem>> -> memref<128x64xf32, #tpu.memory_space<vmem>>
    %dma_start3A_24 = arith.constant 0 : i32
    %dma_start3A_25 = tpu.memref_slice %arg2[%add3A_18, %dma_start3A_24] : memref<16384x64xf32, #tpu.memory_space<hbm>> -> memref<128x64xf32, #tpu.memory_space<hbm>>
    %dma_start3A_26 = arith.constant 0 : i32
    %dma_start3A_27 = arith.constant 0 : i32
    %dma_start3A_28 = tpu.memref_slice %arg5[%dma_start3A_19, %dma_start3A_26, %dma_start3A_27] : memref<2x128x64xf32, #tpu.memory_space<vmem>> -> memref<1x128x64xf32, #tpu.memory_space<vmem>>
    %dma_start3A_29 = tpu.memref_squeeze %dma_start3A_28 : memref<1x128x64xf32, #tpu.memory_space<vmem>> -> memref<128x64xf32, #tpu.memory_space<vmem>>
    %dma_start3A_30 = arith.constant 0 : i32
    %dma_start3A_31 = tpu.memref_slice %arg2[%add3A_18, %dma_start3A_30] : memref<16384x64xf32, #tpu.memory_space<hbm>> -> memref<128x64xf32, #tpu.memory_space<hbm>>
    tpu.enqueue_dma source(%dma_start3A_31 : memref<128x64xf32, #tpu.memory_space<hbm>>) target(%dma_start3A_29 : memref<128x64xf32, #tpu.memory_space<vmem>>) target_semaphore(%arg9 : memref<!tpu.dma_semaphore, #tpu.memory_space<semaphore_mem>>)
    %dma_wait3A = arith.constant 0 : i32
    %dma_wait3A_32 = arith.constant 0 : i32
    %dma_wait3A_33 = arith.constant 0 : i32
    %dma_wait3A_34 = tpu.memref_slice %arg5[%dma_wait3A, %dma_wait3A_32, %dma_wait3A_33] : memref<2x128x64xf32, #tpu.memory_space<vmem>> -> memref<1x128x64xf32, #tpu.memory_space<vmem>>
    %dma_wait3A_35 = tpu.memref_squeeze %dma_wait3A_34 : memref<1x128x64xf32, #tpu.memory_space<vmem>> -> memref<128x64xf32, #tpu.memory_space<vmem>>
    %dma_wait3A_36 = arith.constant 0 : i32
    %dma_wait3A_37 = tpu.memref_slice %arg2[%add3A_4, %dma_wait3A_36] : memref<16384x64xf32, #tpu.memory_space<hbm>> -> memref<128x64xf32, #tpu.memory_space<hbm>>
    %dma_wait3A_38 = arith.constant 0 : i32
    %dma_wait3A_39 = arith.constant 0 : i32
    %dma_wait3A_40 = tpu.memref_slice %arg5[%dma_wait3A, %dma_wait3A_38, %dma_wait3A_39] : memref<2x128x64xf32, #tpu.memory_space<vmem>> -> memref<1x128x64xf32, #tpu.memory_space<vmem>>
    %dma_wait3A_41 = tpu.memref_squeeze %dma_wait3A_40 : memref<1x128x64xf32, #tpu.memory_space<vmem>> -> memref<128x64xf32, #tpu.memory_space<vmem>>
    %dma_wait3A_42 = arith.constant 0 : i32
    %dma_wait3A_43 = tpu.memref_slice %arg2[%add3A_4, %dma_wait3A_42] : memref<16384x64xf32, #tpu.memory_space<hbm>> -> memref<128x64xf32, #tpu.memory_space<hbm>>
    tpu.wait_dma2 semaphore(%arg8 : memref<!tpu.dma_semaphore, #tpu.memory_space<semaphore_mem>>) src(%dma_wait3A_43 : memref<128x64xf32, #tpu.memory_space<hbm>>) dst(%dma_wait3A_41 : memref<128x64xf32, #tpu.memory_space<vmem>>)
    %parallel_loop3A = arith.constant 0 : i32
    %parallel_loop3A_44 = arith.constant 128 : i32
    %parallel_loop3A_45 = arith.constant 1 : i32
    scf.for %parallel_loop3A_348 = %parallel_loop3A to %parallel_loop3A_44 step %parallel_loop3A_45  : i32 {
      %parallel_loop3A_349 = arith.constant 0 : i32
      %parallel_loop3A_350 = arith.index_cast %parallel_loop3A_349 : i32 to index
      %parallel_loop3A_351 = arith.index_cast %parallel_loop3A_348 : i32 to index
      %parallel_loop3A_352 = arith.constant 0 : index
      %parallel_loop3A_353 = tpu.vector_load %arg5[%parallel_loop3A_350, %parallel_loop3A_351, %parallel_loop3A_352] {strides = array<i32>} : memref<2x128x64xf32, #tpu.memory_space<vmem>>, vector<16xf32>,
      %parallel_loop3A_354 = arith.constant 0 : i32
      %parallel_loop3A_355 = arith.index_cast %parallel_loop3A_354 : i32 to index
      %parallel_loop3A_356 = arith.index_cast %parallel_loop3A_348 : i32 to index
      %parallel_loop3A_357 = arith.constant 16 : index
      %parallel_loop3A_358 = tpu.vector_load %arg5[%parallel_loop3A_355, %parallel_loop3A_356, %parallel_loop3A_357] {strides = array<i32>} : memref<2x128x64xf32, #tpu.memory_space<vmem>>, vector<16xf32>,
      %parallel_loop3A_359 = arith.constant 0 : i32
      %parallel_loop3A_360 = arith.index_cast %parallel_loop3A_359 : i32 to index
      %parallel_loop3A_361 = arith.index_cast %parallel_loop3A_348 : i32 to index
      %parallel_loop3A_362 = arith.constant 32 : index
      %parallel_loop3A_363 = tpu.vector_load %arg5[%parallel_loop3A_360, %parallel_loop3A_361, %parallel_loop3A_362] {strides = array<i32>} : memref<2x128x64xf32, #tpu.memory_space<vmem>>, vector<16xf32>,
      %parallel_loop3A_364 = arith.constant 0 : i32
      %parallel_loop3A_365 = arith.index_cast %parallel_loop3A_364 : i32 to index
      %parallel_loop3A_366 = arith.index_cast %parallel_loop3A_348 : i32 to index
      %parallel_loop3A_367 = arith.constant 48 : index
      %parallel_loop3A_368 = tpu.vector_load %arg5[%parallel_loop3A_365, %parallel_loop3A_366, %parallel_loop3A_367] {strides = array<i32>} : memref<2x128x64xf32, #tpu.memory_space<vmem>>, vector<16xf32>,
      %parallel_loop3A_369 = arith.constant dense<true> : vector<16xi1>
      %parallel_loop3A_370, %parallel_loop3A_371, %parallel_loop3A_372 = tpu.sort %parallel_loop3A_353, %parallel_loop3A_353 masked %parallel_loop3A_369 {descending = true} : (vector<16xf32>, vector<16xf32>, vector<16xi1>) -> (vector<16xi1>, vector<16xf32>, vector<16xf32>)
      %parallel_loop3A_373 = arith.constant dense<true> : vector<16xi1>
      %parallel_loop3A_374, %parallel_loop3A_375, %parallel_loop3A_376 = tpu.sort %parallel_loop3A_358, %parallel_loop3A_358 masked %parallel_loop3A_373 {descending = true} : (vector<16xf32>, vector<16xf32>, vector<16xi1>) -> (vector<16xi1>, vector<16xf32>, vector<16xf32>)
      %parallel_loop3A_377 = arith.constant dense<true> : vector<16xi1>
      %parallel_loop3A_378, %parallel_loop3A_379, %parallel_loop3A_380 = tpu.sort %parallel_loop3A_363, %parallel_loop3A_363 masked %parallel_loop3A_377 {descending = true} : (vector<16xf32>, vector<16xf32>, vector<16xi1>) -> (vector<16xi1>, vector<16xf32>, vector<16xf32>)
      %parallel_loop3A_381 = arith.constant dense<true> : vector<16xi1>
      %parallel_loop3A_382, %parallel_loop3A_383, %parallel_loop3A_384 = tpu.sort %parallel_loop3A_368, %parallel_loop3A_368 masked %parallel_loop3A_381 {descending = true} : (vector<16xf32>, vector<16xf32>, vector<16xi1>) -> (vector<16xi1>, vector<16xf32>, vector<16xf32>)
      %parallel_loop3A_385 = arith.constant 15 : i32
      %parallel_loop3A_386 = vector.broadcast %parallel_loop3A_385 : i32 to vector<16xi32>
      %parallel_loop3A_387 = tpu.iota {dimensions = array<i32: 0>} : vector<16xi32>
      %parallel_loop3A_388 = arith.subi %parallel_loop3A_386, %parallel_loop3A_387 : vector<16xi32>
      %parallel_loop3A_389 = tpu.dynamic_gather %parallel_loop3A_375[%parallel_loop3A_388] in [0] : vector<16xf32>, vector<16xi32> -> vector<16xf32>
      %parallel_loop3A_390 = arith.maximumf %parallel_loop3A_371, %parallel_loop3A_389 : vector<16xf32>
      %parallel_loop3A_391 = arith.constant dense<true> : vector<16xi1>
      %parallel_loop3A_392, %parallel_loop3A_393, %parallel_loop3A_394 = tpu.sort %parallel_loop3A_390, %parallel_loop3A_390 masked %parallel_loop3A_391 {descending = true} : (vector<16xf32>, vector<16xf32>, vector<16xi1>) -> (vector<16xi1>, vector<16xf32>, vector<16xf32>)
      %parallel_loop3A_395 = arith.constant 15 : i32
      %parallel_loop3A_396 = vector.broadcast %parallel_loop3A_395 : i32 to vector<16xi32>
      %parallel_loop3A_397 = tpu.iota {dimensions = array<i32: 0>} : vector<16xi32>
      %parallel_loop3A_398 = arith.subi %parallel_loop3A_396, %parallel_loop3A_397 : vector<16xi32>
      %parallel_loop3A_399 = tpu.dynamic_gather %parallel_loop3A_383[%parallel_loop3A_398] in [0] : vector<16xf32>, vector<16xi32> -> vector<16xf32>
      %parallel_loop3A_400 = arith.maximumf %parallel_loop3A_379, %parallel_loop3A_399 : vector<16xf32>
      %parallel_loop3A_401 = arith.constant dense<true> : vector<16xi1>
      %parallel_loop3A_402, %parallel_loop3A_403, %parallel_loop3A_404 = tpu.sort %parallel_loop3A_400, %parallel_loop3A_400 masked %parallel_loop3A_401 {descending = true} : (vector<16xf32>, vector<16xf32>, vector<16xi1>) -> (vector<16xi1>, vector<16xf32>, vector<16xf32>)
      %parallel_loop3A_405 = arith.constant 15 : i32
      %parallel_loop3A_406 = vector.broadcast %parallel_loop3A_405 : i32 to vector<16xi32>
      %parallel_loop3A_407 = tpu.iota {dimensions = array<i32: 0>} : vector<16xi32>
      %parallel_loop3A_408 = arith.subi %parallel_loop3A_406, %parallel_loop3A_407 : vector<16xi32>
      %parallel_loop3A_409 = tpu.dynamic_gather %parallel_loop3A_403[%parallel_loop3A_408] in [0] : vector<16xf32>, vector<16xi32> -> vector<16xf32>
      %parallel_loop3A_410 = arith.maximumf %parallel_loop3A_393, %parallel_loop3A_409 : vector<16xf32>
      %parallel_loop3A_411 = arith.constant dense<true> : vector<16xi1>
      %parallel_loop3A_412, %parallel_loop3A_413, %parallel_loop3A_414 = tpu.sort %parallel_loop3A_410, %parallel_loop3A_410 masked %parallel_loop3A_411 {descending = true} : (vector<16xf32>, vector<16xf32>, vector<16xi1>) -> (vector<16xi1>, vector<16xf32>, vector<16xf32>)
      %parallel_loop3A_415 = vector.extract_strided_slice %parallel_loop3A_413 {offsets = [7], sizes = [1], strides = [1]} : vector<16xf32> to vector<1xf32>
      %parallel_loop3A_416 = vector.extract %parallel_loop3A_415[0] : f32 from vector<1xf32>
      %parallel_loop3A_417 = vector.extract_strided_slice %parallel_loop3A_413 {offsets = [0], sizes = [1], strides = [1]} : vector<16xf32> to vector<1xf32>
      %parallel_loop3A_418 = vector.extract %parallel_loop3A_417[0] : f32 from vector<1xf32>
      %parallel_loop3A_419 = vector.broadcast %parallel_loop3A_416 : f32 to vector<16xf32>
      %parallel_loop3A_420 = arith.cmpf ogt, %parallel_loop3A_353, %parallel_loop3A_419 : vector<16xf32>
      %parallel_loop3A_421 = vector.broadcast %parallel_loop3A_416 : f32 to vector<16xf32>
      %parallel_loop3A_422 = arith.cmpf ogt, %parallel_loop3A_358, %parallel_loop3A_421 : vector<16xf32>
      %parallel_loop3A_423 = vector.broadcast %parallel_loop3A_416 : f32 to vector<16xf32>
      %parallel_loop3A_424 = arith.cmpf ogt, %parallel_loop3A_363, %parallel_loop3A_423 : vector<16xf32>
      %parallel_loop3A_425 = vector.broadcast %parallel_loop3A_416 : f32 to vector<16xf32>
      %parallel_loop3A_426 = arith.cmpf ogt, %parallel_loop3A_368, %parallel_loop3A_425 : vector<16xf32>
      %parallel_loop3A_427 = vector.broadcast %parallel_loop3A_416 : f32 to vector<16xf32>
      %parallel_loop3A_428 = arith.cmpf oeq, %parallel_loop3A_353, %parallel_loop3A_427 : vector<16xf32>
      %parallel_loop3A_429 = vector.broadcast %parallel_loop3A_416 : f32 to vector<16xf32>
      %parallel_loop3A_430 = arith.cmpf oeq, %parallel_loop3A_358, %parallel_loop3A_429 : vector<16xf32>
      %parallel_loop3A_431 = vector.broadcast %parallel_loop3A_416 : f32 to vector<16xf32>
      %parallel_loop3A_432 = arith.cmpf oeq, %parallel_loop3A_363, %parallel_loop3A_431 : vector<16xf32>
      %parallel_loop3A_433 = vector.broadcast %parallel_loop3A_416 : f32 to vector<16xf32>
      %parallel_loop3A_434 = arith.cmpf oeq, %parallel_loop3A_368, %parallel_loop3A_433 : vector<16xf32>
      %parallel_loop3A_435 = vector.broadcast %parallel_loop3A_416 : f32 to vector<16xf32>
      %parallel_loop3A_436 = arith.cmpf ogt, %parallel_loop3A_413, %parallel_loop3A_435 : vector<16xf32>
      %parallel_loop3A_437 = tpu.all_reduce %parallel_loop3A_436 {dim = 0 : i64, kind = #tpu.reduction_kind<sum>} : vector<16xi1> -> vector<16xi32>
      %parallel_loop3A_438 = arith.constant 8 : i32
      %parallel_loop3A_439 = vector.broadcast %parallel_loop3A_438 : i32 to vector<16xi32>
      %parallel_loop3A_440 = arith.subi %parallel_loop3A_439, %parallel_loop3A_437 : vector<16xi32>
      %parallel_loop3A_441 = arith.constant 0 : i32
      %parallel_loop3A_442 = vector.broadcast %parallel_loop3A_441 : i32 to vector<16xi32>
      %parallel_loop3A_443 = arith.extui %parallel_loop3A_428 : vector<16xi1> to vector<16xi32>
      %parallel_loop3A_444 = arith.constant true
      %parallel_loop3A_445 = vector.broadcast %parallel_loop3A_444 : i1 to vector<16xi1>
      %parallel_loop3A_446 = tpu.scan <sum>, %parallel_loop3A_443 masked %parallel_loop3A_445 : vector<16xi32>, vector<16xi1> -> vector<16xi32>
      %parallel_loop3A_447 = arith.subi %parallel_loop3A_446, %parallel_loop3A_443 : vector<16xi32>
      %parallel_loop3A_448 = arith.addi %parallel_loop3A_447, %parallel_loop3A_442 : vector<16xi32>
      %parallel_loop3A_449 = tpu.all_reduce %parallel_loop3A_428 {dim = 0 : i64, kind = #tpu.reduction_kind<sum>} : vector<16xi1> -> vector<16xi32>
      %parallel_loop3A_450 = arith.addi %parallel_loop3A_442, %parallel_loop3A_449 : vector<16xi32>
      %parallel_loop3A_451 = arith.cmpi slt, %parallel_loop3A_448, %parallel_loop3A_440 : vector<16xi32>
      %parallel_loop3A_452 = arith.andi %parallel_loop3A_428, %parallel_loop3A_451 : vector<16xi1>
      %parallel_loop3A_453 = arith.ori %parallel_loop3A_420, %parallel_loop3A_452 : vector<16xi1>
      %parallel_loop3A_454 = arith.extui %parallel_loop3A_430 : vector<16xi1> to vector<16xi32>
      %parallel_loop3A_455 = arith.constant true
      %parallel_loop3A_456 = vector.broadcast %parallel_loop3A_455 : i1 to vector<16xi1>
      %parallel_loop3A_457 = tpu.scan <sum>, %parallel_loop3A_454 masked %parallel_loop3A_456 : vector<16xi32>, vector<16xi1> -> vector<16xi32>
      %parallel_loop3A_458 = arith.subi %parallel_loop3A_457, %parallel_loop3A_454 : vector<16xi32>
      %parallel_loop3A_459 = arith.addi %parallel_loop3A_458, %parallel_loop3A_450 : vector<16xi32>
      %parallel_loop3A_460 = tpu.all_reduce %parallel_loop3A_430 {dim = 0 : i64, kind = #tpu.reduction_kind<sum>} : vector<16xi1> -> vector<16xi32>
      %parallel_loop3A_461 = arith.addi %parallel_loop3A_450, %parallel_loop3A_460 : vector<16xi32>
      %parallel_loop3A_462 = arith.cmpi slt, %parallel_loop3A_459, %parallel_loop3A_440 : vector<16xi32>
      %parallel_loop3A_463 = arith.andi %parallel_loop3A_430, %parallel_loop3A_462 : vector<16xi1>
      %parallel_loop3A_464 = arith.ori %parallel_loop3A_422, %parallel_loop3A_463 : vector<16xi1>
      %parallel_loop3A_465 = arith.extui %parallel_loop3A_432 : vector<16xi1> to vector<16xi32>
      %parallel_loop3A_466 = arith.constant true
      %parallel_loop3A_467 = vector.broadcast %parallel_loop3A_466 : i1 to vector<16xi1>
      %parallel_loop3A_468 = tpu.scan <sum>, %parallel_loop3A_465 masked %parallel_loop3A_467 : vector<16xi32>, vector<16xi1> -> vector<16xi32>
      %parallel_loop3A_469 = arith.subi %parallel_loop3A_468, %parallel_loop3A_465 : vector<16xi32>
      %parallel_loop3A_470 = arith.addi %parallel_loop3A_469, %parallel_loop3A_461 : vector<16xi32>
      %parallel_loop3A_471 = tpu.all_reduce %parallel_loop3A_432 {dim = 0 : i64, kind = #tpu.reduction_kind<sum>} : vector<16xi1> -> vector<16xi32>
      %parallel_loop3A_472 = arith.addi %parallel_loop3A_461, %parallel_loop3A_471 : vector<16xi32>
      %parallel_loop3A_473 = arith.cmpi slt, %parallel_loop3A_470, %parallel_loop3A_440 : vector<16xi32>
      %parallel_loop3A_474 = arith.andi %parallel_loop3A_432, %parallel_loop3A_473 : vector<16xi1>
      %parallel_loop3A_475 = arith.ori %parallel_loop3A_424, %parallel_loop3A_474 : vector<16xi1>
      %parallel_loop3A_476 = arith.extui %parallel_loop3A_434 : vector<16xi1> to vector<16xi32>
      %parallel_loop3A_477 = arith.constant true
      %parallel_loop3A_478 = vector.broadcast %parallel_loop3A_477 : i1 to vector<16xi1>
      %parallel_loop3A_479 = tpu.scan <sum>, %parallel_loop3A_476 masked %parallel_loop3A_478 : vector<16xi32>, vector<16xi1> -> vector<16xi32>
      %parallel_loop3A_480 = arith.subi %parallel_loop3A_479, %parallel_loop3A_476 : vector<16xi32>
      %parallel_loop3A_481 = arith.addi %parallel_loop3A_480, %parallel_loop3A_472 : vector<16xi32>
      %parallel_loop3A_482 = tpu.all_reduce %parallel_loop3A_434 {dim = 0 : i64, kind = #tpu.reduction_kind<sum>} : vector<16xi1> -> vector<16xi32>
      %parallel_loop3A_483 = arith.addi %parallel_loop3A_472, %parallel_loop3A_482 : vector<16xi32>
      %parallel_loop3A_484 = arith.cmpi slt, %parallel_loop3A_481, %parallel_loop3A_440 : vector<16xi32>
      %parallel_loop3A_485 = arith.andi %parallel_loop3A_434, %parallel_loop3A_484 : vector<16xi1>
      %parallel_loop3A_486 = arith.ori %parallel_loop3A_426, %parallel_loop3A_485 : vector<16xi1>
      %parallel_loop3A_487 = arith.constant -1.000000e+09 : f32
      %parallel_loop3A_488 = vector.broadcast %parallel_loop3A_487 : f32 to vector<16xf32>
      %parallel_loop3A_489 = arith.select %parallel_loop3A_453, %parallel_loop3A_353, %parallel_loop3A_488 : vector<16xi1>, vector<16xf32>
      %parallel_loop3A_490 = arith.constant -1.000000e+09 : f32
      %parallel_loop3A_491 = vector.broadcast %parallel_loop3A_490 : f32 to vector<16xf32>
      %parallel_loop3A_492 = arith.select %parallel_loop3A_464, %parallel_loop3A_358, %parallel_loop3A_491 : vector<16xi1>, vector<16xf32>
      %parallel_loop3A_493 = arith.constant -1.000000e+09 : f32
      %parallel_loop3A_494 = vector.broadcast %parallel_loop3A_493 : f32 to vector<16xf32>
      %parallel_loop3A_495 = arith.select %parallel_loop3A_475, %parallel_loop3A_363, %parallel_loop3A_494 : vector<16xi1>, vector<16xf32>
      %parallel_loop3A_496 = arith.constant -1.000000e+09 : f32
      %parallel_loop3A_497 = vector.broadcast %parallel_loop3A_496 : f32 to vector<16xf32>
      %parallel_loop3A_498 = arith.select %parallel_loop3A_486, %parallel_loop3A_368, %parallel_loop3A_497 : vector<16xi1>, vector<16xf32>
      %parallel_loop3A_499 = vector.broadcast %parallel_loop3A_418 : f32 to vector<16xf32>
      %parallel_loop3A_500 = arith.subf %parallel_loop3A_353, %parallel_loop3A_499 : vector<16xf32>
      %parallel_loop3A_501 = math.exp %parallel_loop3A_500 : vector<16xf32>
      %parallel_loop3A_502 = arith.constant 0.000000e+00 : f32
      %parallel_loop3A_503 = vector.broadcast %parallel_loop3A_502 : f32 to vector<16xf32>
      %parallel_loop3A_504 = arith.select %parallel_loop3A_453, %parallel_loop3A_501, %parallel_loop3A_503 : vector<16xi1>, vector<16xf32>
      %parallel_loop3A_505 = vector.broadcast %parallel_loop3A_418 : f32 to vector<16xf32>
      %parallel_loop3A_506 = arith.subf %parallel_loop3A_358, %parallel_loop3A_505 : vector<16xf32>
      %parallel_loop3A_507 = math.exp %parallel_loop3A_506 : vector<16xf32>
      %parallel_loop3A_508 = arith.constant 0.000000e+00 : f32
      %parallel_loop3A_509 = vector.broadcast %parallel_loop3A_508 : f32 to vector<16xf32>
      %parallel_loop3A_510 = arith.select %parallel_loop3A_464, %parallel_loop3A_507, %parallel_loop3A_509 : vector<16xi1>, vector<16xf32>
      %parallel_loop3A_511 = vector.broadcast %parallel_loop3A_418 : f32 to vector<16xf32>
      %parallel_loop3A_512 = arith.subf %parallel_loop3A_363, %parallel_loop3A_511 : vector<16xf32>
      %parallel_loop3A_513 = math.exp %parallel_loop3A_512 : vector<16xf32>
      %parallel_loop3A_514 = arith.constant 0.000000e+00 : f32
      %parallel_loop3A_515 = vector.broadcast %parallel_loop3A_514 : f32 to vector<16xf32>
      %parallel_loop3A_516 = arith.select %parallel_loop3A_475, %parallel_loop3A_513, %parallel_loop3A_515 : vector<16xi1>, vector<16xf32>
      %parallel_loop3A_517 = vector.broadcast %parallel_loop3A_418 : f32 to vector<16xf32>
      %parallel_loop3A_518 = arith.subf %parallel_loop3A_368, %parallel_loop3A_517 : vector<16xf32>
      %parallel_loop3A_519 = math.exp %parallel_loop3A_518 : vector<16xf32>
      %parallel_loop3A_520 = arith.constant 0.000000e+00 : f32
      %parallel_loop3A_521 = vector.broadcast %parallel_loop3A_520 : f32 to vector<16xf32>
      %parallel_loop3A_522 = arith.select %parallel_loop3A_486, %parallel_loop3A_519, %parallel_loop3A_521 : vector<16xi1>, vector<16xf32>
      %parallel_loop3A_523 = arith.addf %parallel_loop3A_504, %parallel_loop3A_510 : vector<16xf32>
      %parallel_loop3A_524 = arith.addf %parallel_loop3A_516, %parallel_loop3A_522 : vector<16xf32>
      %parallel_loop3A_525 = arith.addf %parallel_loop3A_523, %parallel_loop3A_524 : vector<16xf32>
      %parallel_loop3A_526 = arith.constant true
      %parallel_loop3A_527 = vector.broadcast %parallel_loop3A_526 : i1 to vector<16xi1>
      %parallel_loop3A_528 = tpu.scan <sum>, %parallel_loop3A_525 masked %parallel_loop3A_527 : vector<16xf32>, vector<16xi1> -> vector<16xf32>
      %parallel_loop3A_529 = vector.extract %parallel_loop3A_528[15] : f32 from vector<16xf32>
      %parallel_loop3A_530 = arith.constant 1.000000e+00 : f32
      %parallel_loop3A_531 = vector.broadcast %parallel_loop3A_530 : f32 to vector<16xf32>
      %parallel_loop3A_532 = vector.broadcast %parallel_loop3A_529 : f32 to vector<16xf32>
      %parallel_loop3A_533 = arith.divf %parallel_loop3A_531, %parallel_loop3A_532 : vector<16xf32>
      %parallel_loop3A_534 = arith.mulf %parallel_loop3A_504, %parallel_loop3A_533 : vector<16xf32>
      %parallel_loop3A_535 = arith.mulf %parallel_loop3A_510, %parallel_loop3A_533 : vector<16xf32>
      %parallel_loop3A_536 = arith.mulf %parallel_loop3A_516, %parallel_loop3A_533 : vector<16xf32>
      %parallel_loop3A_537 = arith.mulf %parallel_loop3A_522, %parallel_loop3A_533 : vector<16xf32>
      %parallel_loop3A_538 = arith.constant 0 : i32
      %parallel_loop3A_539 = arith.index_cast %parallel_loop3A_538 : i32 to index
      %parallel_loop3A_540 = arith.index_cast %parallel_loop3A_348 : i32 to index
      %parallel_loop3A_541 = arith.constant 0 : index
      %parallel_loop3A_542 = tpu.vector_load %arg6[%parallel_loop3A_539, %parallel_loop3A_540, %parallel_loop3A_541] {strides = array<i32>} : memref<2x128x64xf32, #tpu.memory_space<vmem>>, vector<16xf32>,
      tpu.vector_store %arg6[%parallel_loop3A_539, %parallel_loop3A_540, %parallel_loop3A_541], %parallel_loop3A_534 {strides = array<i32>} : memref<2x128x64xf32, #tpu.memory_space<vmem>>, vector<16xf32>,
      %parallel_loop3A_543 = arith.constant 0 : i32
      %parallel_loop3A_544 = arith.index_cast %parallel_loop3A_543 : i32 to index
      %parallel_loop3A_545 = arith.index_cast %parallel_loop3A_348 : i32 to index
      %parallel_loop3A_546 = arith.constant 0 : index
      %parallel_loop3A_547 = tpu.vector_load %arg7[%parallel_loop3A_544, %parallel_loop3A_545, %parallel_loop3A_546] {strides = array<i32>} : memref<2x128x64xf32, #tpu.memory_space<vmem>>, vector<16xf32>,
      tpu.vector_store %arg7[%parallel_loop3A_544, %parallel_loop3A_545, %parallel_loop3A_546], %parallel_loop3A_489 {strides = array<i32>} : memref<2x128x64xf32, #tpu.memory_space<vmem>>, vector<16xf32>,
      %parallel_loop3A_548 = arith.constant 0 : i32
      %parallel_loop3A_549 = arith.index_cast %parallel_loop3A_548 : i32 to index
      %parallel_loop3A_550 = arith.index_cast %parallel_loop3A_348 : i32 to index
      %parallel_loop3A_551 = arith.constant 16 : index
      %parallel_loop3A_552 = tpu.vector_load %arg6[%parallel_loop3A_549, %parallel_loop3A_550, %parallel_loop3A_551] {strides = array<i32>} : memref<2x128x64xf32, #tpu.memory_space<vmem>>, vector<16xf32>,
      tpu.vector_store %arg6[%parallel_loop3A_549, %parallel_loop3A_550, %parallel_loop3A_551], %parallel_loop3A_535 {strides = array<i32>} : memref<2x128x64xf32, #tpu.memory_space<vmem>>, vector<16xf32>,
      %parallel_loop3A_553 = arith.constant 0 : i32
      %parallel_loop3A_554 = arith.index_cast %parallel_loop3A_553 : i32 to index
      %parallel_loop3A_555 = arith.index_cast %parallel_loop3A_348 : i32 to index
      %parallel_loop3A_556 = arith.constant 16 : index
      %parallel_loop3A_557 = tpu.vector_load %arg7[%parallel_loop3A_554, %parallel_loop3A_555, %parallel_loop3A_556] {strides = array<i32>} : memref<2x128x64xf32, #tpu.memory_space<vmem>>, vector<16xf32>,
      tpu.vector_store %arg7[%parallel_loop3A_554, %parallel_loop3A_555, %parallel_loop3A_556], %parallel_loop3A_492 {strides = array<i32>} : memref<2x128x64xf32, #tpu.memory_space<vmem>>, vector<16xf32>,
      %parallel_loop3A_558 = arith.constant 0 : i32
      %parallel_loop3A_559 = arith.index_cast %parallel_loop3A_558 : i32 to index
      %parallel_loop3A_560 = arith.index_cast %parallel_loop3A_348 : i32 to index
      %parallel_loop3A_561 = arith.constant 32 : index
      %parallel_loop3A_562 = tpu.vector_load %arg6[%parallel_loop3A_559, %parallel_loop3A_560, %parallel_loop3A_561] {strides = array<i32>} : memref<2x128x64xf32, #tpu.memory_space<vmem>>, vector<16xf32>,
      tpu.vector_store %arg6[%parallel_loop3A_559, %parallel_loop3A_560, %parallel_loop3A_561], %parallel_loop3A_536 {strides = array<i32>} : memref<2x128x64xf32, #tpu.memory_space<vmem>>, vector<16xf32>,
      %parallel_loop3A_563 = arith.constant 0 : i32
      %parallel_loop3A_564 = arith.index_cast %parallel_loop3A_563 : i32 to index
      %parallel_loop3A_565 = arith.index_cast %parallel_loop3A_348 : i32 to index
      %parallel_loop3A_566 = arith.constant 32 : index
      %parallel_loop3A_567 = tpu.vector_load %arg7[%parallel_loop3A_564, %parallel_loop3A_565, %parallel_loop3A_566] {strides = array<i32>} : memref<2x128x64xf32, #tpu.memory_space<vmem>>, vector<16xf32>,
      tpu.vector_store %arg7[%parallel_loop3A_564, %parallel_loop3A_565, %parallel_loop3A_566], %parallel_loop3A_495 {strides = array<i32>} : memref<2x128x64xf32, #tpu.memory_space<vmem>>, vector<16xf32>,
      %parallel_loop3A_568 = arith.constant 0 : i32
      %parallel_loop3A_569 = arith.index_cast %parallel_loop3A_568 : i32 to index
      %parallel_loop3A_570 = arith.index_cast %parallel_loop3A_348 : i32 to index
      %parallel_loop3A_571 = arith.constant 48 : index
      %parallel_loop3A_572 = tpu.vector_load %arg6[%parallel_loop3A_569, %parallel_loop3A_570, %parallel_loop3A_571] {strides = array<i32>} : memref<2x128x64xf32, #tpu.memory_space<vmem>>, vector<16xf32>,
      tpu.vector_store %arg6[%parallel_loop3A_569, %parallel_loop3A_570, %parallel_loop3A_571], %parallel_loop3A_537 {strides = array<i32>} : memref<2x128x64xf32, #tpu.memory_space<vmem>>, vector<16xf32>,
      %parallel_loop3A_573 = arith.constant 0 : i32
      %parallel_loop3A_574 = arith.index_cast %parallel_loop3A_573 : i32 to index
      %parallel_loop3A_575 = arith.index_cast %parallel_loop3A_348 : i32 to index
      %parallel_loop3A_576 = arith.constant 48 : index
      %parallel_loop3A_577 = tpu.vector_load %arg7[%parallel_loop3A_574, %parallel_loop3A_575, %parallel_loop3A_576] {strides = array<i32>} : memref<2x128x64xf32, #tpu.memory_space<vmem>>, vector<16xf32>,
      tpu.vector_store %arg7[%parallel_loop3A_574, %parallel_loop3A_575, %parallel_loop3A_576], %parallel_loop3A_498 {strides = array<i32>} : memref<2x128x64xf32, #tpu.memory_space<vmem>>, vector<16xf32>,
    } {sc.loop_unroll_factor = 1 : i64, sc.parallel_access}
    %add3A_46 = arith.constant 0 : i32
    %add3A_47 = arith.addi %mul3A_2, %add3A_46 : i32
    %dma_start3A_48 = arith.constant 0 : i32
    %dma_start3A_49 = arith.constant 0 : i32
    %dma_start3A_50 = arith.constant 0 : i32
    %dma_start3A_51 = tpu.memref_slice %arg6[%dma_start3A_48, %dma_start3A_49, %dma_start3A_50] : memref<2x128x64xf32, #tpu.memory_space<vmem>> -> memref<1x128x64xf32, #tpu.memory_space<vmem>>
    %dma_start3A_52 = tpu.memref_squeeze %dma_start3A_51 : memref<1x128x64xf32, #tpu.memory_space<vmem>> -> memref<128x64xf32, #tpu.memory_space<vmem>>
    %dma_start3A_53 = arith.constant 0 : i32
    %dma_start3A_54 = tpu.memref_slice %arg3[%add3A_47, %dma_start3A_53] : memref<16384x64xf32, #tpu.memory_space<hbm>> -> memref<128x64xf32, #tpu.memory_space<hbm>>
    %dma_start3A_55 = arith.constant 0 : i32
    %dma_start3A_56 = tpu.memref_slice %arg3[%add3A_47, %dma_start3A_55] : memref<16384x64xf32, #tpu.memory_space<hbm>> -> memref<128x64xf32, #tpu.memory_space<hbm>>
    %dma_start3A_57 = arith.constant 0 : i32
    %dma_start3A_58 = arith.constant 0 : i32
    %dma_start3A_59 = tpu.memref_slice %arg6[%dma_start3A_48, %dma_start3A_57, %dma_start3A_58] : memref<2x128x64xf32, #tpu.memory_space<vmem>> -> memref<1x128x64xf32, #tpu.memory_space<vmem>>
    %dma_start3A_60 = tpu.memref_squeeze %dma_start3A_59 : memref<1x128x64xf32, #tpu.memory_space<vmem>> -> memref<128x64xf32, #tpu.memory_space<vmem>>
    tpu.enqueue_dma source(%dma_start3A_60 : memref<128x64xf32, #tpu.memory_space<vmem>>) target(%dma_start3A_56 : memref<128x64xf32, #tpu.memory_space<hbm>>) target_semaphore(%arg10 : memref<!tpu.dma_semaphore, #tpu.memory_space<semaphore_mem>>)
    %add3A_61 = arith.constant 0 : i32
    %add3A_62 = arith.addi %mul3A_2, %add3A_61 : i32
    %dma_start3A_63 = arith.constant 0 : i32
    %dma_start3A_64 = arith.constant 0 : i32
    %dma_start3A_65 = arith.constant 0 : i32
    %dma_start3A_66 = tpu.memref_slice %arg7[%dma_start3A_63, %dma_start3A_64, %dma_start3A_65] : memref<2x128x64xf32, #tpu.memory_space<vmem>> -> memref<1x128x64xf32, #tpu.memory_space<vmem>>
    %dma_start3A_67 = tpu.memref_squeeze %dma_start3A_66 : memref<1x128x64xf32, #tpu.memory_space<vmem>> -> memref<128x64xf32, #tpu.memory_space<vmem>>
    %dma_start3A_68 = arith.constant 0 : i32
    %dma_start3A_69 = tpu.memref_slice %arg4[%add3A_62, %dma_start3A_68] : memref<16384x64xf32, #tpu.memory_space<hbm>> -> memref<128x64xf32, #tpu.memory_space<hbm>>
    %dma_start3A_70 = arith.constant 0 : i32
    %dma_start3A_71 = tpu.memref_slice %arg4[%add3A_62, %dma_start3A_70] : memref<16384x64xf32, #tpu.memory_space<hbm>> -> memref<128x64xf32, #tpu.memory_space<hbm>>
    %dma_start3A_72 = arith.constant 0 : i32
    %dma_start3A_73 = arith.constant 0 : i32
    %dma_start3A_74 = tpu.memref_slice %arg7[%dma_start3A_63, %dma_start3A_72, %dma_start3A_73] : memref<2x128x64xf32, #tpu.memory_space<vmem>> -> memref<1x128x64xf32, #tpu.memory_space<vmem>>
    %dma_start3A_75 = tpu.memref_squeeze %dma_start3A_74 : memref<1x128x64xf32, #tpu.memory_space<vmem>> -> memref<128x64xf32, #tpu.memory_space<vmem>>
    tpu.enqueue_dma source(%dma_start3A_75 : memref<128x64xf32, #tpu.memory_space<vmem>>) target(%dma_start3A_71 : memref<128x64xf32, #tpu.memory_space<hbm>>) target_semaphore(%arg10 : memref<!tpu.dma_semaphore, #tpu.memory_space<semaphore_mem>>)
    %add3A_76 = arith.constant 256 : i32
    %add3A_77 = arith.addi %mul3A_2, %add3A_76 : i32
    %dma_start3A_78 = arith.constant 0 : i32
    %dma_start3A_79 = arith.constant 0 : i32
    %dma_start3A_80 = arith.constant 0 : i32
    %dma_start3A_81 = tpu.memref_slice %arg5[%dma_start3A_78, %dma_start3A_79, %dma_start3A_80] : memref<2x128x64xf32, #tpu.memory_space<vmem>> -> memref<1x128x64xf32, #tpu.memory_space<vmem>>
    %dma_start3A_82 = tpu.memref_squeeze %dma_start3A_81 : memref<1x128x64xf32, #tpu.memory_space<vmem>> -> memref<128x64xf32, #tpu.memory_space<vmem>>
    %dma_start3A_83 = arith.constant 0 : i32
    %dma_start3A_84 = tpu.memref_slice %arg2[%add3A_77, %dma_start3A_83] : memref<16384x64xf32, #tpu.memory_space<hbm>> -> memref<128x64xf32, #tpu.memory_space<hbm>>
    %dma_start3A_85 = arith.constant 0 : i32
    %dma_start3A_86 = arith.constant 0 : i32
    %dma_start3A_87 = tpu.memref_slice %arg5[%dma_start3A_78, %dma_start3A_85, %dma_start3A_86] : memref<2x128x64xf32, #tpu.memory_space<vmem>> -> memref<1x128x64xf32, #tpu.memory_space<vmem>>
    %dma_start3A_88 = tpu.memref_squeeze %dma_start3A_87 : memref<1x128x64xf32, #tpu.memory_space<vmem>> -> memref<128x64xf32, #tpu.memory_space<vmem>>
    %dma_start3A_89 = arith.constant 0 : i32
    %dma_start3A_90 = tpu.memref_slice %arg2[%add3A_77, %dma_start3A_89] : memref<16384x64xf32, #tpu.memory_space<hbm>> -> memref<128x64xf32, #tpu.memory_space<hbm>>
    tpu.enqueue_dma source(%dma_start3A_90 : memref<128x64xf32, #tpu.memory_space<hbm>>) target(%dma_start3A_88 : memref<128x64xf32, #tpu.memory_space<vmem>>) target_semaphore(%arg8 : memref<!tpu.dma_semaphore, #tpu.memory_space<semaphore_mem>>)
    %dma_wait3A_91 = arith.constant 1 : i32
    %dma_wait3A_92 = arith.constant 0 : i32
    %dma_wait3A_93 = arith.constant 0 : i32
    %dma_wait3A_94 = tpu.memref_slice %arg5[%dma_wait3A_91, %dma_wait3A_92, %dma_wait3A_93] : memref<2x128x64xf32, #tpu.memory_space<vmem>> -> memref<1x128x64xf32, #tpu.memory_space<vmem>>
    %dma_wait3A_95 = tpu.memref_squeeze %dma_wait3A_94 : memref<1x128x64xf32, #tpu.memory_space<vmem>> -> memref<128x64xf32, #tpu.memory_space<vmem>>
    %dma_wait3A_96 = arith.constant 0 : i32
    %dma_wait3A_97 = tpu.memref_slice %arg2[%add3A_18, %dma_wait3A_96] : memref<16384x64xf32, #tpu.memory_space<hbm>> -> memref<128x64xf32, #tpu.memory_space<hbm>>
    %dma_wait3A_98 = arith.constant 0 : i32
    %dma_wait3A_99 = arith.constant 0 : i32
    %dma_wait3A_100 = tpu.memref_slice %arg5[%dma_wait3A_91, %dma_wait3A_98, %dma_wait3A_99] : memref<2x128x64xf32, #tpu.memory_space<vmem>> -> memref<1x128x64xf32, #tpu.memory_space<vmem>>
    %dma_wait3A_101 = tpu.memref_squeeze %dma_wait3A_100 : memref<1x128x64xf32, #tpu.memory_space<vmem>> -> memref<128x64xf32, #tpu.memory_space<vmem>>
    %dma_wait3A_102 = arith.constant 0 : i32
    %dma_wait3A_103 = tpu.memref_slice %arg2[%add3A_18, %dma_wait3A_102] : memref<16384x64xf32, #tpu.memory_space<hbm>> -> memref<128x64xf32, #tpu.memory_space<hbm>>
    tpu.wait_dma2 semaphore(%arg9 : memref<!tpu.dma_semaphore, #tpu.memory_space<semaphore_mem>>) src(%dma_wait3A_103 : memref<128x64xf32, #tpu.memory_space<hbm>>) dst(%dma_wait3A_101 : memref<128x64xf32, #tpu.memory_space<vmem>>)
    %parallel_loop3A_104 = arith.constant 0 : i32
    %parallel_loop3A_105 = arith.constant 128 : i32
    %parallel_loop3A_106 = arith.constant 1 : i32
    scf.for %parallel_loop3A_348 = %parallel_loop3A_104 to %parallel_loop3A_105 step %parallel_loop3A_106  : i32 {
      %parallel_loop3A_349 = arith.constant 1 : i32
      %parallel_loop3A_350 = arith.index_cast %parallel_loop3A_349 : i32 to index
      %parallel_loop3A_351 = arith.index_cast %parallel_loop3A_348 : i32 to index
      %parallel_loop3A_352 = arith.constant 0 : index
      %parallel_loop3A_353 = tpu.vector_load %arg5[%parallel_loop3A_350, %parallel_loop3A_351, %parallel_loop3A_352] {strides = array<i32>} : memref<2x128x64xf32, #tpu.memory_space<vmem>>, vector<16xf32>,
      %parallel_loop3A_354 = arith.constant 1 : i32
      %parallel_loop3A_355 = arith.index_cast %parallel_loop3A_354 : i32 to index
      %parallel_loop3A_356 = arith.index_cast %parallel_loop3A_348 : i32 to index
      %parallel_loop3A_357 = arith.constant 16 : index
      %parallel_loop3A_358 = tpu.vector_load %arg5[%parallel_loop3A_355, %parallel_loop3A_356, %parallel_loop3A_357] {strides = array<i32>} : memref<2x128x64xf32, #tpu.memory_space<vmem>>, vector<16xf32>,
      %parallel_loop3A_359 = arith.constant 1 : i32
      %parallel_loop3A_360 = arith.index_cast %parallel_loop3A_359 : i32 to index
      %parallel_loop3A_361 = arith.index_cast %parallel_loop3A_348 : i32 to index
      %parallel_loop3A_362 = arith.constant 32 : index
      %parallel_loop3A_363 = tpu.vector_load %arg5[%parallel_loop3A_360, %parallel_loop3A_361, %parallel_loop3A_362] {strides = array<i32>} : memref<2x128x64xf32, #tpu.memory_space<vmem>>, vector<16xf32>,
      %parallel_loop3A_364 = arith.constant 1 : i32
      %parallel_loop3A_365 = arith.index_cast %parallel_loop3A_364 : i32 to index
      %parallel_loop3A_366 = arith.index_cast %parallel_loop3A_348 : i32 to index
      %parallel_loop3A_367 = arith.constant 48 : index
      %parallel_loop3A_368 = tpu.vector_load %arg5[%parallel_loop3A_365, %parallel_loop3A_366, %parallel_loop3A_367] {strides = array<i32>} : memref<2x128x64xf32, #tpu.memory_space<vmem>>, vector<16xf32>,
      %parallel_loop3A_369 = arith.constant dense<true> : vector<16xi1>
      %parallel_loop3A_370, %parallel_loop3A_371, %parallel_loop3A_372 = tpu.sort %parallel_loop3A_353, %parallel_loop3A_353 masked %parallel_loop3A_369 {descending = true} : (vector<16xf32>, vector<16xf32>, vector<16xi1>) -> (vector<16xi1>, vector<16xf32>, vector<16xf32>)
      %parallel_loop3A_373 = arith.constant dense<true> : vector<16xi1>
      %parallel_loop3A_374, %parallel_loop3A_375, %parallel_loop3A_376 = tpu.sort %parallel_loop3A_358, %parallel_loop3A_358 masked %parallel_loop3A_373 {descending = true} : (vector<16xf32>, vector<16xf32>, vector<16xi1>) -> (vector<16xi1>, vector<16xf32>, vector<16xf32>)
      %parallel_loop3A_377 = arith.constant dense<true> : vector<16xi1>
      %parallel_loop3A_378, %parallel_loop3A_379, %parallel_loop3A_380 = tpu.sort %parallel_loop3A_363, %parallel_loop3A_363 masked %parallel_loop3A_377 {descending = true} : (vector<16xf32>, vector<16xf32>, vector<16xi1>) -> (vector<16xi1>, vector<16xf32>, vector<16xf32>)
      %parallel_loop3A_381 = arith.constant dense<true> : vector<16xi1>
      %parallel_loop3A_382, %parallel_loop3A_383, %parallel_loop3A_384 = tpu.sort %parallel_loop3A_368, %parallel_loop3A_368 masked %parallel_loop3A_381 {descending = true} : (vector<16xf32>, vector<16xf32>, vector<16xi1>) -> (vector<16xi1>, vector<16xf32>, vector<16xf32>)
      %parallel_loop3A_385 = arith.constant 15 : i32
      %parallel_loop3A_386 = vector.broadcast %parallel_loop3A_385 : i32 to vector<16xi32>
      %parallel_loop3A_387 = tpu.iota {dimensions = array<i32: 0>} : vector<16xi32>
      %parallel_loop3A_388 = arith.subi %parallel_loop3A_386, %parallel_loop3A_387 : vector<16xi32>
      %parallel_loop3A_389 = tpu.dynamic_gather %parallel_loop3A_375[%parallel_loop3A_388] in [0] : vector<16xf32>, vector<16xi32> -> vector<16xf32>
      %parallel_loop3A_390 = arith.maximumf %parallel_loop3A_371, %parallel_loop3A_389 : vector<16xf32>
      %parallel_loop3A_391 = arith.constant dense<true> : vector<16xi1>
      %parallel_loop3A_392, %parallel_loop3A_393, %parallel_loop3A_394 = tpu.sort %parallel_loop3A_390, %parallel_loop3A_390 masked %parallel_loop3A_391 {descending = true} : (vector<16xf32>, vector<16xf32>, vector<16xi1>) -> (vector<16xi1>, vector<16xf32>, vector<16xf32>)
      %parallel_loop3A_395 = arith.constant 15 : i32
      %parallel_loop3A_396 = vector.broadcast %parallel_loop3A_395 : i32 to vector<16xi32>
      %parallel_loop3A_397 = tpu.iota {dimensions = array<i32: 0>} : vector<16xi32>
      %parallel_loop3A_398 = arith.subi %parallel_loop3A_396, %parallel_loop3A_397 : vector<16xi32>
      %parallel_loop3A_399 = tpu.dynamic_gather %parallel_loop3A_383[%parallel_loop3A_398] in [0] : vector<16xf32>, vector<16xi32> -> vector<16xf32>
      %parallel_loop3A_400 = arith.maximumf %parallel_loop3A_379, %parallel_loop3A_399 : vector<16xf32>
      %parallel_loop3A_401 = arith.constant dense<true> : vector<16xi1>
      %parallel_loop3A_402, %parallel_loop3A_403, %parallel_loop3A_404 = tpu.sort %parallel_loop3A_400, %parallel_loop3A_400 masked %parallel_loop3A_401 {descending = true} : (vector<16xf32>, vector<16xf32>, vector<16xi1>) -> (vector<16xi1>, vector<16xf32>, vector<16xf32>)
      %parallel_loop3A_405 = arith.constant 15 : i32
      %parallel_loop3A_406 = vector.broadcast %parallel_loop3A_405 : i32 to vector<16xi32>
      %parallel_loop3A_407 = tpu.iota {dimensions = array<i32: 0>} : vector<16xi32>
      %parallel_loop3A_408 = arith.subi %parallel_loop3A_406, %parallel_loop3A_407 : vector<16xi32>
      %parallel_loop3A_409 = tpu.dynamic_gather %parallel_loop3A_403[%parallel_loop3A_408] in [0] : vector<16xf32>, vector<16xi32> -> vector<16xf32>
      %parallel_loop3A_410 = arith.maximumf %parallel_loop3A_393, %parallel_loop3A_409 : vector<16xf32>
      %parallel_loop3A_411 = arith.constant dense<true> : vector<16xi1>
      %parallel_loop3A_412, %parallel_loop3A_413, %parallel_loop3A_414 = tpu.sort %parallel_loop3A_410, %parallel_loop3A_410 masked %parallel_loop3A_411 {descending = true} : (vector<16xf32>, vector<16xf32>, vector<16xi1>) -> (vector<16xi1>, vector<16xf32>, vector<16xf32>)
      %parallel_loop3A_415 = vector.extract_strided_slice %parallel_loop3A_413 {offsets = [7], sizes = [1], strides = [1]} : vector<16xf32> to vector<1xf32>
      %parallel_loop3A_416 = vector.extract %parallel_loop3A_415[0] : f32 from vector<1xf32>
      %parallel_loop3A_417 = vector.extract_strided_slice %parallel_loop3A_413 {offsets = [0], sizes = [1], strides = [1]} : vector<16xf32> to vector<1xf32>
      %parallel_loop3A_418 = vector.extract %parallel_loop3A_417[0] : f32 from vector<1xf32>
      %parallel_loop3A_419 = vector.broadcast %parallel_loop3A_416 : f32 to vector<16xf32>
      %parallel_loop3A_420 = arith.cmpf ogt, %parallel_loop3A_353, %parallel_loop3A_419 : vector<16xf32>
      %parallel_loop3A_421 = vector.broadcast %parallel_loop3A_416 : f32 to vector<16xf32>
      %parallel_loop3A_422 = arith.cmpf ogt, %parallel_loop3A_358, %parallel_loop3A_421 : vector<16xf32>
      %parallel_loop3A_423 = vector.broadcast %parallel_loop3A_416 : f32 to vector<16xf32>
      %parallel_loop3A_424 = arith.cmpf ogt, %parallel_loop3A_363, %parallel_loop3A_423 : vector<16xf32>
      %parallel_loop3A_425 = vector.broadcast %parallel_loop3A_416 : f32 to vector<16xf32>
      %parallel_loop3A_426 = arith.cmpf ogt, %parallel_loop3A_368, %parallel_loop3A_425 : vector<16xf32>
      %parallel_loop3A_427 = vector.broadcast %parallel_loop3A_416 : f32 to vector<16xf32>
      %parallel_loop3A_428 = arith.cmpf oeq, %parallel_loop3A_353, %parallel_loop3A_427 : vector<16xf32>
      %parallel_loop3A_429 = vector.broadcast %parallel_loop3A_416 : f32 to vector<16xf32>
      %parallel_loop3A_430 = arith.cmpf oeq, %parallel_loop3A_358, %parallel_loop3A_429 : vector<16xf32>
      %parallel_loop3A_431 = vector.broadcast %parallel_loop3A_416 : f32 to vector<16xf32>
      %parallel_loop3A_432 = arith.cmpf oeq, %parallel_loop3A_363, %parallel_loop3A_431 : vector<16xf32>
      %parallel_loop3A_433 = vector.broadcast %parallel_loop3A_416 : f32 to vector<16xf32>
      %parallel_loop3A_434 = arith.cmpf oeq, %parallel_loop3A_368, %parallel_loop3A_433 : vector<16xf32>
      %parallel_loop3A_435 = vector.broadcast %parallel_loop3A_416 : f32 to vector<16xf32>
      %parallel_loop3A_436 = arith.cmpf ogt, %parallel_loop3A_413, %parallel_loop3A_435 : vector<16xf32>
      %parallel_loop3A_437 = tpu.all_reduce %parallel_loop3A_436 {dim = 0 : i64, kind = #tpu.reduction_kind<sum>} : vector<16xi1> -> vector<16xi32>
      %parallel_loop3A_438 = arith.constant 8 : i32
      %parallel_loop3A_439 = vector.broadcast %parallel_loop3A_438 : i32 to vector<16xi32>
      %parallel_loop3A_440 = arith.subi %parallel_loop3A_439, %parallel_loop3A_437 : vector<16xi32>
      %parallel_loop3A_441 = arith.constant 0 : i32
      %parallel_loop3A_442 = vector.broadcast %parallel_loop3A_441 : i32 to vector<16xi32>
      %parallel_loop3A_443 = arith.extui %parallel_loop3A_428 : vector<16xi1> to vector<16xi32>
      %parallel_loop3A_444 = arith.constant true
      %parallel_loop3A_445 = vector.broadcast %parallel_loop3A_444 : i1 to vector<16xi1>
      %parallel_loop3A_446 = tpu.scan <sum>, %parallel_loop3A_443 masked %parallel_loop3A_445 : vector<16xi32>, vector<16xi1> -> vector<16xi32>
      %parallel_loop3A_447 = arith.subi %parallel_loop3A_446, %parallel_loop3A_443 : vector<16xi32>
      %parallel_loop3A_448 = arith.addi %parallel_loop3A_447, %parallel_loop3A_442 : vector<16xi32>
      %parallel_loop3A_449 = tpu.all_reduce %parallel_loop3A_428 {dim = 0 : i64, kind = #tpu.reduction_kind<sum>} : vector<16xi1> -> vector<16xi32>
      %parallel_loop3A_450 = arith.addi %parallel_loop3A_442, %parallel_loop3A_449 : vector<16xi32>
      %parallel_loop3A_451 = arith.cmpi slt, %parallel_loop3A_448, %parallel_loop3A_440 : vector<16xi32>
      %parallel_loop3A_452 = arith.andi %parallel_loop3A_428, %parallel_loop3A_451 : vector<16xi1>
      %parallel_loop3A_453 = arith.ori %parallel_loop3A_420, %parallel_loop3A_452 : vector<16xi1>
      %parallel_loop3A_454 = arith.extui %parallel_loop3A_430 : vector<16xi1> to vector<16xi32>
      %parallel_loop3A_455 = arith.constant true
      %parallel_loop3A_456 = vector.broadcast %parallel_loop3A_455 : i1 to vector<16xi1>
      %parallel_loop3A_457 = tpu.scan <sum>, %parallel_loop3A_454 masked %parallel_loop3A_456 : vector<16xi32>, vector<16xi1> -> vector<16xi32>
      %parallel_loop3A_458 = arith.subi %parallel_loop3A_457, %parallel_loop3A_454 : vector<16xi32>
      %parallel_loop3A_459 = arith.addi %parallel_loop3A_458, %parallel_loop3A_450 : vector<16xi32>
      %parallel_loop3A_460 = tpu.all_reduce %parallel_loop3A_430 {dim = 0 : i64, kind = #tpu.reduction_kind<sum>} : vector<16xi1> -> vector<16xi32>
      %parallel_loop3A_461 = arith.addi %parallel_loop3A_450, %parallel_loop3A_460 : vector<16xi32>
      %parallel_loop3A_462 = arith.cmpi slt, %parallel_loop3A_459, %parallel_loop3A_440 : vector<16xi32>
      %parallel_loop3A_463 = arith.andi %parallel_loop3A_430, %parallel_loop3A_462 : vector<16xi1>
      %parallel_loop3A_464 = arith.ori %parallel_loop3A_422, %parallel_loop3A_463 : vector<16xi1>
      %parallel_loop3A_465 = arith.extui %parallel_loop3A_432 : vector<16xi1> to vector<16xi32>
      %parallel_loop3A_466 = arith.constant true
      %parallel_loop3A_467 = vector.broadcast %parallel_loop3A_466 : i1 to vector<16xi1>
      %parallel_loop3A_468 = tpu.scan <sum>, %parallel_loop3A_465 masked %parallel_loop3A_467 : vector<16xi32>, vector<16xi1> -> vector<16xi32>
      %parallel_loop3A_469 = arith.subi %parallel_loop3A_468, %parallel_loop3A_465 : vector<16xi32>
      %parallel_loop3A_470 = arith.addi %parallel_loop3A_469, %parallel_loop3A_461 : vector<16xi32>
      %parallel_loop3A_471 = tpu.all_reduce %parallel_loop3A_432 {dim = 0 : i64, kind = #tpu.reduction_kind<sum>} : vector<16xi1> -> vector<16xi32>
      %parallel_loop3A_472 = arith.addi %parallel_loop3A_461, %parallel_loop3A_471 : vector<16xi32>
      %parallel_loop3A_473 = arith.cmpi slt, %parallel_loop3A_470, %parallel_loop3A_440 : vector<16xi32>
      %parallel_loop3A_474 = arith.andi %parallel_loop3A_432, %parallel_loop3A_473 : vector<16xi1>
      %parallel_loop3A_475 = arith.ori %parallel_loop3A_424, %parallel_loop3A_474 : vector<16xi1>
      %parallel_loop3A_476 = arith.extui %parallel_loop3A_434 : vector<16xi1> to vector<16xi32>
      %parallel_loop3A_477 = arith.constant true
      %parallel_loop3A_478 = vector.broadcast %parallel_loop3A_477 : i1 to vector<16xi1>
      %parallel_loop3A_479 = tpu.scan <sum>, %parallel_loop3A_476 masked %parallel_loop3A_478 : vector<16xi32>, vector<16xi1> -> vector<16xi32>
      %parallel_loop3A_480 = arith.subi %parallel_loop3A_479, %parallel_loop3A_476 : vector<16xi32>
      %parallel_loop3A_481 = arith.addi %parallel_loop3A_480, %parallel_loop3A_472 : vector<16xi32>
      %parallel_loop3A_482 = tpu.all_reduce %parallel_loop3A_434 {dim = 0 : i64, kind = #tpu.reduction_kind<sum>} : vector<16xi1> -> vector<16xi32>
      %parallel_loop3A_483 = arith.addi %parallel_loop3A_472, %parallel_loop3A_482 : vector<16xi32>
      %parallel_loop3A_484 = arith.cmpi slt, %parallel_loop3A_481, %parallel_loop3A_440 : vector<16xi32>
      %parallel_loop3A_485 = arith.andi %parallel_loop3A_434, %parallel_loop3A_484 : vector<16xi1>
      %parallel_loop3A_486 = arith.ori %parallel_loop3A_426, %parallel_loop3A_485 : vector<16xi1>
      %parallel_loop3A_487 = arith.constant -1.000000e+09 : f32
      %parallel_loop3A_488 = vector.broadcast %parallel_loop3A_487 : f32 to vector<16xf32>
      %parallel_loop3A_489 = arith.select %parallel_loop3A_453, %parallel_loop3A_353, %parallel_loop3A_488 : vector<16xi1>, vector<16xf32>
      %parallel_loop3A_490 = arith.constant -1.000000e+09 : f32
      %parallel_loop3A_491 = vector.broadcast %parallel_loop3A_490 : f32 to vector<16xf32>
      %parallel_loop3A_492 = arith.select %parallel_loop3A_464, %parallel_loop3A_358, %parallel_loop3A_491 : vector<16xi1>, vector<16xf32>
      %parallel_loop3A_493 = arith.constant -1.000000e+09 : f32
      %parallel_loop3A_494 = vector.broadcast %parallel_loop3A_493 : f32 to vector<16xf32>
      %parallel_loop3A_495 = arith.select %parallel_loop3A_475, %parallel_loop3A_363, %parallel_loop3A_494 : vector<16xi1>, vector<16xf32>
      %parallel_loop3A_496 = arith.constant -1.000000e+09 : f32
      %parallel_loop3A_497 = vector.broadcast %parallel_loop3A_496 : f32 to vector<16xf32>
      %parallel_loop3A_498 = arith.select %parallel_loop3A_486, %parallel_loop3A_368, %parallel_loop3A_497 : vector<16xi1>, vector<16xf32>
      %parallel_loop3A_499 = vector.broadcast %parallel_loop3A_418 : f32 to vector<16xf32>
      %parallel_loop3A_500 = arith.subf %parallel_loop3A_353, %parallel_loop3A_499 : vector<16xf32>
      %parallel_loop3A_501 = math.exp %parallel_loop3A_500 : vector<16xf32>
      %parallel_loop3A_502 = arith.constant 0.000000e+00 : f32
      %parallel_loop3A_503 = vector.broadcast %parallel_loop3A_502 : f32 to vector<16xf32>
      %parallel_loop3A_504 = arith.select %parallel_loop3A_453, %parallel_loop3A_501, %parallel_loop3A_503 : vector<16xi1>, vector<16xf32>
      %parallel_loop3A_505 = vector.broadcast %parallel_loop3A_418 : f32 to vector<16xf32>
      %parallel_loop3A_506 = arith.subf %parallel_loop3A_358, %parallel_loop3A_505 : vector<16xf32>
      %parallel_loop3A_507 = math.exp %parallel_loop3A_506 : vector<16xf32>
      %parallel_loop3A_508 = arith.constant 0.000000e+00 : f32
      %parallel_loop3A_509 = vector.broadcast %parallel_loop3A_508 : f32 to vector<16xf32>
      %parallel_loop3A_510 = arith.select %parallel_loop3A_464, %parallel_loop3A_507, %parallel_loop3A_509 : vector<16xi1>, vector<16xf32>
      %parallel_loop3A_511 = vector.broadcast %parallel_loop3A_418 : f32 to vector<16xf32>
      %parallel_loop3A_512 = arith.subf %parallel_loop3A_363, %parallel_loop3A_511 : vector<16xf32>
      %parallel_loop3A_513 = math.exp %parallel_loop3A_512 : vector<16xf32>
      %parallel_loop3A_514 = arith.constant 0.000000e+00 : f32
      %parallel_loop3A_515 = vector.broadcast %parallel_loop3A_514 : f32 to vector<16xf32>
      %parallel_loop3A_516 = arith.select %parallel_loop3A_475, %parallel_loop3A_513, %parallel_loop3A_515 : vector<16xi1>, vector<16xf32>
      %parallel_loop3A_517 = vector.broadcast %parallel_loop3A_418 : f32 to vector<16xf32>
      %parallel_loop3A_518 = arith.subf %parallel_loop3A_368, %parallel_loop3A_517 : vector<16xf32>
      %parallel_loop3A_519 = math.exp %parallel_loop3A_518 : vector<16xf32>
      %parallel_loop3A_520 = arith.constant 0.000000e+00 : f32
      %parallel_loop3A_521 = vector.broadcast %parallel_loop3A_520 : f32 to vector<16xf32>
      %parallel_loop3A_522 = arith.select %parallel_loop3A_486, %parallel_loop3A_519, %parallel_loop3A_521 : vector<16xi1>, vector<16xf32>
      %parallel_loop3A_523 = arith.addf %parallel_loop3A_504, %parallel_loop3A_510 : vector<16xf32>
      %parallel_loop3A_524 = arith.addf %parallel_loop3A_516, %parallel_loop3A_522 : vector<16xf32>
      %parallel_loop3A_525 = arith.addf %parallel_loop3A_523, %parallel_loop3A_524 : vector<16xf32>
      %parallel_loop3A_526 = arith.constant true
      %parallel_loop3A_527 = vector.broadcast %parallel_loop3A_526 : i1 to vector<16xi1>
      %parallel_loop3A_528 = tpu.scan <sum>, %parallel_loop3A_525 masked %parallel_loop3A_527 : vector<16xf32>, vector<16xi1> -> vector<16xf32>
      %parallel_loop3A_529 = vector.extract %parallel_loop3A_528[15] : f32 from vector<16xf32>
      %parallel_loop3A_530 = arith.constant 1.000000e+00 : f32
      %parallel_loop3A_531 = vector.broadcast %parallel_loop3A_530 : f32 to vector<16xf32>
      %parallel_loop3A_532 = vector.broadcast %parallel_loop3A_529 : f32 to vector<16xf32>
      %parallel_loop3A_533 = arith.divf %parallel_loop3A_531, %parallel_loop3A_532 : vector<16xf32>
      %parallel_loop3A_534 = arith.mulf %parallel_loop3A_504, %parallel_loop3A_533 : vector<16xf32>
      %parallel_loop3A_535 = arith.mulf %parallel_loop3A_510, %parallel_loop3A_533 : vector<16xf32>
      %parallel_loop3A_536 = arith.mulf %parallel_loop3A_516, %parallel_loop3A_533 : vector<16xf32>
      %parallel_loop3A_537 = arith.mulf %parallel_loop3A_522, %parallel_loop3A_533 : vector<16xf32>
      %parallel_loop3A_538 = arith.constant 1 : i32
      %parallel_loop3A_539 = arith.index_cast %parallel_loop3A_538 : i32 to index
      %parallel_loop3A_540 = arith.index_cast %parallel_loop3A_348 : i32 to index
      %parallel_loop3A_541 = arith.constant 0 : index
      %parallel_loop3A_542 = tpu.vector_load %arg6[%parallel_loop3A_539, %parallel_loop3A_540, %parallel_loop3A_541] {strides = array<i32>} : memref<2x128x64xf32, #tpu.memory_space<vmem>>, vector<16xf32>,
      tpu.vector_store %arg6[%parallel_loop3A_539, %parallel_loop3A_540, %parallel_loop3A_541], %parallel_loop3A_534 {strides = array<i32>} : memref<2x128x64xf32, #tpu.memory_space<vmem>>, vector<16xf32>,
      %parallel_loop3A_543 = arith.constant 1 : i32
      %parallel_loop3A_544 = arith.index_cast %parallel_loop3A_543 : i32 to index
      %parallel_loop3A_545 = arith.index_cast %parallel_loop3A_348 : i32 to index
      %parallel_loop3A_546 = arith.constant 0 : index
      %parallel_loop3A_547 = tpu.vector_load %arg7[%parallel_loop3A_544, %parallel_loop3A_545, %parallel_loop3A_546] {strides = array<i32>} : memref<2x128x64xf32, #tpu.memory_space<vmem>>, vector<16xf32>,
      tpu.vector_store %arg7[%parallel_loop3A_544, %parallel_loop3A_545, %parallel_loop3A_546], %parallel_loop3A_489 {strides = array<i32>} : memref<2x128x64xf32, #tpu.memory_space<vmem>>, vector<16xf32>,
      %parallel_loop3A_548 = arith.constant 1 : i32
      %parallel_loop3A_549 = arith.index_cast %parallel_loop3A_548 : i32 to index
      %parallel_loop3A_550 = arith.index_cast %parallel_loop3A_348 : i32 to index
      %parallel_loop3A_551 = arith.constant 16 : index
      %parallel_loop3A_552 = tpu.vector_load %arg6[%parallel_loop3A_549, %parallel_loop3A_550, %parallel_loop3A_551] {strides = array<i32>} : memref<2x128x64xf32, #tpu.memory_space<vmem>>, vector<16xf32>,
      tpu.vector_store %arg6[%parallel_loop3A_549, %parallel_loop3A_550, %parallel_loop3A_551], %parallel_loop3A_535 {strides = array<i32>} : memref<2x128x64xf32, #tpu.memory_space<vmem>>, vector<16xf32>,
      %parallel_loop3A_553 = arith.constant 1 : i32
      %parallel_loop3A_554 = arith.index_cast %parallel_loop3A_553 : i32 to index
      %parallel_loop3A_555 = arith.index_cast %parallel_loop3A_348 : i32 to index
      %parallel_loop3A_556 = arith.constant 16 : index
      %parallel_loop3A_557 = tpu.vector_load %arg7[%parallel_loop3A_554, %parallel_loop3A_555, %parallel_loop3A_556] {strides = array<i32>} : memref<2x128x64xf32, #tpu.memory_space<vmem>>, vector<16xf32>,
      tpu.vector_store %arg7[%parallel_loop3A_554, %parallel_loop3A_555, %parallel_loop3A_556], %parallel_loop3A_492 {strides = array<i32>} : memref<2x128x64xf32, #tpu.memory_space<vmem>>, vector<16xf32>,
      %parallel_loop3A_558 = arith.constant 1 : i32
      %parallel_loop3A_559 = arith.index_cast %parallel_loop3A_558 : i32 to index
      %parallel_loop3A_560 = arith.index_cast %parallel_loop3A_348 : i32 to index
      %parallel_loop3A_561 = arith.constant 32 : index
      %parallel_loop3A_562 = tpu.vector_load %arg6[%parallel_loop3A_559, %parallel_loop3A_560, %parallel_loop3A_561] {strides = array<i32>} : memref<2x128x64xf32, #tpu.memory_space<vmem>>, vector<16xf32>,
      tpu.vector_store %arg6[%parallel_loop3A_559, %parallel_loop3A_560, %parallel_loop3A_561], %parallel_loop3A_536 {strides = array<i32>} : memref<2x128x64xf32, #tpu.memory_space<vmem>>, vector<16xf32>,
      %parallel_loop3A_563 = arith.constant 1 : i32
      %parallel_loop3A_564 = arith.index_cast %parallel_loop3A_563 : i32 to index
      %parallel_loop3A_565 = arith.index_cast %parallel_loop3A_348 : i32 to index
      %parallel_loop3A_566 = arith.constant 32 : index
      %parallel_loop3A_567 = tpu.vector_load %arg7[%parallel_loop3A_564, %parallel_loop3A_565, %parallel_loop3A_566] {strides = array<i32>} : memref<2x128x64xf32, #tpu.memory_space<vmem>>, vector<16xf32>,
      tpu.vector_store %arg7[%parallel_loop3A_564, %parallel_loop3A_565, %parallel_loop3A_566], %parallel_loop3A_495 {strides = array<i32>} : memref<2x128x64xf32, #tpu.memory_space<vmem>>, vector<16xf32>,
      %parallel_loop3A_568 = arith.constant 1 : i32
      %parallel_loop3A_569 = arith.index_cast %parallel_loop3A_568 : i32 to index
      %parallel_loop3A_570 = arith.index_cast %parallel_loop3A_348 : i32 to index
      %parallel_loop3A_571 = arith.constant 48 : index
      %parallel_loop3A_572 = tpu.vector_load %arg6[%parallel_loop3A_569, %parallel_loop3A_570, %parallel_loop3A_571] {strides = array<i32>} : memref<2x128x64xf32, #tpu.memory_space<vmem>>, vector<16xf32>,
      tpu.vector_store %arg6[%parallel_loop3A_569, %parallel_loop3A_570, %parallel_loop3A_571], %parallel_loop3A_537 {strides = array<i32>} : memref<2x128x64xf32, #tpu.memory_space<vmem>>, vector<16xf32>,
      %parallel_loop3A_573 = arith.constant 1 : i32
      %parallel_loop3A_574 = arith.index_cast %parallel_loop3A_573 : i32 to index
      %parallel_loop3A_575 = arith.index_cast %parallel_loop3A_348 : i32 to index
      %parallel_loop3A_576 = arith.constant 48 : index
      %parallel_loop3A_577 = tpu.vector_load %arg7[%parallel_loop3A_574, %parallel_loop3A_575, %parallel_loop3A_576] {strides = array<i32>} : memref<2x128x64xf32, #tpu.memory_space<vmem>>, vector<16xf32>,
      tpu.vector_store %arg7[%parallel_loop3A_574, %parallel_loop3A_575, %parallel_loop3A_576], %parallel_loop3A_498 {strides = array<i32>} : memref<2x128x64xf32, #tpu.memory_space<vmem>>, vector<16xf32>,
    } {sc.loop_unroll_factor = 1 : i64, sc.parallel_access}
    %add3A_107 = arith.constant 128 : i32
    %add3A_108 = arith.addi %mul3A_2, %add3A_107 : i32
    %dma_start3A_109 = arith.constant 1 : i32
    %dma_start3A_110 = arith.constant 0 : i32
    %dma_start3A_111 = arith.constant 0 : i32
    %dma_start3A_112 = tpu.memref_slice %arg6[%dma_start3A_109, %dma_start3A_110, %dma_start3A_111] : memref<2x128x64xf32, #tpu.memory_space<vmem>> -> memref<1x128x64xf32, #tpu.memory_space<vmem>>
    %dma_start3A_113 = tpu.memref_squeeze %dma_start3A_112 : memref<1x128x64xf32, #tpu.memory_space<vmem>> -> memref<128x64xf32, #tpu.memory_space<vmem>>
    %dma_start3A_114 = arith.constant 0 : i32
    %dma_start3A_115 = tpu.memref_slice %arg3[%add3A_108, %dma_start3A_114] : memref<16384x64xf32, #tpu.memory_space<hbm>> -> memref<128x64xf32, #tpu.memory_space<hbm>>
    %dma_start3A_116 = arith.constant 0 : i32
    %dma_start3A_117 = tpu.memref_slice %arg3[%add3A_108, %dma_start3A_116] : memref<16384x64xf32, #tpu.memory_space<hbm>> -> memref<128x64xf32, #tpu.memory_space<hbm>>
    %dma_start3A_118 = arith.constant 0 : i32
    %dma_start3A_119 = arith.constant 0 : i32
    %dma_start3A_120 = tpu.memref_slice %arg6[%dma_start3A_109, %dma_start3A_118, %dma_start3A_119] : memref<2x128x64xf32, #tpu.memory_space<vmem>> -> memref<1x128x64xf32, #tpu.memory_space<vmem>>
    %dma_start3A_121 = tpu.memref_squeeze %dma_start3A_120 : memref<1x128x64xf32, #tpu.memory_space<vmem>> -> memref<128x64xf32, #tpu.memory_space<vmem>>
    tpu.enqueue_dma source(%dma_start3A_121 : memref<128x64xf32, #tpu.memory_space<vmem>>) target(%dma_start3A_117 : memref<128x64xf32, #tpu.memory_space<hbm>>) target_semaphore(%arg11 : memref<!tpu.dma_semaphore, #tpu.memory_space<semaphore_mem>>)
    %add3A_122 = arith.constant 128 : i32
    %add3A_123 = arith.addi %mul3A_2, %add3A_122 : i32
    %dma_start3A_124 = arith.constant 1 : i32
    %dma_start3A_125 = arith.constant 0 : i32
    %dma_start3A_126 = arith.constant 0 : i32
    %dma_start3A_127 = tpu.memref_slice %arg7[%dma_start3A_124, %dma_start3A_125, %dma_start3A_126] : memref<2x128x64xf32, #tpu.memory_space<vmem>> -> memref<1x128x64xf32, #tpu.memory_space<vmem>>
    %dma_start3A_128 = tpu.memref_squeeze %dma_start3A_127 : memref<1x128x64xf32, #tpu.memory_space<vmem>> -> memref<128x64xf32, #tpu.memory_space<vmem>>
    %dma_start3A_129 = arith.constant 0 : i32
    %dma_start3A_130 = tpu.memref_slice %arg4[%add3A_123, %dma_start3A_129] : memref<16384x64xf32, #tpu.memory_space<hbm>> -> memref<128x64xf32, #tpu.memory_space<hbm>>
    %dma_start3A_131 = arith.constant 0 : i32
    %dma_start3A_132 = tpu.memref_slice %arg4[%add3A_123, %dma_start3A_131] : memref<16384x64xf32, #tpu.memory_space<hbm>> -> memref<128x64xf32, #tpu.memory_space<hbm>>
    %dma_start3A_133 = arith.constant 0 : i32
    %dma_start3A_134 = arith.constant 0 : i32
    %dma_start3A_135 = tpu.memref_slice %arg7[%dma_start3A_124, %dma_start3A_133, %dma_start3A_134] : memref<2x128x64xf32, #tpu.memory_space<vmem>> -> memref<1x128x64xf32, #tpu.memory_space<vmem>>
    %dma_start3A_136 = tpu.memref_squeeze %dma_start3A_135 : memref<1x128x64xf32, #tpu.memory_space<vmem>> -> memref<128x64xf32, #tpu.memory_space<vmem>>
    tpu.enqueue_dma source(%dma_start3A_136 : memref<128x64xf32, #tpu.memory_space<vmem>>) target(%dma_start3A_132 : memref<128x64xf32, #tpu.memory_space<hbm>>) target_semaphore(%arg11 : memref<!tpu.dma_semaphore, #tpu.memory_space<semaphore_mem>>)
    %add3A_137 = arith.constant 384 : i32
    %add3A_138 = arith.addi %mul3A_2, %add3A_137 : i32
    %dma_start3A_139 = arith.constant 1 : i32
    %dma_start3A_140 = arith.constant 0 : i32
    %dma_start3A_141 = arith.constant 0 : i32
    %dma_start3A_142 = tpu.memref_slice %arg5[%dma_start3A_139, %dma_start3A_140, %dma_start3A_141] : memref<2x128x64xf32, #tpu.memory_space<vmem>> -> memref<1x128x64xf32, #tpu.memory_space<vmem>>
    %dma_start3A_143 = tpu.memref_squeeze %dma_start3A_142 : memref<1x128x64xf32, #tpu.memory_space<vmem>> -> memref<128x64xf32, #tpu.memory_space<vmem>>
    %dma_start3A_144 = arith.constant 0 : i32
    %dma_start3A_145 = tpu.memref_slice %arg2[%add3A_138, %dma_start3A_144] : memref<16384x64xf32, #tpu.memory_space<hbm>> -> memref<128x64xf32, #tpu.memory_space<hbm>>
    %dma_start3A_146 = arith.constant 0 : i32
    %dma_start3A_147 = arith.constant 0 : i32
    %dma_start3A_148 = tpu.memref_slice %arg5[%dma_start3A_139, %dma_start3A_146, %dma_start3A_147] : memref<2x128x64xf32, #tpu.memory_space<vmem>> -> memref<1x128x64xf32, #tpu.memory_space<vmem>>
    %dma_start3A_149 = tpu.memref_squeeze %dma_start3A_148 : memref<1x128x64xf32, #tpu.memory_space<vmem>> -> memref<128x64xf32, #tpu.memory_space<vmem>>
    %dma_start3A_150 = arith.constant 0 : i32
    %dma_start3A_151 = tpu.memref_slice %arg2[%add3A_138, %dma_start3A_150] : memref<16384x64xf32, #tpu.memory_space<hbm>> -> memref<128x64xf32, #tpu.memory_space<hbm>>
    tpu.enqueue_dma source(%dma_start3A_151 : memref<128x64xf32, #tpu.memory_space<hbm>>) target(%dma_start3A_149 : memref<128x64xf32, #tpu.memory_space<vmem>>) target_semaphore(%arg9 : memref<!tpu.dma_semaphore, #tpu.memory_space<semaphore_mem>>)
    %dma_wait3A_152 = arith.constant 0 : i32
    %dma_wait3A_153 = arith.constant 0 : i32
    %dma_wait3A_154 = arith.constant 0 : i32
    %dma_wait3A_155 = tpu.memref_slice %arg5[%dma_wait3A_152, %dma_wait3A_153, %dma_wait3A_154] : memref<2x128x64xf32, #tpu.memory_space<vmem>> -> memref<1x128x64xf32, #tpu.memory_space<vmem>>
    %dma_wait3A_156 = tpu.memref_squeeze %dma_wait3A_155 : memref<1x128x64xf32, #tpu.memory_space<vmem>> -> memref<128x64xf32, #tpu.memory_space<vmem>>
    %dma_wait3A_157 = arith.constant 0 : i32
    %dma_wait3A_158 = tpu.memref_slice %arg2[%add3A_77, %dma_wait3A_157] : memref<16384x64xf32, #tpu.memory_space<hbm>> -> memref<128x64xf32, #tpu.memory_space<hbm>>
    %dma_wait3A_159 = arith.constant 0 : i32
    %dma_wait3A_160 = arith.constant 0 : i32
    %dma_wait3A_161 = tpu.memref_slice %arg5[%dma_wait3A_152, %dma_wait3A_159, %dma_wait3A_160] : memref<2x128x64xf32, #tpu.memory_space<vmem>> -> memref<1x128x64xf32, #tpu.memory_space<vmem>>
    %dma_wait3A_162 = tpu.memref_squeeze %dma_wait3A_161 : memref<1x128x64xf32, #tpu.memory_space<vmem>> -> memref<128x64xf32, #tpu.memory_space<vmem>>
    %dma_wait3A_163 = arith.constant 0 : i32
    %dma_wait3A_164 = tpu.memref_slice %arg2[%add3A_77, %dma_wait3A_163] : memref<16384x64xf32, #tpu.memory_space<hbm>> -> memref<128x64xf32, #tpu.memory_space<hbm>>
    tpu.wait_dma2 semaphore(%arg8 : memref<!tpu.dma_semaphore, #tpu.memory_space<semaphore_mem>>) src(%dma_wait3A_164 : memref<128x64xf32, #tpu.memory_space<hbm>>) dst(%dma_wait3A_162 : memref<128x64xf32, #tpu.memory_space<vmem>>)
    %dma_wait3A_165 = arith.constant 0 : i32
    %dma_wait3A_166 = arith.constant 0 : i32
    %dma_wait3A_167 = arith.constant 0 : i32
    %dma_wait3A_168 = tpu.memref_slice %arg6[%dma_wait3A_165, %dma_wait3A_166, %dma_wait3A_167] : memref<2x128x64xf32, #tpu.memory_space<vmem>> -> memref<1x128x64xf32, #tpu.memory_space<vmem>>
    %dma_wait3A_169 = tpu.memref_squeeze %dma_wait3A_168 : memref<1x128x64xf32, #tpu.memory_space<vmem>> -> memref<128x64xf32, #tpu.memory_space<vmem>>
    %dma_wait3A_170 = arith.constant 0 : i32
    %dma_wait3A_171 = tpu.memref_slice %arg3[%add3A_47, %dma_wait3A_170] : memref<16384x64xf32, #tpu.memory_space<hbm>> -> memref<128x64xf32, #tpu.memory_space<hbm>>
    %dma_wait3A_172 = arith.constant 0 : i32
    %dma_wait3A_173 = tpu.memref_slice %arg3[%add3A_47, %dma_wait3A_172] : memref<16384x64xf32, #tpu.memory_space<hbm>> -> memref<128x64xf32, #tpu.memory_space<hbm>>
    %dma_wait3A_174 = arith.constant 0 : i32
    %dma_wait3A_175 = arith.constant 0 : i32
    %dma_wait3A_176 = tpu.memref_slice %arg6[%dma_wait3A_165, %dma_wait3A_174, %dma_wait3A_175] : memref<2x128x64xf32, #tpu.memory_space<vmem>> -> memref<1x128x64xf32, #tpu.memory_space<vmem>>
    %dma_wait3A_177 = tpu.memref_squeeze %dma_wait3A_176 : memref<1x128x64xf32, #tpu.memory_space<vmem>> -> memref<128x64xf32, #tpu.memory_space<vmem>>
    tpu.wait_dma2 semaphore(%arg10 : memref<!tpu.dma_semaphore, #tpu.memory_space<semaphore_mem>>) src(%dma_wait3A_177 : memref<128x64xf32, #tpu.memory_space<vmem>>) dst(%dma_wait3A_173 : memref<128x64xf32, #tpu.memory_space<hbm>>)
    %dma_wait3A_178 = arith.constant 0 : i32
    %dma_wait3A_179 = arith.constant 0 : i32
    %dma_wait3A_180 = arith.constant 0 : i32
    %dma_wait3A_181 = tpu.memref_slice %arg7[%dma_wait3A_178, %dma_wait3A_179, %dma_wait3A_180] : memref<2x128x64xf32, #tpu.memory_space<vmem>> -> memref<1x128x64xf32, #tpu.memory_space<vmem>>
    %dma_wait3A_182 = tpu.memref_squeeze %dma_wait3A_181 : memref<1x128x64xf32, #tpu.memory_space<vmem>> -> memref<128x64xf32, #tpu.memory_space<vmem>>
    %dma_wait3A_183 = arith.constant 0 : i32
    %dma_wait3A_184 = tpu.memref_slice %arg4[%add3A_62, %dma_wait3A_183] : memref<16384x64xf32, #tpu.memory_space<hbm>> -> memref<128x64xf32, #tpu.memory_space<hbm>>
    %dma_wait3A_185 = arith.constant 0 : i32
    %dma_wait3A_186 = tpu.memref_slice %arg4[%add3A_62, %dma_wait3A_185] : memref<16384x64xf32, #tpu.memory_space<hbm>> -> memref<128x64xf32, #tpu.memory_space<hbm>>
    %dma_wait3A_187 = arith.constant 0 : i32
    %dma_wait3A_188 = arith.constant 0 : i32
    %dma_wait3A_189 = tpu.memref_slice %arg7[%dma_wait3A_178, %dma_wait3A_187, %dma_wait3A_188] : memref<2x128x64xf32, #tpu.memory_space<vmem>> -> memref<1x128x64xf32, #tpu.memory_space<vmem>>
    %dma_wait3A_190 = tpu.memref_squeeze %dma_wait3A_189 : memref<1x128x64xf32, #tpu.memory_space<vmem>> -> memref<128x64xf32, #tpu.memory_space<vmem>>
    tpu.wait_dma2 semaphore(%arg10 : memref<!tpu.dma_semaphore, #tpu.memory_space<semaphore_mem>>) src(%dma_wait3A_190 : memref<128x64xf32, #tpu.memory_space<vmem>>) dst(%dma_wait3A_186 : memref<128x64xf32, #tpu.memory_space<hbm>>)
    %parallel_loop3A_191 = arith.constant 0 : i32
    %parallel_loop3A_192 = arith.constant 128 : i32
    %parallel_loop3A_193 = arith.constant 1 : i32
    scf.for %parallel_loop3A_348 = %parallel_loop3A_191 to %parallel_loop3A_192 step %parallel_loop3A_193  : i32 {
      %parallel_loop3A_349 = arith.constant 0 : i32
      %parallel_loop3A_350 = arith.index_cast %parallel_loop3A_349 : i32 to index
      %parallel_loop3A_351 = arith.index_cast %parallel_loop3A_348 : i32 to index
      %parallel_loop3A_352 = arith.constant 0 : index
      %parallel_loop3A_353 = tpu.vector_load %arg5[%parallel_loop3A_350, %parallel_loop3A_351, %parallel_loop3A_352] {strides = array<i32>} : memref<2x128x64xf32, #tpu.memory_space<vmem>>, vector<16xf32>,
      %parallel_loop3A_354 = arith.constant 0 : i32
      %parallel_loop3A_355 = arith.index_cast %parallel_loop3A_354 : i32 to index
      %parallel_loop3A_356 = arith.index_cast %parallel_loop3A_348 : i32 to index
      %parallel_loop3A_357 = arith.constant 16 : index
      %parallel_loop3A_358 = tpu.vector_load %arg5[%parallel_loop3A_355, %parallel_loop3A_356, %parallel_loop3A_357] {strides = array<i32>} : memref<2x128x64xf32, #tpu.memory_space<vmem>>, vector<16xf32>,
      %parallel_loop3A_359 = arith.constant 0 : i32
      %parallel_loop3A_360 = arith.index_cast %parallel_loop3A_359 : i32 to index
      %parallel_loop3A_361 = arith.index_cast %parallel_loop3A_348 : i32 to index
      %parallel_loop3A_362 = arith.constant 32 : index
      %parallel_loop3A_363 = tpu.vector_load %arg5[%parallel_loop3A_360, %parallel_loop3A_361, %parallel_loop3A_362] {strides = array<i32>} : memref<2x128x64xf32, #tpu.memory_space<vmem>>, vector<16xf32>,
      %parallel_loop3A_364 = arith.constant 0 : i32
      %parallel_loop3A_365 = arith.index_cast %parallel_loop3A_364 : i32 to index
      %parallel_loop3A_366 = arith.index_cast %parallel_loop3A_348 : i32 to index
      %parallel_loop3A_367 = arith.constant 48 : index
      %parallel_loop3A_368 = tpu.vector_load %arg5[%parallel_loop3A_365, %parallel_loop3A_366, %parallel_loop3A_367] {strides = array<i32>} : memref<2x128x64xf32, #tpu.memory_space<vmem>>, vector<16xf32>,
      %parallel_loop3A_369 = arith.constant dense<true> : vector<16xi1>
      %parallel_loop3A_370, %parallel_loop3A_371, %parallel_loop3A_372 = tpu.sort %parallel_loop3A_353, %parallel_loop3A_353 masked %parallel_loop3A_369 {descending = true} : (vector<16xf32>, vector<16xf32>, vector<16xi1>) -> (vector<16xi1>, vector<16xf32>, vector<16xf32>)
      %parallel_loop3A_373 = arith.constant dense<true> : vector<16xi1>
      %parallel_loop3A_374, %parallel_loop3A_375, %parallel_loop3A_376 = tpu.sort %parallel_loop3A_358, %parallel_loop3A_358 masked %parallel_loop3A_373 {descending = true} : (vector<16xf32>, vector<16xf32>, vector<16xi1>) -> (vector<16xi1>, vector<16xf32>, vector<16xf32>)
      %parallel_loop3A_377 = arith.constant dense<true> : vector<16xi1>
      %parallel_loop3A_378, %parallel_loop3A_379, %parallel_loop3A_380 = tpu.sort %parallel_loop3A_363, %parallel_loop3A_363 masked %parallel_loop3A_377 {descending = true} : (vector<16xf32>, vector<16xf32>, vector<16xi1>) -> (vector<16xi1>, vector<16xf32>, vector<16xf32>)
      %parallel_loop3A_381 = arith.constant dense<true> : vector<16xi1>
      %parallel_loop3A_382, %parallel_loop3A_383, %parallel_loop3A_384 = tpu.sort %parallel_loop3A_368, %parallel_loop3A_368 masked %parallel_loop3A_381 {descending = true} : (vector<16xf32>, vector<16xf32>, vector<16xi1>) -> (vector<16xi1>, vector<16xf32>, vector<16xf32>)
      %parallel_loop3A_385 = arith.constant 15 : i32
      %parallel_loop3A_386 = vector.broadcast %parallel_loop3A_385 : i32 to vector<16xi32>
      %parallel_loop3A_387 = tpu.iota {dimensions = array<i32: 0>} : vector<16xi32>
      %parallel_loop3A_388 = arith.subi %parallel_loop3A_386, %parallel_loop3A_387 : vector<16xi32>
      %parallel_loop3A_389 = tpu.dynamic_gather %parallel_loop3A_375[%parallel_loop3A_388] in [0] : vector<16xf32>, vector<16xi32> -> vector<16xf32>
      %parallel_loop3A_390 = arith.maximumf %parallel_loop3A_371, %parallel_loop3A_389 : vector<16xf32>
      %parallel_loop3A_391 = arith.constant dense<true> : vector<16xi1>
      %parallel_loop3A_392, %parallel_loop3A_393, %parallel_loop3A_394 = tpu.sort %parallel_loop3A_390, %parallel_loop3A_390 masked %parallel_loop3A_391 {descending = true} : (vector<16xf32>, vector<16xf32>, vector<16xi1>) -> (vector<16xi1>, vector<16xf32>, vector<16xf32>)
      %parallel_loop3A_395 = arith.constant 15 : i32
      %parallel_loop3A_396 = vector.broadcast %parallel_loop3A_395 : i32 to vector<16xi32>
      %parallel_loop3A_397 = tpu.iota {dimensions = array<i32: 0>} : vector<16xi32>
      %parallel_loop3A_398 = arith.subi %parallel_loop3A_396, %parallel_loop3A_397 : vector<16xi32>
      %parallel_loop3A_399 = tpu.dynamic_gather %parallel_loop3A_383[%parallel_loop3A_398] in [0] : vector<16xf32>, vector<16xi32> -> vector<16xf32>
      %parallel_loop3A_400 = arith.maximumf %parallel_loop3A_379, %parallel_loop3A_399 : vector<16xf32>
      %parallel_loop3A_401 = arith.constant dense<true> : vector<16xi1>
      %parallel_loop3A_402, %parallel_loop3A_403, %parallel_loop3A_404 = tpu.sort %parallel_loop3A_400, %parallel_loop3A_400 masked %parallel_loop3A_401 {descending = true} : (vector<16xf32>, vector<16xf32>, vector<16xi1>) -> (vector<16xi1>, vector<16xf32>, vector<16xf32>)
      %parallel_loop3A_405 = arith.constant 15 : i32
      %parallel_loop3A_406 = vector.broadcast %parallel_loop3A_405 : i32 to vector<16xi32>
      %parallel_loop3A_407 = tpu.iota {dimensions = array<i32: 0>} : vector<16xi32>
      %parallel_loop3A_408 = arith.subi %parallel_loop3A_406, %parallel_loop3A_407 : vector<16xi32>
      %parallel_loop3A_409 = tpu.dynamic_gather %parallel_loop3A_403[%parallel_loop3A_408] in [0] : vector<16xf32>, vector<16xi32> -> vector<16xf32>
      %parallel_loop3A_410 = arith.maximumf %parallel_loop3A_393, %parallel_loop3A_409 : vector<16xf32>
      %parallel_loop3A_411 = arith.constant dense<true> : vector<16xi1>
      %parallel_loop3A_412, %parallel_loop3A_413, %parallel_loop3A_414 = tpu.sort %parallel_loop3A_410, %parallel_loop3A_410 masked %parallel_loop3A_411 {descending = true} : (vector<16xf32>, vector<16xf32>, vector<16xi1>) -> (vector<16xi1>, vector<16xf32>, vector<16xf32>)
      %parallel_loop3A_415 = vector.extract_strided_slice %parallel_loop3A_413 {offsets = [7], sizes = [1], strides = [1]} : vector<16xf32> to vector<1xf32>
      %parallel_loop3A_416 = vector.extract %parallel_loop3A_415[0] : f32 from vector<1xf32>
      %parallel_loop3A_417 = vector.extract_strided_slice %parallel_loop3A_413 {offsets = [0], sizes = [1], strides = [1]} : vector<16xf32> to vector<1xf32>
      %parallel_loop3A_418 = vector.extract %parallel_loop3A_417[0] : f32 from vector<1xf32>
      %parallel_loop3A_419 = vector.broadcast %parallel_loop3A_416 : f32 to vector<16xf32>
      %parallel_loop3A_420 = arith.cmpf ogt, %parallel_loop3A_353, %parallel_loop3A_419 : vector<16xf32>
      %parallel_loop3A_421 = vector.broadcast %parallel_loop3A_416 : f32 to vector<16xf32>
      %parallel_loop3A_422 = arith.cmpf ogt, %parallel_loop3A_358, %parallel_loop3A_421 : vector<16xf32>
      %parallel_loop3A_423 = vector.broadcast %parallel_loop3A_416 : f32 to vector<16xf32>
      %parallel_loop3A_424 = arith.cmpf ogt, %parallel_loop3A_363, %parallel_loop3A_423 : vector<16xf32>
      %parallel_loop3A_425 = vector.broadcast %parallel_loop3A_416 : f32 to vector<16xf32>
      %parallel_loop3A_426 = arith.cmpf ogt, %parallel_loop3A_368, %parallel_loop3A_425 : vector<16xf32>
      %parallel_loop3A_427 = vector.broadcast %parallel_loop3A_416 : f32 to vector<16xf32>
      %parallel_loop3A_428 = arith.cmpf oeq, %parallel_loop3A_353, %parallel_loop3A_427 : vector<16xf32>
      %parallel_loop3A_429 = vector.broadcast %parallel_loop3A_416 : f32 to vector<16xf32>
      %parallel_loop3A_430 = arith.cmpf oeq, %parallel_loop3A_358, %parallel_loop3A_429 : vector<16xf32>
      %parallel_loop3A_431 = vector.broadcast %parallel_loop3A_416 : f32 to vector<16xf32>
      %parallel_loop3A_432 = arith.cmpf oeq, %parallel_loop3A_363, %parallel_loop3A_431 : vector<16xf32>
      %parallel_loop3A_433 = vector.broadcast %parallel_loop3A_416 : f32 to vector<16xf32>
      %parallel_loop3A_434 = arith.cmpf oeq, %parallel_loop3A_368, %parallel_loop3A_433 : vector<16xf32>
      %parallel_loop3A_435 = vector.broadcast %parallel_loop3A_416 : f32 to vector<16xf32>
      %parallel_loop3A_436 = arith.cmpf ogt, %parallel_loop3A_413, %parallel_loop3A_435 : vector<16xf32>
      %parallel_loop3A_437 = tpu.all_reduce %parallel_loop3A_436 {dim = 0 : i64, kind = #tpu.reduction_kind<sum>} : vector<16xi1> -> vector<16xi32>
      %parallel_loop3A_438 = arith.constant 8 : i32
      %parallel_loop3A_439 = vector.broadcast %parallel_loop3A_438 : i32 to vector<16xi32>
      %parallel_loop3A_440 = arith.subi %parallel_loop3A_439, %parallel_loop3A_437 : vector<16xi32>
      %parallel_loop3A_441 = arith.constant 0 : i32
      %parallel_loop3A_442 = vector.broadcast %parallel_loop3A_441 : i32 to vector<16xi32>
      %parallel_loop3A_443 = arith.extui %parallel_loop3A_428 : vector<16xi1> to vector<16xi32>
      %parallel_loop3A_444 = arith.constant true
      %parallel_loop3A_445 = vector.broadcast %parallel_loop3A_444 : i1 to vector<16xi1>
      %parallel_loop3A_446 = tpu.scan <sum>, %parallel_loop3A_443 masked %parallel_loop3A_445 : vector<16xi32>, vector<16xi1> -> vector<16xi32>
      %parallel_loop3A_447 = arith.subi %parallel_loop3A_446, %parallel_loop3A_443 : vector<16xi32>
      %parallel_loop3A_448 = arith.addi %parallel_loop3A_447, %parallel_loop3A_442 : vector<16xi32>
      %parallel_loop3A_449 = tpu.all_reduce %parallel_loop3A_428 {dim = 0 : i64, kind = #tpu.reduction_kind<sum>} : vector<16xi1> -> vector<16xi32>
      %parallel_loop3A_450 = arith.addi %parallel_loop3A_442, %parallel_loop3A_449 : vector<16xi32>
      %parallel_loop3A_451 = arith.cmpi slt, %parallel_loop3A_448, %parallel_loop3A_440 : vector<16xi32>
      %parallel_loop3A_452 = arith.andi %parallel_loop3A_428, %parallel_loop3A_451 : vector<16xi1>
      %parallel_loop3A_453 = arith.ori %parallel_loop3A_420, %parallel_loop3A_452 : vector<16xi1>
      %parallel_loop3A_454 = arith.extui %parallel_loop3A_430 : vector<16xi1> to vector<16xi32>
      %parallel_loop3A_455 = arith.constant true
      %parallel_loop3A_456 = vector.broadcast %parallel_loop3A_455 : i1 to vector<16xi1>
      %parallel_loop3A_457 = tpu.scan <sum>, %parallel_loop3A_454 masked %parallel_loop3A_456 : vector<16xi32>, vector<16xi1> -> vector<16xi32>
      %parallel_loop3A_458 = arith.subi %parallel_loop3A_457, %parallel_loop3A_454 : vector<16xi32>
      %parallel_loop3A_459 = arith.addi %parallel_loop3A_458, %parallel_loop3A_450 : vector<16xi32>
      %parallel_loop3A_460 = tpu.all_reduce %parallel_loop3A_430 {dim = 0 : i64, kind = #tpu.reduction_kind<sum>} : vector<16xi1> -> vector<16xi32>
      %parallel_loop3A_461 = arith.addi %parallel_loop3A_450, %parallel_loop3A_460 : vector<16xi32>
      %parallel_loop3A_462 = arith.cmpi slt, %parallel_loop3A_459, %parallel_loop3A_440 : vector<16xi32>
      %parallel_loop3A_463 = arith.andi %parallel_loop3A_430, %parallel_loop3A_462 : vector<16xi1>
      %parallel_loop3A_464 = arith.ori %parallel_loop3A_422, %parallel_loop3A_463 : vector<16xi1>
      %parallel_loop3A_465 = arith.extui %parallel_loop3A_432 : vector<16xi1> to vector<16xi32>
      %parallel_loop3A_466 = arith.constant true
      %parallel_loop3A_467 = vector.broadcast %parallel_loop3A_466 : i1 to vector<16xi1>
      %parallel_loop3A_468 = tpu.scan <sum>, %parallel_loop3A_465 masked %parallel_loop3A_467 : vector<16xi32>, vector<16xi1> -> vector<16xi32>
      %parallel_loop3A_469 = arith.subi %parallel_loop3A_468, %parallel_loop3A_465 : vector<16xi32>
      %parallel_loop3A_470 = arith.addi %parallel_loop3A_469, %parallel_loop3A_461 : vector<16xi32>
      %parallel_loop3A_471 = tpu.all_reduce %parallel_loop3A_432 {dim = 0 : i64, kind = #tpu.reduction_kind<sum>} : vector<16xi1> -> vector<16xi32>
      %parallel_loop3A_472 = arith.addi %parallel_loop3A_461, %parallel_loop3A_471 : vector<16xi32>
      %parallel_loop3A_473 = arith.cmpi slt, %parallel_loop3A_470, %parallel_loop3A_440 : vector<16xi32>
      %parallel_loop3A_474 = arith.andi %parallel_loop3A_432, %parallel_loop3A_473 : vector<16xi1>
      %parallel_loop3A_475 = arith.ori %parallel_loop3A_424, %parallel_loop3A_474 : vector<16xi1>
      %parallel_loop3A_476 = arith.extui %parallel_loop3A_434 : vector<16xi1> to vector<16xi32>
      %parallel_loop3A_477 = arith.constant true
      %parallel_loop3A_478 = vector.broadcast %parallel_loop3A_477 : i1 to vector<16xi1>
      %parallel_loop3A_479 = tpu.scan <sum>, %parallel_loop3A_476 masked %parallel_loop3A_478 : vector<16xi32>, vector<16xi1> -> vector<16xi32>
      %parallel_loop3A_480 = arith.subi %parallel_loop3A_479, %parallel_loop3A_476 : vector<16xi32>
      %parallel_loop3A_481 = arith.addi %parallel_loop3A_480, %parallel_loop3A_472 : vector<16xi32>
      %parallel_loop3A_482 = tpu.all_reduce %parallel_loop3A_434 {dim = 0 : i64, kind = #tpu.reduction_kind<sum>} : vector<16xi1> -> vector<16xi32>
      %parallel_loop3A_483 = arith.addi %parallel_loop3A_472, %parallel_loop3A_482 : vector<16xi32>
      %parallel_loop3A_484 = arith.cmpi slt, %parallel_loop3A_481, %parallel_loop3A_440 : vector<16xi32>
      %parallel_loop3A_485 = arith.andi %parallel_loop3A_434, %parallel_loop3A_484 : vector<16xi1>
      %parallel_loop3A_486 = arith.ori %parallel_loop3A_426, %parallel_loop3A_485 : vector<16xi1>
      %parallel_loop3A_487 = arith.constant -1.000000e+09 : f32
      %parallel_loop3A_488 = vector.broadcast %parallel_loop3A_487 : f32 to vector<16xf32>
      %parallel_loop3A_489 = arith.select %parallel_loop3A_453, %parallel_loop3A_353, %parallel_loop3A_488 : vector<16xi1>, vector<16xf32>
      %parallel_loop3A_490 = arith.constant -1.000000e+09 : f32
      %parallel_loop3A_491 = vector.broadcast %parallel_loop3A_490 : f32 to vector<16xf32>
      %parallel_loop3A_492 = arith.select %parallel_loop3A_464, %parallel_loop3A_358, %parallel_loop3A_491 : vector<16xi1>, vector<16xf32>
      %parallel_loop3A_493 = arith.constant -1.000000e+09 : f32
      %parallel_loop3A_494 = vector.broadcast %parallel_loop3A_493 : f32 to vector<16xf32>
      %parallel_loop3A_495 = arith.select %parallel_loop3A_475, %parallel_loop3A_363, %parallel_loop3A_494 : vector<16xi1>, vector<16xf32>
      %parallel_loop3A_496 = arith.constant -1.000000e+09 : f32
      %parallel_loop3A_497 = vector.broadcast %parallel_loop3A_496 : f32 to vector<16xf32>
      %parallel_loop3A_498 = arith.select %parallel_loop3A_486, %parallel_loop3A_368, %parallel_loop3A_497 : vector<16xi1>, vector<16xf32>
      %parallel_loop3A_499 = vector.broadcast %parallel_loop3A_418 : f32 to vector<16xf32>
      %parallel_loop3A_500 = arith.subf %parallel_loop3A_353, %parallel_loop3A_499 : vector<16xf32>
      %parallel_loop3A_501 = math.exp %parallel_loop3A_500 : vector<16xf32>
      %parallel_loop3A_502 = arith.constant 0.000000e+00 : f32
      %parallel_loop3A_503 = vector.broadcast %parallel_loop3A_502 : f32 to vector<16xf32>
      %parallel_loop3A_504 = arith.select %parallel_loop3A_453, %parallel_loop3A_501, %parallel_loop3A_503 : vector<16xi1>, vector<16xf32>
      %parallel_loop3A_505 = vector.broadcast %parallel_loop3A_418 : f32 to vector<16xf32>
      %parallel_loop3A_506 = arith.subf %parallel_loop3A_358, %parallel_loop3A_505 : vector<16xf32>
      %parallel_loop3A_507 = math.exp %parallel_loop3A_506 : vector<16xf32>
      %parallel_loop3A_508 = arith.constant 0.000000e+00 : f32
      %parallel_loop3A_509 = vector.broadcast %parallel_loop3A_508 : f32 to vector<16xf32>
      %parallel_loop3A_510 = arith.select %parallel_loop3A_464, %parallel_loop3A_507, %parallel_loop3A_509 : vector<16xi1>, vector<16xf32>
      %parallel_loop3A_511 = vector.broadcast %parallel_loop3A_418 : f32 to vector<16xf32>
      %parallel_loop3A_512 = arith.subf %parallel_loop3A_363, %parallel_loop3A_511 : vector<16xf32>
      %parallel_loop3A_513 = math.exp %parallel_loop3A_512 : vector<16xf32>
      %parallel_loop3A_514 = arith.constant 0.000000e+00 : f32
      %parallel_loop3A_515 = vector.broadcast %parallel_loop3A_514 : f32 to vector<16xf32>
      %parallel_loop3A_516 = arith.select %parallel_loop3A_475, %parallel_loop3A_513, %parallel_loop3A_515 : vector<16xi1>, vector<16xf32>
      %parallel_loop3A_517 = vector.broadcast %parallel_loop3A_418 : f32 to vector<16xf32>
      %parallel_loop3A_518 = arith.subf %parallel_loop3A_368, %parallel_loop3A_517 : vector<16xf32>
      %parallel_loop3A_519 = math.exp %parallel_loop3A_518 : vector<16xf32>
      %parallel_loop3A_520 = arith.constant 0.000000e+00 : f32
      %parallel_loop3A_521 = vector.broadcast %parallel_loop3A_520 : f32 to vector<16xf32>
      %parallel_loop3A_522 = arith.select %parallel_loop3A_486, %parallel_loop3A_519, %parallel_loop3A_521 : vector<16xi1>, vector<16xf32>
      %parallel_loop3A_523 = arith.addf %parallel_loop3A_504, %parallel_loop3A_510 : vector<16xf32>
      %parallel_loop3A_524 = arith.addf %parallel_loop3A_516, %parallel_loop3A_522 : vector<16xf32>
      %parallel_loop3A_525 = arith.addf %parallel_loop3A_523, %parallel_loop3A_524 : vector<16xf32>
      %parallel_loop3A_526 = arith.constant true
      %parallel_loop3A_527 = vector.broadcast %parallel_loop3A_526 : i1 to vector<16xi1>
      %parallel_loop3A_528 = tpu.scan <sum>, %parallel_loop3A_525 masked %parallel_loop3A_527 : vector<16xf32>, vector<16xi1> -> vector<16xf32>
      %parallel_loop3A_529 = vector.extract %parallel_loop3A_528[15] : f32 from vector<16xf32>
      %parallel_loop3A_530 = arith.constant 1.000000e+00 : f32
      %parallel_loop3A_531 = vector.broadcast %parallel_loop3A_530 : f32 to vector<16xf32>
      %parallel_loop3A_532 = vector.broadcast %parallel_loop3A_529 : f32 to vector<16xf32>
      %parallel_loop3A_533 = arith.divf %parallel_loop3A_531, %parallel_loop3A_532 : vector<16xf32>
      %parallel_loop3A_534 = arith.mulf %parallel_loop3A_504, %parallel_loop3A_533 : vector<16xf32>
      %parallel_loop3A_535 = arith.mulf %parallel_loop3A_510, %parallel_loop3A_533 : vector<16xf32>
      %parallel_loop3A_536 = arith.mulf %parallel_loop3A_516, %parallel_loop3A_533 : vector<16xf32>
      %parallel_loop3A_537 = arith.mulf %parallel_loop3A_522, %parallel_loop3A_533 : vector<16xf32>
      %parallel_loop3A_538 = arith.constant 0 : i32
      %parallel_loop3A_539 = arith.index_cast %parallel_loop3A_538 : i32 to index
      %parallel_loop3A_540 = arith.index_cast %parallel_loop3A_348 : i32 to index
      %parallel_loop3A_541 = arith.constant 0 : index
      %parallel_loop3A_542 = tpu.vector_load %arg6[%parallel_loop3A_539, %parallel_loop3A_540, %parallel_loop3A_541] {strides = array<i32>} : memref<2x128x64xf32, #tpu.memory_space<vmem>>, vector<16xf32>,
      tpu.vector_store %arg6[%parallel_loop3A_539, %parallel_loop3A_540, %parallel_loop3A_541], %parallel_loop3A_534 {strides = array<i32>} : memref<2x128x64xf32, #tpu.memory_space<vmem>>, vector<16xf32>,
      %parallel_loop3A_543 = arith.constant 0 : i32
      %parallel_loop3A_544 = arith.index_cast %parallel_loop3A_543 : i32 to index
      %parallel_loop3A_545 = arith.index_cast %parallel_loop3A_348 : i32 to index
      %parallel_loop3A_546 = arith.constant 0 : index
      %parallel_loop3A_547 = tpu.vector_load %arg7[%parallel_loop3A_544, %parallel_loop3A_545, %parallel_loop3A_546] {strides = array<i32>} : memref<2x128x64xf32, #tpu.memory_space<vmem>>, vector<16xf32>,
      tpu.vector_store %arg7[%parallel_loop3A_544, %parallel_loop3A_545, %parallel_loop3A_546], %parallel_loop3A_489 {strides = array<i32>} : memref<2x128x64xf32, #tpu.memory_space<vmem>>, vector<16xf32>,
      %parallel_loop3A_548 = arith.constant 0 : i32
      %parallel_loop3A_549 = arith.index_cast %parallel_loop3A_548 : i32 to index
      %parallel_loop3A_550 = arith.index_cast %parallel_loop3A_348 : i32 to index
      %parallel_loop3A_551 = arith.constant 16 : index
      %parallel_loop3A_552 = tpu.vector_load %arg6[%parallel_loop3A_549, %parallel_loop3A_550, %parallel_loop3A_551] {strides = array<i32>} : memref<2x128x64xf32, #tpu.memory_space<vmem>>, vector<16xf32>,
      tpu.vector_store %arg6[%parallel_loop3A_549, %parallel_loop3A_550, %parallel_loop3A_551], %parallel_loop3A_535 {strides = array<i32>} : memref<2x128x64xf32, #tpu.memory_space<vmem>>, vector<16xf32>,
      %parallel_loop3A_553 = arith.constant 0 : i32
      %parallel_loop3A_554 = arith.index_cast %parallel_loop3A_553 : i32 to index
      %parallel_loop3A_555 = arith.index_cast %parallel_loop3A_348 : i32 to index
      %parallel_loop3A_556 = arith.constant 16 : index
      %parallel_loop3A_557 = tpu.vector_load %arg7[%parallel_loop3A_554, %parallel_loop3A_555, %parallel_loop3A_556] {strides = array<i32>} : memref<2x128x64xf32, #tpu.memory_space<vmem>>, vector<16xf32>,
      tpu.vector_store %arg7[%parallel_loop3A_554, %parallel_loop3A_555, %parallel_loop3A_556], %parallel_loop3A_492 {strides = array<i32>} : memref<2x128x64xf32, #tpu.memory_space<vmem>>, vector<16xf32>,
      %parallel_loop3A_558 = arith.constant 0 : i32
      %parallel_loop3A_559 = arith.index_cast %parallel_loop3A_558 : i32 to index
      %parallel_loop3A_560 = arith.index_cast %parallel_loop3A_348 : i32 to index
      %parallel_loop3A_561 = arith.constant 32 : index
      %parallel_loop3A_562 = tpu.vector_load %arg6[%parallel_loop3A_559, %parallel_loop3A_560, %parallel_loop3A_561] {strides = array<i32>} : memref<2x128x64xf32, #tpu.memory_space<vmem>>, vector<16xf32>,
      tpu.vector_store %arg6[%parallel_loop3A_559, %parallel_loop3A_560, %parallel_loop3A_561], %parallel_loop3A_536 {strides = array<i32>} : memref<2x128x64xf32, #tpu.memory_space<vmem>>, vector<16xf32>,
      %parallel_loop3A_563 = arith.constant 0 : i32
      %parallel_loop3A_564 = arith.index_cast %parallel_loop3A_563 : i32 to index
      %parallel_loop3A_565 = arith.index_cast %parallel_loop3A_348 : i32 to index
      %parallel_loop3A_566 = arith.constant 32 : index
      %parallel_loop3A_567 = tpu.vector_load %arg7[%parallel_loop3A_564, %parallel_loop3A_565, %parallel_loop3A_566] {strides = array<i32>} : memref<2x128x64xf32, #tpu.memory_space<vmem>>, vector<16xf32>,
      tpu.vector_store %arg7[%parallel_loop3A_564, %parallel_loop3A_565, %parallel_loop3A_566], %parallel_loop3A_495 {strides = array<i32>} : memref<2x128x64xf32, #tpu.memory_space<vmem>>, vector<16xf32>,
      %parallel_loop3A_568 = arith.constant 0 : i32
      %parallel_loop3A_569 = arith.index_cast %parallel_loop3A_568 : i32 to index
      %parallel_loop3A_570 = arith.index_cast %parallel_loop3A_348 : i32 to index
      %parallel_loop3A_571 = arith.constant 48 : index
      %parallel_loop3A_572 = tpu.vector_load %arg6[%parallel_loop3A_569, %parallel_loop3A_570, %parallel_loop3A_571] {strides = array<i32>} : memref<2x128x64xf32, #tpu.memory_space<vmem>>, vector<16xf32>,
      tpu.vector_store %arg6[%parallel_loop3A_569, %parallel_loop3A_570, %parallel_loop3A_571], %parallel_loop3A_537 {strides = array<i32>} : memref<2x128x64xf32, #tpu.memory_space<vmem>>, vector<16xf32>,
      %parallel_loop3A_573 = arith.constant 0 : i32
      %parallel_loop3A_574 = arith.index_cast %parallel_loop3A_573 : i32 to index
      %parallel_loop3A_575 = arith.index_cast %parallel_loop3A_348 : i32 to index
      %parallel_loop3A_576 = arith.constant 48 : index
      %parallel_loop3A_577 = tpu.vector_load %arg7[%parallel_loop3A_574, %parallel_loop3A_575, %parallel_loop3A_576] {strides = array<i32>} : memref<2x128x64xf32, #tpu.memory_space<vmem>>, vector<16xf32>,
      tpu.vector_store %arg7[%parallel_loop3A_574, %parallel_loop3A_575, %parallel_loop3A_576], %parallel_loop3A_498 {strides = array<i32>} : memref<2x128x64xf32, #tpu.memory_space<vmem>>, vector<16xf32>,
    } {sc.loop_unroll_factor = 1 : i64, sc.parallel_access}
    %add3A_194 = arith.constant 256 : i32
    %add3A_195 = arith.addi %mul3A_2, %add3A_194 : i32
    %dma_start3A_196 = arith.constant 0 : i32
    %dma_start3A_197 = arith.constant 0 : i32
    %dma_start3A_198 = arith.constant 0 : i32
    %dma_start3A_199 = tpu.memref_slice %arg6[%dma_start3A_196, %dma_start3A_197, %dma_start3A_198] : memref<2x128x64xf32, #tpu.memory_space<vmem>> -> memref<1x128x64xf32, #tpu.memory_space<vmem>>
    %dma_start3A_200 = tpu.memref_squeeze %dma_start3A_199 : memref<1x128x64xf32, #tpu.memory_space<vmem>> -> memref<128x64xf32, #tpu.memory_space<vmem>>
    %dma_start3A_201 = arith.constant 0 : i32
    %dma_start3A_202 = tpu.memref_slice %arg3[%add3A_195, %dma_start3A_201] : memref<16384x64xf32, #tpu.memory_space<hbm>> -> memref<128x64xf32, #tpu.memory_space<hbm>>
    %dma_start3A_203 = arith.constant 0 : i32
    %dma_start3A_204 = tpu.memref_slice %arg3[%add3A_195, %dma_start3A_203] : memref<16384x64xf32, #tpu.memory_space<hbm>> -> memref<128x64xf32, #tpu.memory_space<hbm>>
    %dma_start3A_205 = arith.constant 0 : i32
    %dma_start3A_206 = arith.constant 0 : i32
    %dma_start3A_207 = tpu.memref_slice %arg6[%dma_start3A_196, %dma_start3A_205, %dma_start3A_206] : memref<2x128x64xf32, #tpu.memory_space<vmem>> -> memref<1x128x64xf32, #tpu.memory_space<vmem>>
    %dma_start3A_208 = tpu.memref_squeeze %dma_start3A_207 : memref<1x128x64xf32, #tpu.memory_space<vmem>> -> memref<128x64xf32, #tpu.memory_space<vmem>>
    tpu.enqueue_dma source(%dma_start3A_208 : memref<128x64xf32, #tpu.memory_space<vmem>>) target(%dma_start3A_204 : memref<128x64xf32, #tpu.memory_space<hbm>>) target_semaphore(%arg10 : memref<!tpu.dma_semaphore, #tpu.memory_space<semaphore_mem>>)
    %add3A_209 = arith.constant 256 : i32
    %add3A_210 = arith.addi %mul3A_2, %add3A_209 : i32
    %dma_start3A_211 = arith.constant 0 : i32
    %dma_start3A_212 = arith.constant 0 : i32
    %dma_start3A_213 = arith.constant 0 : i32
    %dma_start3A_214 = tpu.memref_slice %arg7[%dma_start3A_211, %dma_start3A_212, %dma_start3A_213] : memref<2x128x64xf32, #tpu.memory_space<vmem>> -> memref<1x128x64xf32, #tpu.memory_space<vmem>>
    %dma_start3A_215 = tpu.memref_squeeze %dma_start3A_214 : memref<1x128x64xf32, #tpu.memory_space<vmem>> -> memref<128x64xf32, #tpu.memory_space<vmem>>
    %dma_start3A_216 = arith.constant 0 : i32
    %dma_start3A_217 = tpu.memref_slice %arg4[%add3A_210, %dma_start3A_216] : memref<16384x64xf32, #tpu.memory_space<hbm>> -> memref<128x64xf32, #tpu.memory_space<hbm>>
    %dma_start3A_218 = arith.constant 0 : i32
    %dma_start3A_219 = tpu.memref_slice %arg4[%add3A_210, %dma_start3A_218] : memref<16384x64xf32, #tpu.memory_space<hbm>> -> memref<128x64xf32, #tpu.memory_space<hbm>>
    %dma_start3A_220 = arith.constant 0 : i32
    %dma_start3A_221 = arith.constant 0 : i32
    %dma_start3A_222 = tpu.memref_slice %arg7[%dma_start3A_211, %dma_start3A_220, %dma_start3A_221] : memref<2x128x64xf32, #tpu.memory_space<vmem>> -> memref<1x128x64xf32, #tpu.memory_space<vmem>>
    %dma_start3A_223 = tpu.memref_squeeze %dma_start3A_222 : memref<1x128x64xf32, #tpu.memory_space<vmem>> -> memref<128x64xf32, #tpu.memory_space<vmem>>
    tpu.enqueue_dma source(%dma_start3A_223 : memref<128x64xf32, #tpu.memory_space<vmem>>) target(%dma_start3A_219 : memref<128x64xf32, #tpu.memory_space<hbm>>) target_semaphore(%arg10 : memref<!tpu.dma_semaphore, #tpu.memory_space<semaphore_mem>>)
    %dma_wait3A_224 = arith.constant 1 : i32
    %dma_wait3A_225 = arith.constant 0 : i32
    %dma_wait3A_226 = arith.constant 0 : i32
    %dma_wait3A_227 = tpu.memref_slice %arg5[%dma_wait3A_224, %dma_wait3A_225, %dma_wait3A_226] : memref<2x128x64xf32, #tpu.memory_space<vmem>> -> memref<1x128x64xf32, #tpu.memory_space<vmem>>
    %dma_wait3A_228 = tpu.memref_squeeze %dma_wait3A_227 : memref<1x128x64xf32, #tpu.memory_space<vmem>> -> memref<128x64xf32, #tpu.memory_space<vmem>>
    %dma_wait3A_229 = arith.constant 0 : i32
    %dma_wait3A_230 = tpu.memref_slice %arg2[%add3A_138, %dma_wait3A_229] : memref<16384x64xf32, #tpu.memory_space<hbm>> -> memref<128x64xf32, #tpu.memory_space<hbm>>
    %dma_wait3A_231 = arith.constant 0 : i32
    %dma_wait3A_232 = arith.constant 0 : i32
    %dma_wait3A_233 = tpu.memref_slice %arg5[%dma_wait3A_224, %dma_wait3A_231, %dma_wait3A_232] : memref<2x128x64xf32, #tpu.memory_space<vmem>> -> memref<1x128x64xf32, #tpu.memory_space<vmem>>
    %dma_wait3A_234 = tpu.memref_squeeze %dma_wait3A_233 : memref<1x128x64xf32, #tpu.memory_space<vmem>> -> memref<128x64xf32, #tpu.memory_space<vmem>>
    %dma_wait3A_235 = arith.constant 0 : i32
    %dma_wait3A_236 = tpu.memref_slice %arg2[%add3A_138, %dma_wait3A_235] : memref<16384x64xf32, #tpu.memory_space<hbm>> -> memref<128x64xf32, #tpu.memory_space<hbm>>
    tpu.wait_dma2 semaphore(%arg9 : memref<!tpu.dma_semaphore, #tpu.memory_space<semaphore_mem>>) src(%dma_wait3A_236 : memref<128x64xf32, #tpu.memory_space<hbm>>) dst(%dma_wait3A_234 : memref<128x64xf32, #tpu.memory_space<vmem>>)
    %dma_wait3A_237 = arith.constant 1 : i32
    %dma_wait3A_238 = arith.constant 0 : i32
    %dma_wait3A_239 = arith.constant 0 : i32
    %dma_wait3A_240 = tpu.memref_slice %arg6[%dma_wait3A_237, %dma_wait3A_238, %dma_wait3A_239] : memref<2x128x64xf32, #tpu.memory_space<vmem>> -> memref<1x128x64xf32, #tpu.memory_space<vmem>>
    %dma_wait3A_241 = tpu.memref_squeeze %dma_wait3A_240 : memref<1x128x64xf32, #tpu.memory_space<vmem>> -> memref<128x64xf32, #tpu.memory_space<vmem>>
    %dma_wait3A_242 = arith.constant 0 : i32
    %dma_wait3A_243 = tpu.memref_slice %arg3[%add3A_108, %dma_wait3A_242] : memref<16384x64xf32, #tpu.memory_space<hbm>> -> memref<128x64xf32, #tpu.memory_space<hbm>>
    %dma_wait3A_244 = arith.constant 0 : i32
    %dma_wait3A_245 = tpu.memref_slice %arg3[%add3A_108, %dma_wait3A_244] : memref<16384x64xf32, #tpu.memory_space<hbm>> -> memref<128x64xf32, #tpu.memory_space<hbm>>
    %dma_wait3A_246 = arith.constant 0 : i32
    %dma_wait3A_247 = arith.constant 0 : i32
    %dma_wait3A_248 = tpu.memref_slice %arg6[%dma_wait3A_237, %dma_wait3A_246, %dma_wait3A_247] : memref<2x128x64xf32, #tpu.memory_space<vmem>> -> memref<1x128x64xf32, #tpu.memory_space<vmem>>
    %dma_wait3A_249 = tpu.memref_squeeze %dma_wait3A_248 : memref<1x128x64xf32, #tpu.memory_space<vmem>> -> memref<128x64xf32, #tpu.memory_space<vmem>>
    tpu.wait_dma2 semaphore(%arg11 : memref<!tpu.dma_semaphore, #tpu.memory_space<semaphore_mem>>) src(%dma_wait3A_249 : memref<128x64xf32, #tpu.memory_space<vmem>>) dst(%dma_wait3A_245 : memref<128x64xf32, #tpu.memory_space<hbm>>)
    %dma_wait3A_250 = arith.constant 1 : i32
    %dma_wait3A_251 = arith.constant 0 : i32
    %dma_wait3A_252 = arith.constant 0 : i32
    %dma_wait3A_253 = tpu.memref_slice %arg7[%dma_wait3A_250, %dma_wait3A_251, %dma_wait3A_252] : memref<2x128x64xf32, #tpu.memory_space<vmem>> -> memref<1x128x64xf32, #tpu.memory_space<vmem>>
    %dma_wait3A_254 = tpu.memref_squeeze %dma_wait3A_253 : memref<1x128x64xf32, #tpu.memory_space<vmem>> -> memref<128x64xf32, #tpu.memory_space<vmem>>
    %dma_wait3A_255 = arith.constant 0 : i32
    %dma_wait3A_256 = tpu.memref_slice %arg4[%add3A_123, %dma_wait3A_255] : memref<16384x64xf32, #tpu.memory_space<hbm>> -> memref<128x64xf32, #tpu.memory_space<hbm>>
    %dma_wait3A_257 = arith.constant 0 : i32
    %dma_wait3A_258 = tpu.memref_slice %arg4[%add3A_123, %dma_wait3A_257] : memref<16384x64xf32, #tpu.memory_space<hbm>> -> memref<128x64xf32, #tpu.memory_space<hbm>>
    %dma_wait3A_259 = arith.constant 0 : i32
    %dma_wait3A_260 = arith.constant 0 : i32
    %dma_wait3A_261 = tpu.memref_slice %arg7[%dma_wait3A_250, %dma_wait3A_259, %dma_wait3A_260] : memref<2x128x64xf32, #tpu.memory_space<vmem>> -> memref<1x128x64xf32, #tpu.memory_space<vmem>>
    %dma_wait3A_262 = tpu.memref_squeeze %dma_wait3A_261 : memref<1x128x64xf32, #tpu.memory_space<vmem>> -> memref<128x64xf32, #tpu.memory_space<vmem>>
    tpu.wait_dma2 semaphore(%arg11 : memref<!tpu.dma_semaphore, #tpu.memory_space<semaphore_mem>>) src(%dma_wait3A_262 : memref<128x64xf32, #tpu.memory_space<vmem>>) dst(%dma_wait3A_258 : memref<128x64xf32, #tpu.memory_space<hbm>>)
    %parallel_loop3A_263 = arith.constant 0 : i32
    %parallel_loop3A_264 = arith.constant 128 : i32
    %parallel_loop3A_265 = arith.constant 1 : i32
    scf.for %parallel_loop3A_348 = %parallel_loop3A_263 to %parallel_loop3A_264 step %parallel_loop3A_265  : i32 {
      %parallel_loop3A_349 = arith.constant 1 : i32
      %parallel_loop3A_350 = arith.index_cast %parallel_loop3A_349 : i32 to index
      %parallel_loop3A_351 = arith.index_cast %parallel_loop3A_348 : i32 to index
      %parallel_loop3A_352 = arith.constant 0 : index
      %parallel_loop3A_353 = tpu.vector_load %arg5[%parallel_loop3A_350, %parallel_loop3A_351, %parallel_loop3A_352] {strides = array<i32>} : memref<2x128x64xf32, #tpu.memory_space<vmem>>, vector<16xf32>,
      %parallel_loop3A_354 = arith.constant 1 : i32
      %parallel_loop3A_355 = arith.index_cast %parallel_loop3A_354 : i32 to index
      %parallel_loop3A_356 = arith.index_cast %parallel_loop3A_348 : i32 to index
      %parallel_loop3A_357 = arith.constant 16 : index
      %parallel_loop3A_358 = tpu.vector_load %arg5[%parallel_loop3A_355, %parallel_loop3A_356, %parallel_loop3A_357] {strides = array<i32>} : memref<2x128x64xf32, #tpu.memory_space<vmem>>, vector<16xf32>,
      %parallel_loop3A_359 = arith.constant 1 : i32
      %parallel_loop3A_360 = arith.index_cast %parallel_loop3A_359 : i32 to index
      %parallel_loop3A_361 = arith.index_cast %parallel_loop3A_348 : i32 to index
      %parallel_loop3A_362 = arith.constant 32 : index
      %parallel_loop3A_363 = tpu.vector_load %arg5[%parallel_loop3A_360, %parallel_loop3A_361, %parallel_loop3A_362] {strides = array<i32>} : memref<2x128x64xf32, #tpu.memory_space<vmem>>, vector<16xf32>,
      %parallel_loop3A_364 = arith.constant 1 : i32
      %parallel_loop3A_365 = arith.index_cast %parallel_loop3A_364 : i32 to index
      %parallel_loop3A_366 = arith.index_cast %parallel_loop3A_348 : i32 to index
      %parallel_loop3A_367 = arith.constant 48 : index
      %parallel_loop3A_368 = tpu.vector_load %arg5[%parallel_loop3A_365, %parallel_loop3A_366, %parallel_loop3A_367] {strides = array<i32>} : memref<2x128x64xf32, #tpu.memory_space<vmem>>, vector<16xf32>,
      %parallel_loop3A_369 = arith.constant dense<true> : vector<16xi1>
      %parallel_loop3A_370, %parallel_loop3A_371, %parallel_loop3A_372 = tpu.sort %parallel_loop3A_353, %parallel_loop3A_353 masked %parallel_loop3A_369 {descending = true} : (vector<16xf32>, vector<16xf32>, vector<16xi1>) -> (vector<16xi1>, vector<16xf32>, vector<16xf32>)
      %parallel_loop3A_373 = arith.constant dense<true> : vector<16xi1>
      %parallel_loop3A_374, %parallel_loop3A_375, %parallel_loop3A_376 = tpu.sort %parallel_loop3A_358, %parallel_loop3A_358 masked %parallel_loop3A_373 {descending = true} : (vector<16xf32>, vector<16xf32>, vector<16xi1>) -> (vector<16xi1>, vector<16xf32>, vector<16xf32>)
      %parallel_loop3A_377 = arith.constant dense<true> : vector<16xi1>
      %parallel_loop3A_378, %parallel_loop3A_379, %parallel_loop3A_380 = tpu.sort %parallel_loop3A_363, %parallel_loop3A_363 masked %parallel_loop3A_377 {descending = true} : (vector<16xf32>, vector<16xf32>, vector<16xi1>) -> (vector<16xi1>, vector<16xf32>, vector<16xf32>)
      %parallel_loop3A_381 = arith.constant dense<true> : vector<16xi1>
      %parallel_loop3A_382, %parallel_loop3A_383, %parallel_loop3A_384 = tpu.sort %parallel_loop3A_368, %parallel_loop3A_368 masked %parallel_loop3A_381 {descending = true} : (vector<16xf32>, vector<16xf32>, vector<16xi1>) -> (vector<16xi1>, vector<16xf32>, vector<16xf32>)
      %parallel_loop3A_385 = arith.constant 15 : i32
      %parallel_loop3A_386 = vector.broadcast %parallel_loop3A_385 : i32 to vector<16xi32>
      %parallel_loop3A_387 = tpu.iota {dimensions = array<i32: 0>} : vector<16xi32>
      %parallel_loop3A_388 = arith.subi %parallel_loop3A_386, %parallel_loop3A_387 : vector<16xi32>
      %parallel_loop3A_389 = tpu.dynamic_gather %parallel_loop3A_375[%parallel_loop3A_388] in [0] : vector<16xf32>, vector<16xi32> -> vector<16xf32>
      %parallel_loop3A_390 = arith.maximumf %parallel_loop3A_371, %parallel_loop3A_389 : vector<16xf32>
      %parallel_loop3A_391 = arith.constant dense<true> : vector<16xi1>
      %parallel_loop3A_392, %parallel_loop3A_393, %parallel_loop3A_394 = tpu.sort %parallel_loop3A_390, %parallel_loop3A_390 masked %parallel_loop3A_391 {descending = true} : (vector<16xf32>, vector<16xf32>, vector<16xi1>) -> (vector<16xi1>, vector<16xf32>, vector<16xf32>)
      %parallel_loop3A_395 = arith.constant 15 : i32
      %parallel_loop3A_396 = vector.broadcast %parallel_loop3A_395 : i32 to vector<16xi32>
      %parallel_loop3A_397 = tpu.iota {dimensions = array<i32: 0>} : vector<16xi32>
      %parallel_loop3A_398 = arith.subi %parallel_loop3A_396, %parallel_loop3A_397 : vector<16xi32>
      %parallel_loop3A_399 = tpu.dynamic_gather %parallel_loop3A_383[%parallel_loop3A_398] in [0] : vector<16xf32>, vector<16xi32> -> vector<16xf32>
      %parallel_loop3A_400 = arith.maximumf %parallel_loop3A_379, %parallel_loop3A_399 : vector<16xf32>
      %parallel_loop3A_401 = arith.constant dense<true> : vector<16xi1>
      %parallel_loop3A_402, %parallel_loop3A_403, %parallel_loop3A_404 = tpu.sort %parallel_loop3A_400, %parallel_loop3A_400 masked %parallel_loop3A_401 {descending = true} : (vector<16xf32>, vector<16xf32>, vector<16xi1>) -> (vector<16xi1>, vector<16xf32>, vector<16xf32>)
      %parallel_loop3A_405 = arith.constant 15 : i32
      %parallel_loop3A_406 = vector.broadcast %parallel_loop3A_405 : i32 to vector<16xi32>
      %parallel_loop3A_407 = tpu.iota {dimensions = array<i32: 0>} : vector<16xi32>
      %parallel_loop3A_408 = arith.subi %parallel_loop3A_406, %parallel_loop3A_407 : vector<16xi32>
      %parallel_loop3A_409 = tpu.dynamic_gather %parallel_loop3A_403[%parallel_loop3A_408] in [0] : vector<16xf32>, vector<16xi32> -> vector<16xf32>
      %parallel_loop3A_410 = arith.maximumf %parallel_loop3A_393, %parallel_loop3A_409 : vector<16xf32>
      %parallel_loop3A_411 = arith.constant dense<true> : vector<16xi1>
      %parallel_loop3A_412, %parallel_loop3A_413, %parallel_loop3A_414 = tpu.sort %parallel_loop3A_410, %parallel_loop3A_410 masked %parallel_loop3A_411 {descending = true} : (vector<16xf32>, vector<16xf32>, vector<16xi1>) -> (vector<16xi1>, vector<16xf32>, vector<16xf32>)
      %parallel_loop3A_415 = vector.extract_strided_slice %parallel_loop3A_413 {offsets = [7], sizes = [1], strides = [1]} : vector<16xf32> to vector<1xf32>
      %parallel_loop3A_416 = vector.extract %parallel_loop3A_415[0] : f32 from vector<1xf32>
      %parallel_loop3A_417 = vector.extract_strided_slice %parallel_loop3A_413 {offsets = [0], sizes = [1], strides = [1]} : vector<16xf32> to vector<1xf32>
      %parallel_loop3A_418 = vector.extract %parallel_loop3A_417[0] : f32 from vector<1xf32>
      %parallel_loop3A_419 = vector.broadcast %parallel_loop3A_416 : f32 to vector<16xf32>
      %parallel_loop3A_420 = arith.cmpf ogt, %parallel_loop3A_353, %parallel_loop3A_419 : vector<16xf32>
      %parallel_loop3A_421 = vector.broadcast %parallel_loop3A_416 : f32 to vector<16xf32>
      %parallel_loop3A_422 = arith.cmpf ogt, %parallel_loop3A_358, %parallel_loop3A_421 : vector<16xf32>
      %parallel_loop3A_423 = vector.broadcast %parallel_loop3A_416 : f32 to vector<16xf32>
      %parallel_loop3A_424 = arith.cmpf ogt, %parallel_loop3A_363, %parallel_loop3A_423 : vector<16xf32>
      %parallel_loop3A_425 = vector.broadcast %parallel_loop3A_416 : f32 to vector<16xf32>
      %parallel_loop3A_426 = arith.cmpf ogt, %parallel_loop3A_368, %parallel_loop3A_425 : vector<16xf32>
      %parallel_loop3A_427 = vector.broadcast %parallel_loop3A_416 : f32 to vector<16xf32>
      %parallel_loop3A_428 = arith.cmpf oeq, %parallel_loop3A_353, %parallel_loop3A_427 : vector<16xf32>
      %parallel_loop3A_429 = vector.broadcast %parallel_loop3A_416 : f32 to vector<16xf32>
      %parallel_loop3A_430 = arith.cmpf oeq, %parallel_loop3A_358, %parallel_loop3A_429 : vector<16xf32>
      %parallel_loop3A_431 = vector.broadcast %parallel_loop3A_416 : f32 to vector<16xf32>
      %parallel_loop3A_432 = arith.cmpf oeq, %parallel_loop3A_363, %parallel_loop3A_431 : vector<16xf32>
      %parallel_loop3A_433 = vector.broadcast %parallel_loop3A_416 : f32 to vector<16xf32>
      %parallel_loop3A_434 = arith.cmpf oeq, %parallel_loop3A_368, %parallel_loop3A_433 : vector<16xf32>
      %parallel_loop3A_435 = vector.broadcast %parallel_loop3A_416 : f32 to vector<16xf32>
      %parallel_loop3A_436 = arith.cmpf ogt, %parallel_loop3A_413, %parallel_loop3A_435 : vector<16xf32>
      %parallel_loop3A_437 = tpu.all_reduce %parallel_loop3A_436 {dim = 0 : i64, kind = #tpu.reduction_kind<sum>} : vector<16xi1> -> vector<16xi32>
      %parallel_loop3A_438 = arith.constant 8 : i32
      %parallel_loop3A_439 = vector.broadcast %parallel_loop3A_438 : i32 to vector<16xi32>
      %parallel_loop3A_440 = arith.subi %parallel_loop3A_439, %parallel_loop3A_437 : vector<16xi32>
      %parallel_loop3A_441 = arith.constant 0 : i32
      %parallel_loop3A_442 = vector.broadcast %parallel_loop3A_441 : i32 to vector<16xi32>
      %parallel_loop3A_443 = arith.extui %parallel_loop3A_428 : vector<16xi1> to vector<16xi32>
      %parallel_loop3A_444 = arith.constant true
      %parallel_loop3A_445 = vector.broadcast %parallel_loop3A_444 : i1 to vector<16xi1>
      %parallel_loop3A_446 = tpu.scan <sum>, %parallel_loop3A_443 masked %parallel_loop3A_445 : vector<16xi32>, vector<16xi1> -> vector<16xi32>
      %parallel_loop3A_447 = arith.subi %parallel_loop3A_446, %parallel_loop3A_443 : vector<16xi32>
      %parallel_loop3A_448 = arith.addi %parallel_loop3A_447, %parallel_loop3A_442 : vector<16xi32>
      %parallel_loop3A_449 = tpu.all_reduce %parallel_loop3A_428 {dim = 0 : i64, kind = #tpu.reduction_kind<sum>} : vector<16xi1> -> vector<16xi32>
      %parallel_loop3A_450 = arith.addi %parallel_loop3A_442, %parallel_loop3A_449 : vector<16xi32>
      %parallel_loop3A_451 = arith.cmpi slt, %parallel_loop3A_448, %parallel_loop3A_440 : vector<16xi32>
      %parallel_loop3A_452 = arith.andi %parallel_loop3A_428, %parallel_loop3A_451 : vector<16xi1>
      %parallel_loop3A_453 = arith.ori %parallel_loop3A_420, %parallel_loop3A_452 : vector<16xi1>
      %parallel_loop3A_454 = arith.extui %parallel_loop3A_430 : vector<16xi1> to vector<16xi32>
      %parallel_loop3A_455 = arith.constant true
      %parallel_loop3A_456 = vector.broadcast %parallel_loop3A_455 : i1 to vector<16xi1>
      %parallel_loop3A_457 = tpu.scan <sum>, %parallel_loop3A_454 masked %parallel_loop3A_456 : vector<16xi32>, vector<16xi1> -> vector<16xi32>
      %parallel_loop3A_458 = arith.subi %parallel_loop3A_457, %parallel_loop3A_454 : vector<16xi32>
      %parallel_loop3A_459 = arith.addi %parallel_loop3A_458, %parallel_loop3A_450 : vector<16xi32>
      %parallel_loop3A_460 = tpu.all_reduce %parallel_loop3A_430 {dim = 0 : i64, kind = #tpu.reduction_kind<sum>} : vector<16xi1> -> vector<16xi32>
      %parallel_loop3A_461 = arith.addi %parallel_loop3A_450, %parallel_loop3A_460 : vector<16xi32>
      %parallel_loop3A_462 = arith.cmpi slt, %parallel_loop3A_459, %parallel_loop3A_440 : vector<16xi32>
      %parallel_loop3A_463 = arith.andi %parallel_loop3A_430, %parallel_loop3A_462 : vector<16xi1>
      %parallel_loop3A_464 = arith.ori %parallel_loop3A_422, %parallel_loop3A_463 : vector<16xi1>
      %parallel_loop3A_465 = arith.extui %parallel_loop3A_432 : vector<16xi1> to vector<16xi32>
      %parallel_loop3A_466 = arith.constant true
      %parallel_loop3A_467 = vector.broadcast %parallel_loop3A_466 : i1 to vector<16xi1>
      %parallel_loop3A_468 = tpu.scan <sum>, %parallel_loop3A_465 masked %parallel_loop3A_467 : vector<16xi32>, vector<16xi1> -> vector<16xi32>
      %parallel_loop3A_469 = arith.subi %parallel_loop3A_468, %parallel_loop3A_465 : vector<16xi32>
      %parallel_loop3A_470 = arith.addi %parallel_loop3A_469, %parallel_loop3A_461 : vector<16xi32>
      %parallel_loop3A_471 = tpu.all_reduce %parallel_loop3A_432 {dim = 0 : i64, kind = #tpu.reduction_kind<sum>} : vector<16xi1> -> vector<16xi32>
      %parallel_loop3A_472 = arith.addi %parallel_loop3A_461, %parallel_loop3A_471 : vector<16xi32>
      %parallel_loop3A_473 = arith.cmpi slt, %parallel_loop3A_470, %parallel_loop3A_440 : vector<16xi32>
      %parallel_loop3A_474 = arith.andi %parallel_loop3A_432, %parallel_loop3A_473 : vector<16xi1>
      %parallel_loop3A_475 = arith.ori %parallel_loop3A_424, %parallel_loop3A_474 : vector<16xi1>
      %parallel_loop3A_476 = arith.extui %parallel_loop3A_434 : vector<16xi1> to vector<16xi32>
      %parallel_loop3A_477 = arith.constant true
      %parallel_loop3A_478 = vector.broadcast %parallel_loop3A_477 : i1 to vector<16xi1>
      %parallel_loop3A_479 = tpu.scan <sum>, %parallel_loop3A_476 masked %parallel_loop3A_478 : vector<16xi32>, vector<16xi1> -> vector<16xi32>
      %parallel_loop3A_480 = arith.subi %parallel_loop3A_479, %parallel_loop3A_476 : vector<16xi32>
      %parallel_loop3A_481 = arith.addi %parallel_loop3A_480, %parallel_loop3A_472 : vector<16xi32>
      %parallel_loop3A_482 = tpu.all_reduce %parallel_loop3A_434 {dim = 0 : i64, kind = #tpu.reduction_kind<sum>} : vector<16xi1> -> vector<16xi32>
      %parallel_loop3A_483 = arith.addi %parallel_loop3A_472, %parallel_loop3A_482 : vector<16xi32>
      %parallel_loop3A_484 = arith.cmpi slt, %parallel_loop3A_481, %parallel_loop3A_440 : vector<16xi32>
      %parallel_loop3A_485 = arith.andi %parallel_loop3A_434, %parallel_loop3A_484 : vector<16xi1>
      %parallel_loop3A_486 = arith.ori %parallel_loop3A_426, %parallel_loop3A_485 : vector<16xi1>
      %parallel_loop3A_487 = arith.constant -1.000000e+09 : f32
      %parallel_loop3A_488 = vector.broadcast %parallel_loop3A_487 : f32 to vector<16xf32>
      %parallel_loop3A_489 = arith.select %parallel_loop3A_453, %parallel_loop3A_353, %parallel_loop3A_488 : vector<16xi1>, vector<16xf32>
      %parallel_loop3A_490 = arith.constant -1.000000e+09 : f32
      %parallel_loop3A_491 = vector.broadcast %parallel_loop3A_490 : f32 to vector<16xf32>
      %parallel_loop3A_492 = arith.select %parallel_loop3A_464, %parallel_loop3A_358, %parallel_loop3A_491 : vector<16xi1>, vector<16xf32>
      %parallel_loop3A_493 = arith.constant -1.000000e+09 : f32
      %parallel_loop3A_494 = vector.broadcast %parallel_loop3A_493 : f32 to vector<16xf32>
      %parallel_loop3A_495 = arith.select %parallel_loop3A_475, %parallel_loop3A_363, %parallel_loop3A_494 : vector<16xi1>, vector<16xf32>
      %parallel_loop3A_496 = arith.constant -1.000000e+09 : f32
      %parallel_loop3A_497 = vector.broadcast %parallel_loop3A_496 : f32 to vector<16xf32>
      %parallel_loop3A_498 = arith.select %parallel_loop3A_486, %parallel_loop3A_368, %parallel_loop3A_497 : vector<16xi1>, vector<16xf32>
      %parallel_loop3A_499 = vector.broadcast %parallel_loop3A_418 : f32 to vector<16xf32>
      %parallel_loop3A_500 = arith.subf %parallel_loop3A_353, %parallel_loop3A_499 : vector<16xf32>
      %parallel_loop3A_501 = math.exp %parallel_loop3A_500 : vector<16xf32>
      %parallel_loop3A_502 = arith.constant 0.000000e+00 : f32
      %parallel_loop3A_503 = vector.broadcast %parallel_loop3A_502 : f32 to vector<16xf32>
      %parallel_loop3A_504 = arith.select %parallel_loop3A_453, %parallel_loop3A_501, %parallel_loop3A_503 : vector<16xi1>, vector<16xf32>
      %parallel_loop3A_505 = vector.broadcast %parallel_loop3A_418 : f32 to vector<16xf32>
      %parallel_loop3A_506 = arith.subf %parallel_loop3A_358, %parallel_loop3A_505 : vector<16xf32>
      %parallel_loop3A_507 = math.exp %parallel_loop3A_506 : vector<16xf32>
      %parallel_loop3A_508 = arith.constant 0.000000e+00 : f32
      %parallel_loop3A_509 = vector.broadcast %parallel_loop3A_508 : f32 to vector<16xf32>
      %parallel_loop3A_510 = arith.select %parallel_loop3A_464, %parallel_loop3A_507, %parallel_loop3A_509 : vector<16xi1>, vector<16xf32>
      %parallel_loop3A_511 = vector.broadcast %parallel_loop3A_418 : f32 to vector<16xf32>
      %parallel_loop3A_512 = arith.subf %parallel_loop3A_363, %parallel_loop3A_511 : vector<16xf32>
      %parallel_loop3A_513 = math.exp %parallel_loop3A_512 : vector<16xf32>
      %parallel_loop3A_514 = arith.constant 0.000000e+00 : f32
      %parallel_loop3A_515 = vector.broadcast %parallel_loop3A_514 : f32 to vector<16xf32>
      %parallel_loop3A_516 = arith.select %parallel_loop3A_475, %parallel_loop3A_513, %parallel_loop3A_515 : vector<16xi1>, vector<16xf32>
      %parallel_loop3A_517 = vector.broadcast %parallel_loop3A_418 : f32 to vector<16xf32>
      %parallel_loop3A_518 = arith.subf %parallel_loop3A_368, %parallel_loop3A_517 : vector<16xf32>
      %parallel_loop3A_519 = math.exp %parallel_loop3A_518 : vector<16xf32>
      %parallel_loop3A_520 = arith.constant 0.000000e+00 : f32
      %parallel_loop3A_521 = vector.broadcast %parallel_loop3A_520 : f32 to vector<16xf32>
      %parallel_loop3A_522 = arith.select %parallel_loop3A_486, %parallel_loop3A_519, %parallel_loop3A_521 : vector<16xi1>, vector<16xf32>
      %parallel_loop3A_523 = arith.addf %parallel_loop3A_504, %parallel_loop3A_510 : vector<16xf32>
      %parallel_loop3A_524 = arith.addf %parallel_loop3A_516, %parallel_loop3A_522 : vector<16xf32>
      %parallel_loop3A_525 = arith.addf %parallel_loop3A_523, %parallel_loop3A_524 : vector<16xf32>
      %parallel_loop3A_526 = arith.constant true
      %parallel_loop3A_527 = vector.broadcast %parallel_loop3A_526 : i1 to vector<16xi1>
      %parallel_loop3A_528 = tpu.scan <sum>, %parallel_loop3A_525 masked %parallel_loop3A_527 : vector<16xf32>, vector<16xi1> -> vector<16xf32>
      %parallel_loop3A_529 = vector.extract %parallel_loop3A_528[15] : f32 from vector<16xf32>
      %parallel_loop3A_530 = arith.constant 1.000000e+00 : f32
      %parallel_loop3A_531 = vector.broadcast %parallel_loop3A_530 : f32 to vector<16xf32>
      %parallel_loop3A_532 = vector.broadcast %parallel_loop3A_529 : f32 to vector<16xf32>
      %parallel_loop3A_533 = arith.divf %parallel_loop3A_531, %parallel_loop3A_532 : vector<16xf32>
      %parallel_loop3A_534 = arith.mulf %parallel_loop3A_504, %parallel_loop3A_533 : vector<16xf32>
      %parallel_loop3A_535 = arith.mulf %parallel_loop3A_510, %parallel_loop3A_533 : vector<16xf32>
      %parallel_loop3A_536 = arith.mulf %parallel_loop3A_516, %parallel_loop3A_533 : vector<16xf32>
      %parallel_loop3A_537 = arith.mulf %parallel_loop3A_522, %parallel_loop3A_533 : vector<16xf32>
      %parallel_loop3A_538 = arith.constant 1 : i32
      %parallel_loop3A_539 = arith.index_cast %parallel_loop3A_538 : i32 to index
      %parallel_loop3A_540 = arith.index_cast %parallel_loop3A_348 : i32 to index
      %parallel_loop3A_541 = arith.constant 0 : index
      %parallel_loop3A_542 = tpu.vector_load %arg6[%parallel_loop3A_539, %parallel_loop3A_540, %parallel_loop3A_541] {strides = array<i32>} : memref<2x128x64xf32, #tpu.memory_space<vmem>>, vector<16xf32>,
      tpu.vector_store %arg6[%parallel_loop3A_539, %parallel_loop3A_540, %parallel_loop3A_541], %parallel_loop3A_534 {strides = array<i32>} : memref<2x128x64xf32, #tpu.memory_space<vmem>>, vector<16xf32>,
      %parallel_loop3A_543 = arith.constant 1 : i32
      %parallel_loop3A_544 = arith.index_cast %parallel_loop3A_543 : i32 to index
      %parallel_loop3A_545 = arith.index_cast %parallel_loop3A_348 : i32 to index
      %parallel_loop3A_546 = arith.constant 0 : index
      %parallel_loop3A_547 = tpu.vector_load %arg7[%parallel_loop3A_544, %parallel_loop3A_545, %parallel_loop3A_546] {strides = array<i32>} : memref<2x128x64xf32, #tpu.memory_space<vmem>>, vector<16xf32>,
      tpu.vector_store %arg7[%parallel_loop3A_544, %parallel_loop3A_545, %parallel_loop3A_546], %parallel_loop3A_489 {strides = array<i32>} : memref<2x128x64xf32, #tpu.memory_space<vmem>>, vector<16xf32>,
      %parallel_loop3A_548 = arith.constant 1 : i32
      %parallel_loop3A_549 = arith.index_cast %parallel_loop3A_548 : i32 to index
      %parallel_loop3A_550 = arith.index_cast %parallel_loop3A_348 : i32 to index
      %parallel_loop3A_551 = arith.constant 16 : index
      %parallel_loop3A_552 = tpu.vector_load %arg6[%parallel_loop3A_549, %parallel_loop3A_550, %parallel_loop3A_551] {strides = array<i32>} : memref<2x128x64xf32, #tpu.memory_space<vmem>>, vector<16xf32>,
      tpu.vector_store %arg6[%parallel_loop3A_549, %parallel_loop3A_550, %parallel_loop3A_551], %parallel_loop3A_535 {strides = array<i32>} : memref<2x128x64xf32, #tpu.memory_space<vmem>>, vector<16xf32>,
      %parallel_loop3A_553 = arith.constant 1 : i32
      %parallel_loop3A_554 = arith.index_cast %parallel_loop3A_553 : i32 to index
      %parallel_loop3A_555 = arith.index_cast %parallel_loop3A_348 : i32 to index
      %parallel_loop3A_556 = arith.constant 16 : index
      %parallel_loop3A_557 = tpu.vector_load %arg7[%parallel_loop3A_554, %parallel_loop3A_555, %parallel_loop3A_556] {strides = array<i32>} : memref<2x128x64xf32, #tpu.memory_space<vmem>>, vector<16xf32>,
      tpu.vector_store %arg7[%parallel_loop3A_554, %parallel_loop3A_555, %parallel_loop3A_556], %parallel_loop3A_492 {strides = array<i32>} : memref<2x128x64xf32, #tpu.memory_space<vmem>>, vector<16xf32>,
      %parallel_loop3A_558 = arith.constant 1 : i32
      %parallel_loop3A_559 = arith.index_cast %parallel_loop3A_558 : i32 to index
      %parallel_loop3A_560 = arith.index_cast %parallel_loop3A_348 : i32 to index
      %parallel_loop3A_561 = arith.constant 32 : index
      %parallel_loop3A_562 = tpu.vector_load %arg6[%parallel_loop3A_559, %parallel_loop3A_560, %parallel_loop3A_561] {strides = array<i32>} : memref<2x128x64xf32, #tpu.memory_space<vmem>>, vector<16xf32>,
      tpu.vector_store %arg6[%parallel_loop3A_559, %parallel_loop3A_560, %parallel_loop3A_561], %parallel_loop3A_536 {strides = array<i32>} : memref<2x128x64xf32, #tpu.memory_space<vmem>>, vector<16xf32>,
      %parallel_loop3A_563 = arith.constant 1 : i32
      %parallel_loop3A_564 = arith.index_cast %parallel_loop3A_563 : i32 to index
      %parallel_loop3A_565 = arith.index_cast %parallel_loop3A_348 : i32 to index
      %parallel_loop3A_566 = arith.constant 32 : index
      %parallel_loop3A_567 = tpu.vector_load %arg7[%parallel_loop3A_564, %parallel_loop3A_565, %parallel_loop3A_566] {strides = array<i32>} : memref<2x128x64xf32, #tpu.memory_space<vmem>>, vector<16xf32>,
      tpu.vector_store %arg7[%parallel_loop3A_564, %parallel_loop3A_565, %parallel_loop3A_566], %parallel_loop3A_495 {strides = array<i32>} : memref<2x128x64xf32, #tpu.memory_space<vmem>>, vector<16xf32>,
      %parallel_loop3A_568 = arith.constant 1 : i32
      %parallel_loop3A_569 = arith.index_cast %parallel_loop3A_568 : i32 to index
      %parallel_loop3A_570 = arith.index_cast %parallel_loop3A_348 : i32 to index
      %parallel_loop3A_571 = arith.constant 48 : index
      %parallel_loop3A_572 = tpu.vector_load %arg6[%parallel_loop3A_569, %parallel_loop3A_570, %parallel_loop3A_571] {strides = array<i32>} : memref<2x128x64xf32, #tpu.memory_space<vmem>>, vector<16xf32>,
      tpu.vector_store %arg6[%parallel_loop3A_569, %parallel_loop3A_570, %parallel_loop3A_571], %parallel_loop3A_537 {strides = array<i32>} : memref<2x128x64xf32, #tpu.memory_space<vmem>>, vector<16xf32>,
      %parallel_loop3A_573 = arith.constant 1 : i32
      %parallel_loop3A_574 = arith.index_cast %parallel_loop3A_573 : i32 to index
      %parallel_loop3A_575 = arith.index_cast %parallel_loop3A_348 : i32 to index
      %parallel_loop3A_576 = arith.constant 48 : index
      %parallel_loop3A_577 = tpu.vector_load %arg7[%parallel_loop3A_574, %parallel_loop3A_575, %parallel_loop3A_576] {strides = array<i32>} : memref<2x128x64xf32, #tpu.memory_space<vmem>>, vector<16xf32>,
      tpu.vector_store %arg7[%parallel_loop3A_574, %parallel_loop3A_575, %parallel_loop3A_576], %parallel_loop3A_498 {strides = array<i32>} : memref<2x128x64xf32, #tpu.memory_space<vmem>>, vector<16xf32>,
    } {sc.loop_unroll_factor = 1 : i64, sc.parallel_access}
    %add3A_266 = arith.constant 384 : i32
    %add3A_267 = arith.addi %mul3A_2, %add3A_266 : i32
    %dma_start3A_268 = arith.constant 1 : i32
    %dma_start3A_269 = arith.constant 0 : i32
    %dma_start3A_270 = arith.constant 0 : i32
    %dma_start3A_271 = tpu.memref_slice %arg6[%dma_start3A_268, %dma_start3A_269, %dma_start3A_270] : memref<2x128x64xf32, #tpu.memory_space<vmem>> -> memref<1x128x64xf32, #tpu.memory_space<vmem>>
    %dma_start3A_272 = tpu.memref_squeeze %dma_start3A_271 : memref<1x128x64xf32, #tpu.memory_space<vmem>> -> memref<128x64xf32, #tpu.memory_space<vmem>>
    %dma_start3A_273 = arith.constant 0 : i32
    %dma_start3A_274 = tpu.memref_slice %arg3[%add3A_267, %dma_start3A_273] : memref<16384x64xf32, #tpu.memory_space<hbm>> -> memref<128x64xf32, #tpu.memory_space<hbm>>
    %dma_start3A_275 = arith.constant 0 : i32
    %dma_start3A_276 = tpu.memref_slice %arg3[%add3A_267, %dma_start3A_275] : memref<16384x64xf32, #tpu.memory_space<hbm>> -> memref<128x64xf32, #tpu.memory_space<hbm>>
    %dma_start3A_277 = arith.constant 0 : i32
    %dma_start3A_278 = arith.constant 0 : i32
    %dma_start3A_279 = tpu.memref_slice %arg6[%dma_start3A_268, %dma_start3A_277, %dma_start3A_278] : memref<2x128x64xf32, #tpu.memory_space<vmem>> -> memref<1x128x64xf32, #tpu.memory_space<vmem>>
    %dma_start3A_280 = tpu.memref_squeeze %dma_start3A_279 : memref<1x128x64xf32, #tpu.memory_space<vmem>> -> memref<128x64xf32, #tpu.memory_space<vmem>>
    tpu.enqueue_dma source(%dma_start3A_280 : memref<128x64xf32, #tpu.memory_space<vmem>>) target(%dma_start3A_276 : memref<128x64xf32, #tpu.memory_space<hbm>>) target_semaphore(%arg11 : memref<!tpu.dma_semaphore, #tpu.memory_space<semaphore_mem>>)
    %add3A_281 = arith.constant 384 : i32
    %add3A_282 = arith.addi %mul3A_2, %add3A_281 : i32
    %dma_start3A_283 = arith.constant 1 : i32
    %dma_start3A_284 = arith.constant 0 : i32
    %dma_start3A_285 = arith.constant 0 : i32
    %dma_start3A_286 = tpu.memref_slice %arg7[%dma_start3A_283, %dma_start3A_284, %dma_start3A_285] : memref<2x128x64xf32, #tpu.memory_space<vmem>> -> memref<1x128x64xf32, #tpu.memory_space<vmem>>
    %dma_start3A_287 = tpu.memref_squeeze %dma_start3A_286 : memref<1x128x64xf32, #tpu.memory_space<vmem>> -> memref<128x64xf32, #tpu.memory_space<vmem>>
    %dma_start3A_288 = arith.constant 0 : i32
    %dma_start3A_289 = tpu.memref_slice %arg4[%add3A_282, %dma_start3A_288] : memref<16384x64xf32, #tpu.memory_space<hbm>> -> memref<128x64xf32, #tpu.memory_space<hbm>>
    %dma_start3A_290 = arith.constant 0 : i32
    %dma_start3A_291 = tpu.memref_slice %arg4[%add3A_282, %dma_start3A_290] : memref<16384x64xf32, #tpu.memory_space<hbm>> -> memref<128x64xf32, #tpu.memory_space<hbm>>
    %dma_start3A_292 = arith.constant 0 : i32
    %dma_start3A_293 = arith.constant 0 : i32
    %dma_start3A_294 = tpu.memref_slice %arg7[%dma_start3A_283, %dma_start3A_292, %dma_start3A_293] : memref<2x128x64xf32, #tpu.memory_space<vmem>> -> memref<1x128x64xf32, #tpu.memory_space<vmem>>
    %dma_start3A_295 = tpu.memref_squeeze %dma_start3A_294 : memref<1x128x64xf32, #tpu.memory_space<vmem>> -> memref<128x64xf32, #tpu.memory_space<vmem>>
    tpu.enqueue_dma source(%dma_start3A_295 : memref<128x64xf32, #tpu.memory_space<vmem>>) target(%dma_start3A_291 : memref<128x64xf32, #tpu.memory_space<hbm>>) target_semaphore(%arg11 : memref<!tpu.dma_semaphore, #tpu.memory_space<semaphore_mem>>)
    %dma_wait3A_296 = arith.constant 0 : i32
    %dma_wait3A_297 = arith.constant 0 : i32
    %dma_wait3A_298 = arith.constant 0 : i32
    %dma_wait3A_299 = tpu.memref_slice %arg6[%dma_wait3A_296, %dma_wait3A_297, %dma_wait3A_298] : memref<2x128x64xf32, #tpu.memory_space<vmem>> -> memref<1x128x64xf32, #tpu.memory_space<vmem>>
    %dma_wait3A_300 = tpu.memref_squeeze %dma_wait3A_299 : memref<1x128x64xf32, #tpu.memory_space<vmem>> -> memref<128x64xf32, #tpu.memory_space<vmem>>
    %dma_wait3A_301 = arith.constant 0 : i32
    %dma_wait3A_302 = tpu.memref_slice %arg3[%add3A_195, %dma_wait3A_301] : memref<16384x64xf32, #tpu.memory_space<hbm>> -> memref<128x64xf32, #tpu.memory_space<hbm>>
    %dma_wait3A_303 = arith.constant 0 : i32
    %dma_wait3A_304 = tpu.memref_slice %arg3[%add3A_195, %dma_wait3A_303] : memref<16384x64xf32, #tpu.memory_space<hbm>> -> memref<128x64xf32, #tpu.memory_space<hbm>>
    %dma_wait3A_305 = arith.constant 0 : i32
    %dma_wait3A_306 = arith.constant 0 : i32
    %dma_wait3A_307 = tpu.memref_slice %arg6[%dma_wait3A_296, %dma_wait3A_305, %dma_wait3A_306] : memref<2x128x64xf32, #tpu.memory_space<vmem>> -> memref<1x128x64xf32, #tpu.memory_space<vmem>>
    %dma_wait3A_308 = tpu.memref_squeeze %dma_wait3A_307 : memref<1x128x64xf32, #tpu.memory_space<vmem>> -> memref<128x64xf32, #tpu.memory_space<vmem>>
    tpu.wait_dma2 semaphore(%arg10 : memref<!tpu.dma_semaphore, #tpu.memory_space<semaphore_mem>>) src(%dma_wait3A_308 : memref<128x64xf32, #tpu.memory_space<vmem>>) dst(%dma_wait3A_304 : memref<128x64xf32, #tpu.memory_space<hbm>>)
    %dma_wait3A_309 = arith.constant 0 : i32
    %dma_wait3A_310 = arith.constant 0 : i32
    %dma_wait3A_311 = arith.constant 0 : i32
    %dma_wait3A_312 = tpu.memref_slice %arg7[%dma_wait3A_309, %dma_wait3A_310, %dma_wait3A_311] : memref<2x128x64xf32, #tpu.memory_space<vmem>> -> memref<1x128x64xf32, #tpu.memory_space<vmem>>
    %dma_wait3A_313 = tpu.memref_squeeze %dma_wait3A_312 : memref<1x128x64xf32, #tpu.memory_space<vmem>> -> memref<128x64xf32, #tpu.memory_space<vmem>>
    %dma_wait3A_314 = arith.constant 0 : i32
    %dma_wait3A_315 = tpu.memref_slice %arg4[%add3A_210, %dma_wait3A_314] : memref<16384x64xf32, #tpu.memory_space<hbm>> -> memref<128x64xf32, #tpu.memory_space<hbm>>
    %dma_wait3A_316 = arith.constant 0 : i32
    %dma_wait3A_317 = tpu.memref_slice %arg4[%add3A_210, %dma_wait3A_316] : memref<16384x64xf32, #tpu.memory_space<hbm>> -> memref<128x64xf32, #tpu.memory_space<hbm>>
    %dma_wait3A_318 = arith.constant 0 : i32
    %dma_wait3A_319 = arith.constant 0 : i32
    %dma_wait3A_320 = tpu.memref_slice %arg7[%dma_wait3A_309, %dma_wait3A_318, %dma_wait3A_319] : memref<2x128x64xf32, #tpu.memory_space<vmem>> -> memref<1x128x64xf32, #tpu.memory_space<vmem>>
    %dma_wait3A_321 = tpu.memref_squeeze %dma_wait3A_320 : memref<1x128x64xf32, #tpu.memory_space<vmem>> -> memref<128x64xf32, #tpu.memory_space<vmem>>
    tpu.wait_dma2 semaphore(%arg10 : memref<!tpu.dma_semaphore, #tpu.memory_space<semaphore_mem>>) src(%dma_wait3A_321 : memref<128x64xf32, #tpu.memory_space<vmem>>) dst(%dma_wait3A_317 : memref<128x64xf32, #tpu.memory_space<hbm>>)
    %dma_wait3A_322 = arith.constant 1 : i32
    %dma_wait3A_323 = arith.constant 0 : i32
    %dma_wait3A_324 = arith.constant 0 : i32
    %dma_wait3A_325 = tpu.memref_slice %arg6[%dma_wait3A_322, %dma_wait3A_323, %dma_wait3A_324] : memref<2x128x64xf32, #tpu.memory_space<vmem>> -> memref<1x128x64xf32, #tpu.memory_space<vmem>>
    %dma_wait3A_326 = tpu.memref_squeeze %dma_wait3A_325 : memref<1x128x64xf32, #tpu.memory_space<vmem>> -> memref<128x64xf32, #tpu.memory_space<vmem>>
    %dma_wait3A_327 = arith.constant 0 : i32
    %dma_wait3A_328 = tpu.memref_slice %arg3[%add3A_267, %dma_wait3A_327] : memref<16384x64xf32, #tpu.memory_space<hbm>> -> memref<128x64xf32, #tpu.memory_space<hbm>>
    %dma_wait3A_329 = arith.constant 0 : i32
    %dma_wait3A_330 = tpu.memref_slice %arg3[%add3A_267, %dma_wait3A_329] : memref<16384x64xf32, #tpu.memory_space<hbm>> -> memref<128x64xf32, #tpu.memory_space<hbm>>
    %dma_wait3A_331 = arith.constant 0 : i32
    %dma_wait3A_332 = arith.constant 0 : i32
    %dma_wait3A_333 = tpu.memref_slice %arg6[%dma_wait3A_322, %dma_wait3A_331, %dma_wait3A_332] : memref<2x128x64xf32, #tpu.memory_space<vmem>> -> memref<1x128x64xf32, #tpu.memory_space<vmem>>
    %dma_wait3A_334 = tpu.memref_squeeze %dma_wait3A_333 : memref<1x128x64xf32, #tpu.memory_space<vmem>> -> memref<128x64xf32, #tpu.memory_space<vmem>>
    tpu.wait_dma2 semaphore(%arg11 : memref<!tpu.dma_semaphore, #tpu.memory_space<semaphore_mem>>) src(%dma_wait3A_334 : memref<128x64xf32, #tpu.memory_space<vmem>>) dst(%dma_wait3A_330 : memref<128x64xf32, #tpu.memory_space<hbm>>)
    %dma_wait3A_335 = arith.constant 1 : i32
    %dma_wait3A_336 = arith.constant 0 : i32
    %dma_wait3A_337 = arith.constant 0 : i32
    %dma_wait3A_338 = tpu.memref_slice %arg7[%dma_wait3A_335, %dma_wait3A_336, %dma_wait3A_337] : memref<2x128x64xf32, #tpu.memory_space<vmem>> -> memref<1x128x64xf32, #tpu.memory_space<vmem>>
    %dma_wait3A_339 = tpu.memref_squeeze %dma_wait3A_338 : memref<1x128x64xf32, #tpu.memory_space<vmem>> -> memref<128x64xf32, #tpu.memory_space<vmem>>
    %dma_wait3A_340 = arith.constant 0 : i32
    %dma_wait3A_341 = tpu.memref_slice %arg4[%add3A_282, %dma_wait3A_340] : memref<16384x64xf32, #tpu.memory_space<hbm>> -> memref<128x64xf32, #tpu.memory_space<hbm>>
    %dma_wait3A_342 = arith.constant 0 : i32
    %dma_wait3A_343 = tpu.memref_slice %arg4[%add3A_282, %dma_wait3A_342] : memref<16384x64xf32, #tpu.memory_space<hbm>> -> memref<128x64xf32, #tpu.memory_space<hbm>>
    %dma_wait3A_344 = arith.constant 0 : i32
    %dma_wait3A_345 = arith.constant 0 : i32
    %dma_wait3A_346 = tpu.memref_slice %arg7[%dma_wait3A_335, %dma_wait3A_344, %dma_wait3A_345] : memref<2x128x64xf32, #tpu.memory_space<vmem>> -> memref<1x128x64xf32, #tpu.memory_space<vmem>>
    %dma_wait3A_347 = tpu.memref_squeeze %dma_wait3A_346 : memref<1x128x64xf32, #tpu.memory_space<vmem>> -> memref<128x64xf32, #tpu.memory_space<vmem>>
    tpu.wait_dma2 semaphore(%arg11 : memref<!tpu.dma_semaphore, #tpu.memory_space<semaphore_mem>>) src(%dma_wait3A_347 : memref<128x64xf32, #tpu.memory_space<vmem>>) dst(%dma_wait3A_343 : memref<128x64xf32, #tpu.memory_space<hbm>>)
    return
  }
}

</mosaic_0001>

<sc_bundles>
// kernel: kernel.3.cloned.1.call-start
scs
__scs_entry_jumppad:
0x0: {  	(pc) =	sbr.rel $0x88, $3  }
0x1: {  	(tag) =	ssettag $0x0;
	lr =	simm.s32 $0x1  }
0x2: {  	[smem:$0x3FA0] =	sst lr;
	_ =	strace $0xD0000000  }
0x3: {  	_ = 	snop  }
0x4: {  	_ = 	snop  }
0x5: {  	_ = 	snop  }
0x6: {  	_ = 	snop  }
0x7: {  	_ = 	snop  }
__scs_overlays_trampoline_lowered:
0x8: {  	[smem:$0x3FAF] =	sst s0  }
0x9: {  	[smem:$0x3FB0] =	sst s1  }
0xa: {  	[smem:$0x3FB1] =	sst s2  }
0xb: {  	[smem:$0x3FB2] =	sst s3  }
0xc: {  	[smem:$0x3FB3] =	sst s4  }
0xd: {  	[smem:$0x3FB4] =	sst s5  }
0xe: {  	[smem:$0x3FB5] =	sst s6  }
0xf: {  	[smem:$0x3FB6] =	sst s7  }
0x10: {  	[smem:$0x3FB7] =	sst s8  }
0x11: {  	[smem:$0x3FB8] =	sst s9;
	s0 =	simm.s32 @!p0 $0x0  }
0x12: {  	s1 =	sld [smem:$0x3F9E];
	s0 =	simm.s32 @p0 $0x1  }
0x13: {  	[smem:$0x3FB9] =	sst s0;
	s0 =	simm.s32 @!p1 $0x0  }
0x14: {  	s2 =	sld [smem:$0x3F9D];
	s0 =	simm.s32 @p1 $0x1  }
0x15: {  	[smem:$0x3FBA] =	sst s0;
	s0 =	simm.s32 @!p2 $0x0  }
0x16: {  	s3 =	sld [smem:$0x3FDB];
	s0 =	simm.s32 @p2 $0x1  }
0x17: {  	s4 =	simm.s32 $0x1BF5;
	[smem:$0x3FBC] =	sst s0  }
0x18: {  	s0 =	sld [smem:$0x3F9F];
	_ =	swait.ge [sflag:s4], $0x0  }
0x19: {  	s7 =	sld [smem:$0x3FA0]  }
0x1a: {  	s8 =	sadd.s32 $0xFFFFE003, lr  }
0x1b: {  	s9 =	sadd.s32 $0xFFFFFEF7, lr;
	s5 =	simm.s32 $0xFFFFFFFF;
	p2 =	slt.u32 s8, $0xFFFFF086  }
0x1c: {  	p1 =	slt.u32 s9, $0xF7A;
	s5 =	simm.s32 @!p2 $0x0  }
0x1d: {  	s5 =	simm.s32 @p1 $0x1;
	p0 =	seq.s32 s7, s2  }
0x1e: {  	s7 =	smul.u32 @!p0 $0xF7A, s2;
	p2 =	seq.s32 @!p0 s5, $0x0  }
0x1f: {  	s9 =	smul.u32 $0xF7A, s1;
	s8 =	simm.s32 @!p0 $0x1BF5;
	p2 =	por !p2, p0  }
0x20: {  	[sflag:s8] =	ssyncset.s32 @!p0 $0xFFFFF086;
	s6 =	sadd.s32 @!p0 s3, s7;
	s7 =	simm.s32 @!p0 $0x108  }
0x21: {  	s3 =	sadd.s32 s3, s9;
	s6 =	sadd.s32 @!p0 $0x88, s6;
	s7 =	simm.s32 @p2 $0x1082  }
0x22: {  	[simem:s7], [sflag:s8] =	dma.local @!p0 [hbm:s6], $0xF7A  }
0x23: {  	s9 =	sor.u32 $0xD0000000, s2;
	s6 =	simm.s32 $0x108;
	_ =	swait.ge @!p0 [sflag:s8], $0x0  }
0x24: {  	s3 =	sadd.s32 $0x88, s3;
	s6 =	simm.s32 @!p1 $0x1082;
	[sflag:s4] =	ssyncset.s32 $0xFFFFF086  }
0x25: {  	[simem:s6], [sflag:s4] =	dma.local [hbm:s3], $0xF7A  }
0x26: {  	[smem:$0x3FA0] =	sst s1;
	(tag) =	ssettag s2;
	_ =	strace s9  }
0x27: {  	s1 =	sld [smem:$0x3FB0]  }
0x28: {  	s2 =	sld [smem:$0x3FB1]  }
0x29: {  	s4 =	sld [smem:$0x3FB3]  }
0x2a: {  	p0 =	seq.s32 s5, $0x0;
	s5 =	sld [smem:$0x3FB4]  }
0x2b: {  	s6 =	sld [smem:$0x3FB5]  }
0x2c: {  	s7 =	sld [smem:$0x3FB6]  }
0x2d: {  	s3 =	simm.s32 $0x108;
	s8 =	sld [smem:$0x3FB7]  }
0x2e: {  	s3 =	simm.s32 @!p0 $0x1082;
	s9 =	sld [smem:$0x3FB8]  }
0x2f: {  	lr =	sadd.s32 s0, s3;
	s0 =	sld [smem:$0x3FAF]  }
0x30: {  	s3 =	sld [smem:$0x3FB2]  }
0x31: {  	[smem:$0x3FBB] =	sst s10  }
0x32: {  	s10 =	sld [smem:$0x3FB9];
	_ =	sdelay $0x3  }
0x33: {  	p0 =	seq.s32 s10, $0x1;
	s10 =	sld [smem:$0x3FBB];
	_ =	sdelay $0x3  }
0x34: {  	[smem:$0x3FBB] =	sst s10  }
0x35: {  	s10 =	sld [smem:$0x3FBA];
	_ =	sdelay $0x3  }
0x36: {  	p1 =	seq.s32 s10, $0x1;
	s10 =	sld [smem:$0x3FBB];
	_ =	sdelay $0x3  }
0x37: {  	[smem:$0x3FBB] =	sst s10  }
0x38: {  	s10 =	sld [smem:$0x3FBC]  }
0x39: {  	_ = 	snop;
	(pc) =	sbr.ind lr, $3  }
0x3a: {  	_ = 	snop  }
0x3b: {  	_ = 	snop  }
0x3c: {  	p2 =	seq.s32 s10, $0x1;
	s10 =	sld [smem:$0x3FBB]  }
0x3d: {  	_ =	shalt  }
0x3e: {  	_ =	shalt  }
0x3f: {  	_ =	shalt  }
0x40: {  	_ =	shalt  }
0x41: {  	_ =	shalt  }
0x42: {  	_ =	shalt  }
0x43: {  	_ =	shalt  }
0x44: {  	_ =	shalt  }
0x45: {  	_ =	shalt  }
0x46: {  	_ =	shalt  }
0x47: {  	_ =	shalt  }
0x48: {  	_ =	shalt  }
0x49: {  	_ =	shalt  }
0x4a: {  	_ =	shalt  }
0x4b: {  	_ =	shalt  }
0x4c: {  	_ =	shalt  }
0x4d: {  	_ =	shalt  }
0x4e: {  	_ =	shalt  }
0x4f: {  	_ =	shalt  }
0x50: {  	_ =	shalt  }
0x51: {  	_ =	shalt  }
0x52: {  	_ =	shalt  }
0x53: {  	_ =	shalt  }
0x54: {  	_ =	shalt  }
0x55: {  	_ =	shalt  }
0x56: {  	_ =	shalt  }
0x57: {  	_ =	shalt  }
0x58: {  	_ =	shalt  }
0x59: {  	_ =	shalt  }
0x5a: {  	_ =	shalt  }
0x5b: {  	_ =	shalt  }
0x5c: {  	_ =	shalt  }
0x5d: {  	_ =	shalt  }
0x5e: {  	_ =	shalt  }
0x5f: {  	_ =	shalt  }
0x60: {  	_ =	shalt  }
0x61: {  	_ =	shalt  }
0x62: {  	_ =	shalt  }
0x63: {  	_ =	shalt  }
0x64: {  	_ =	shalt  }
0x65: {  	_ =	shalt  }
0x66: {  	_ =	shalt  }
0x67: {  	_ =	shalt  }
0x68: {  	_ =	shalt  }
0x69: {  	_ =	shalt  }
0x6a: {  	_ =	shalt  }
0x6b: {  	_ =	shalt  }
0x6c: {  	_ =	shalt  }
0x6d: {  	_ =	shalt  }
0x6e: {  	_ =	shalt  }
0x6f: {  	_ =	shalt  }
0x70: {  	_ =	shalt  }
0x71: {  	_ =	shalt  }
0x72: {  	_ =	shalt  }
0x73: {  	_ =	shalt  }
0x74: {  	_ =	shalt  }
0x75: {  	_ =	shalt  }
0x76: {  	_ =	shalt  }
0x77: {  	_ =	shalt  }
0x78: {  	_ =	shalt  }
0x79: {  	_ =	shalt  }
0x7a: {  	_ =	shalt  }
0x7b: {  	_ =	shalt  }
0x7c: {  	_ =	shalt  }
0x7d: {  	_ =	shalt  }
0x7e: {  	_ =	shalt  }
0x7f: {  	_ =	shalt  }
0x80: {  	_ =	shalt  }
0x81: {  	_ =	shalt  }
0x82: {  	_ =	shalt  }
0x83: {  	_ =	shalt  }
0x84: {  	_ =	shalt  }
0x85: {  	_ =	shalt  }
0x86: {  	_ =	shalt  }
0x87: {  	_ =	shalt  }
.Lfunc_end0:
.L_simem_size_0:
called_computation_lowered:
.L_overlay_start_0:
0x88: {  	s2 =	sld [smem:$0x3FD9]  }
0x89: {  	s3 =	sld [smem:$0x3FFE];
	_ =	sdelay $0x1  }
0x8a: {  	s1 =	srdreg.scid  }
0x8b: {  	s0 =	sand.u32 $0x1, s1  }
0x8c: {  	s16 =	sshll.u32 s0, $0xA;
	s2 =	sadd.s32 s3, s2  }
0x8d: {  	s2 =	sadd.s32 s2, s16  }
0x8e: {  	[smem:$0x3FC7] =	sst s2  }
0x8f: {  	_ = 	snop  }
0x90: {  	(tm) =	ssettm $0x1  }
0x91: {  	s17 =	sld [smem:$0x3FFB];
	_ =	sdelay $0x3  }
0x92: {  	_ =	strace s17  }
0x93: {  	s2 =	sld [smem:$0x3FFC];
	_ =	sdelay $0x3  }
0x94: {  	_ =	strace s2  }
0x95: {  	s2 =	sld [smem:$0x3FFD];
	_ =	sdelay $0x3  }
0x96: {  	_ =	strace s2  }
0x97: {  	_ =	strace $0x8FFFFFFF  }
0x98: {  	s18 =	sld [smem:$0x3FDB];
	_ =	sdelay $0x1  }
0x99: {  	s19 =	simm.s32 $_scs_section_size  }
0x9a: {  	s4 =	simm.s32 $_size__tile_overlayer_lowered;
	s5 =	simm.s32 $_tile_overlayer_lowered  }
0x9b: {  	s22 =	simm.s32 $0x1BFF;
	s21 =	sshll.u32 s5, $0x1;
	s2 =	sadd.s32 s19, s18  }
0x9c: {  	s6 =	simm.s32 $0x0;
	s20 =	sshll.u32 s4, $0x1;
	s4 =	sadd.s32 s21, s2  }
0x9d: {  	[timem:s6], [sflag:s22] =	dma.local [hbm:s4], s20  }
0x9e: {  	_ =	swait.ge [sflag:s22], s20  }
0x9f: {  	s3 =	ssub.s32 $0x0, s20;
	[sflag:s22] =	ssyncset.done $0x0  }
0xa0: {  	[sflag:s22] =	ssyncadd.s32 s3;
	_ =	sdelay $0x1  }
0xa1: {  	s23 =	simm.s32 $0x1B8B  }
0xa2: {  	_ =	swait.ge [sflag:s23], $0x1  }
0xa3: {  	[sflag:s23] =	ssyncset.done $0x0  }
0xa4: {  	s25 =	simm.s32 $0x1B8E;
	s24 =	sld [smem:$0x3FFE];
	[sflag:s23] =	ssyncadd.s32 $0xFFFFFFFF  }
0xa5: {  	s26 =	simm.s32 $execute0_lowered;
	[smem:$0x3FD2] =	sst s25  }
0xa6: {  	s4 =	sshll.u32 s26, $0x1;
	_ =	strace $0x80000046;
	[dreg:$0x1] =	wrdreg $0xFFFFFFFF  }
0xa7: {  	s28 =	simm.s32 $_size_execute0_lowered;
	s2 =	sadd.s32 s2, s4;
	[dreg:$0x0] =	wrdreg $0x0  }
0xa8: {  	s4 =	sshll.u32 s28, $0x1;
	[dreg:$0x2] =	wrdreg s2  }
0xa9: {  	[dreg:$0x3] =	wrdreg s4  }
0xaa: {  	[dreg:$0x4] =	wrdreg $0xC0  }
0xab: {  	_ =	task [dreg:s6], $0x5FFFF  }
0xac: {  	[dreg:$0x1] =	wrdreg $0xFFFFFFFF  }
0xad: {  	[dreg:$0x0] =	wrdreg $0x60  }
0xae: {  	[dreg:$0x2] =	wrdreg s24  }
0xaf: {  	[dreg:$0x3] =	wrdreg $0x9  }
0xb0: {  	_ =	task.clear_ibuf [dreg:s6], $0x4FFFF;
	_ =	strace $0x90000046  }
0xb1: {  	s29 =	simm.s32 $0x9;
	_ =	strace $0x80000048  }
0xb2: {  	_ =	swait.ge [sflag:s29], $0x1  }
0xb3: {  	[sflag:s29] =	ssyncadd.s32 $0xFFFFFFFF  }
0xb4: {  	_ =	strace $0x90000048  }
0xb5: {  	_ =	sfence  }
0xb6: {  	s30 =	sld [smem:$0x0];
	_ =	sdelay $0x2  }
0xb7: {  	s31 =	sshll.u32 s1, $0xD;
	s1 =	sshrl.u32 s1, $0x2  }
0xb8: {  	s3 =	sand.u32 $0x4000, s31;
	s1 =	sadd.s32 s1, s30  }
0xb9: {  	s0 =	sor.u32 s3, s0;
	s1 =	sshll.u32 s1, $0x11  }
0xba: {  	s0 =	sor.u32 s1, s0  }
0xbb: {  	s0 =	sadd.s32 $0x8F2B, s0  }
0xbc: {  	[sflag:s0] =	ssyncadd.remote.s32 $0x1  }
0xbd: {  	_ =	sfence.sel $0xFFFF  }
0xbe: {  	[dreg:$0x0] =	wrdreg $0xFFFFFFFF;
	(pc) =	sbr.abs _section_cstart, $3  }
0xbf: {  	[dreg:$0x1] =	wrdreg $0xFFFFFFFF  }
0xc0: {  	_ =	task.clear_ibuf [dreg:s6], $0x2FFFF;
	_ =	strace $0x9FFFFFFF  }
0xc1: {  	(tm) =	ssettm $0x7FFFFFFF  }
tec
execute0_lowered:
.L_overlay_start_1:
0x0: {  	(tag) =	ssettag $0x1  }
0x1: {  	s0 =	rddreg [dreg:$0x0];
	s1 =	simm.s32 $0x0;
	s3 =	srdreg.scid  }
0x2: {  	s5 =	stileid.u32;
	s16 =	simm.s32 $0x4000;
	s17 =	simm.s32 $0x1  }
0x3: {  	s18 =	simm.s32 $0x8000;
	s19 =	simm.s32 $0x10000;
	s20 =	simm.s32 $0x2  }
0x4: {  	s21 =	simm.s32 $0xC000;
	s22 =	simm.s32 $0x14000;
	s23 =	simm.s32 $0x3  }
0x5: {  	s24 =	simm.s32 $0x4;
	s25 =	simm.s32 $0x0;
	[smem:$0x7FF] =	sst s1  }
0x6: {  	s2 =	sadd.s32 $0xC00, s0;
	s13 =	sadd.s32 $0x40C00, s0;
	s3 =	sand.u32 $0x1, s3  }
0x7: {  	s5 =	sshll.u32 s5, $0xE;
	s4 =	ssub.s32 $0x2, s3;
	s3 =	sshll.u32 s3, $0xD  }
0x8: {  	s0 =	sadd.s32 $0x80C00, s0;
	s6 =	sshrl.u32 s4, $0x1;
	s8 =	sor.u32 s3, s5  }
0x9: {  	_ =	strace $0x80000047;
	s15 =	ssub.s32 s4, s6;
	s3 =	sadd.s32 s2, s8  }
0xa: {  	s9 =	sor.u32 $0x800, s8;
	s5 =	sadd.s32 s13, s8;
	s12 =	sor.u32 $0x1000, s8  }
0xb: {  	v0 =	vlaneseq.u32;
	s6 =	sadd.s32 s0, s8;
	s14 =	sor.u32 $0x1800, s8;
	s4 =	sadd.s32 s2, s9  }
0xc: {  	v0 =	vmul.u32 $0xFFFFFFFF, v0;
	s7 =	sadd.s32 s2, s12;
	s8 =	sadd.s32 s13, s9;
	s9 =	sadd.s32 s0, s9  }
0xd: {  	s10 =	sadd.s32 s2, s14;
	s11 =	sadd.s32 s13, s12;
	s12 =	sadd.s32 s0, s12  }
0xe: {  	v1 =	vimm.s32 $0x0;
	v0 =	vadd.s32 $0xF, v0;
	s13 =	sadd.s32 s13, s14;
	s14 =	sadd.s32 s0, s14;
	s15 =	smax.u32 s15, $0x1  }
.LBB2_1:
0xf: {  	[tilespmem:s1], [sflag:$0x1] =	stream.linear.gather [hbm4b:s3+s1], $0x4000, $0x38;
	[tilespmem:$0x18000] =	vst v63  }
0x10: {  	_ = 	snop  }
0x11: {  	[tilespmem:s16], [sflag:$0x2] =	stream.linear.gather [hbm4b:s4+s1], $0x4000, $0x38;
	[tilespmem:$0x18000] =	vst v63  }
0x12: {  	_ =	swait.ge [sflag:s17], $0x4000  }
0x13: {  	[sflag:s17] =	ssyncset.done $0x0  }
0x14: {  	s28 =	simm.s32 $0x0;
	[sflag:s17] =	ssyncadd.s32 $0xFFFFC000  }
0x15: {  	v11 =	vld [tilespmem:s28+$0x10]  }
0x16: {  	v13 =	vld [tilespmem:s28+$0x30]  }
0x17: {  	v12 =	vld [tilespmem:s28+$0x0]  }
0x18: {  	v21 =	vld [tilespmem:s28+$0x20];
	_ =	sdelay $0x1  }
0x19: {  	(xrf1) =	vsort.dscd.msk.f32 $0xffff, v11, v11  }
0x1a: {  	(xrf1) =	vsort.dscd.msk.f32 $0xffff, v13, v13  }
0x1b: {  	(xrf1) =	vsort.dscd.msk.f32 $0xffff, v12, v12  }
0x1c: {  	(xrf1) =	vsort.dscd.msk.f32 $0xffff, v21, v21;
	_ =	sdelay $0xa  }
0x1d: {  	v2, _, _ =	vpop (xrf1)  }
0x1e: {  	v3, _, _ =	vpop (xrf1)  }
0x1f: {  	v4, _, _ =	vpop (xrf1);
	v3 =	vperm.xlane v3, v0  }
0x20: {  	s26 =	simm.s32 $0x80;
	v5, _, _ =	vpop (xrf1)  }
0x21: {  	v19 =	vld [tilespmem:s26+$0x10];
	v2 =	vperm.xlane v2, v0;
	v3 =	vmax.f32 v5, v3  }
0x22: {  	v22 =	vld [tilespmem:s26+$0x30];
	(xrf1) =	vsort.dscd.msk.f32 $0xffff, v3, v3  }
0x23: {  	v20 =	vld [tilespmem:s26+$0x0];
	v2 =	vmax.f32 v4, v2  }
0x24: {  	v8 =	vld [tilespmem:s26+$0x20];
	(xrf1) =	vsort.dscd.msk.f32 $0xffff, v2, v2;
	_ =	sdelay $0x1  }
0x25: {  	(xrf1) =	vsort.dscd.msk.f32 $0xffff, v19, v19  }
0x26: {  	(xrf1) =	vsort.dscd.msk.f32 $0xffff, v22, v22  }
0x27: {  	(xrf1) =	vsort.dscd.msk.f32 $0xffff, v20, v20  }
0x28: {  	(xrf1) =	vsort.dscd.msk.f32 $0xffff, v8, v8;
	_ =	sdelay $0x6  }
0x29: {  	v2, _, _ =	vpop (xrf1)  }
0x2a: {  	v2 =	vperm.xlane v2, v0  }
0x2b: {  	v3, _, _ =	vpop (xrf1)  }
0x2c: {  	v2 =	vmax.f32 v3, v2  }
0x2d: {  	v4, _, _ =	vpop (xrf1)  }
0x2e: {  	v3, _, _ =	vpop (xrf1)  }
0x2f: {  	(xrf1) =	vsort.dscd.msk.f32 $0xffff, v2, v2;
	v3 =	vperm.xlane v3, v0;
	v2, _, _ =	vpop (xrf1)  }
0x30: {  	v5, _, _ =	vpop (xrf1)  }
0x31: {  	v4 =	vperm.xlane v4, v0;
	v5 =	vmax.f32 v5, v3  }
0x32: {  	s29 =	simm.s32 $0x100;
	(xrf1) =	vsort.dscd.msk.f32 $0xffff, v5, v5  }
0x33: {  	v2 =	vmax.f32 v2, v4;
	v3 =	vld [tilespmem:s29+$0x10]  }
0x34: {  	v9 =	vld [tilespmem:s29+$0x30];
	(xrf1) =	vsort.dscd.msk.f32 $0xffff, v2, v2  }
0x35: {  	v4 =	vld [tilespmem:s29+$0x0];
	_ =	sdelay $0x1  }
0x36: {  	v2 =	vld [tilespmem:s29+$0x20]  }
0x37: {  	(xrf1) =	vsort.dscd.msk.f32 $0xffff, v3, v3  }
0x38: {  	(xrf1) =	vsort.dscd.msk.f32 $0xffff, v9, v9  }
0x39: {  	(xrf1) =	vsort.dscd.msk.f32 $0xffff, v4, v4;
	_ =	sdelay $0x1  }
0x3a: {  	(xrf1) =	vsort.dscd.msk.f32 $0xffff, v2, v2  }
0x3b: {  	v5, _, _ =	vpop (xrf1)  }
0x3c: {  	v10 =	vbroadcast v5, $0x7  }
0x3d: {  	v6 =	vbroadcast v5, $0x0  }
0x3e: {  	vm2 =	veq.f32 v12, v10;
	v14, _, _ =	vpop (xrf1)  }
0x3f: {  	v7 =	vsub.f32 v12, v6;
	vm1 =	veq.f32 v11, v10;
	v14 =	vperm.xlane v14, v0  }
0x40: {  	vm5 =	vgt.f32 v5, v10;
	v5 =	vsub.f32 v21, v6;
	v15 =	vsub.f32 v11, v6;
	v17, _, _ =	vpop (xrf1)  }
0x41: {  	vm3 =	veq.f32 v13, v10;
	v16 =	vsel vm2, $0x1, v1;
	v14 =	vmax.f32 v17, v14  }
0x42: {  	vm0 =	veq.f32 v21, v10;
	v25 =	vsel vm3, $0x1, v1;
	v15 =	vmul.f32 $1.442695020e+00, v15;
	(xrf0) =	vadd.scan.msk.s32 $0xffff, v16  }
0x43: {  	v6 =	vsub.f32 v13, v6;
	vm7 =	vgt.f32 v13, v10;
	vm4 =	vgt.f32 v11, v10;
	(xrf0) =	vadd.scan.msk.s32 $0xffff, v25  }
0x44: {  	vm6 =	vgt.f32 v21, v10;
	v24 =	vmpcnt.ones.xlane vm1;
	v7 =	vmul.f32 $1.442695020e+00, v7;
	(xrf1) =	vsort.dscd.msk.f32 $0xffff, v14, v14;
	v14, _, _ =	vpop (xrf1)  }
0x45: {  	v18 =	vsel vm0, $0x1, v1;
	v5 =	vmul.f32 $1.442695020e+00, v5;
	v26, _, _ =	vpop (xrf1);
	v14 =	vperm.xlane v14, v0  }
0x46: {  	v23 =	vsel vm1, $0x1, v1;
	(erf) = vpow2.f32 v15;
	v17 =	vmpcnt.ones.xlane vm2;
	v15, _, _ =	vpop (xrf1)  }
0x47: {  	(xrf0) =	vadd.scan.msk.s32 $0xffff, v23;
	v23 =	vmpcnt.ones.xlane vm0;
	v14 =	vmax.f32 v15, v14;
	v15 =	vperm.xlane v26, v0  }
0x48: {  	(erf) = vpow2.f32 v7;
	(xrf0) =	vadd.scan.msk.s32 $0xffff, v18;
	v18 =	vsel vm3, $0xFFFFFFFF, v1;
	v24 =	vadd.s32 v17, v24;
	v7, _, _ =	vpop (xrf1)  }
0x49: {  	(erf) = vpow2.f32 v5;
	v5, _, _ =	vpop (xrf0);
	v23 =	vadd.s32 v23, v24;
	v15 =	vmax.f32 v7, v15  }
0x4a: {  	v25 =	vmpcnt.ones.xlane vm5;
	vm5 =	vgt.f32 v12, v10;
	v10, _, _ =	vpop (xrf0);
	(xrf1) =	vsort.dscd.msk.f32 $0xffff, v15, v15;
	v15 =	vadd.s32 v18, v23  }
0x4b: {  	v26 =	vmul.f32 $1.442695020e+00, v6;
	v15 =	vadd.s32 v10, v15  }
0x4c: {  	s30 =	simm.s32 $0x180;
	v25 =	vsub.s32 $0x8, v25;
	v5 =	vsub.s32 v5, v16  }
0x4d: {  	vm8 =	vlt.s32 v5, v25;
	v5 =	vsel vm1, $0xFFFFFFFF, v1;
	v7 =	vld [tilespmem:s30+$0x10];
	(erf) = vpow2.f32 v26  }
0x4e: {  	(xrf1) =	vsort.dscd.msk.f32 $0xffff, v14, v14;
	v14 =	vadd.s32 v5, v17;
	vm9 =	vlt.s32 v15, v25;
	v15, _, _ =	vpop (xrf0)  }
0x4f: {  	v6 =	vld [tilespmem:s30+$0x30];
	vm3 =	vmand vm3, vm9;
	v14 =	vadd.s32 v15, v14;
	v15 =	vsel vm0, $0xFFFFFFFF, v1  }
0x50: {  	v10 =	vld [tilespmem:s30+$0x0];
	vm3 =	vmor vm7, vm3;
	v17, _, _ =	vpop (xrf0);
	vm7 =	vlt.s32 v14, v25;
	v14 =	vadd.s32 v15, v24  }
0x51: {  	v5 =	vld [tilespmem:s30+$0x20];
	v23 =	vnsel vm3, $0xCE6E6B28, v13;
	v13 =	vadd.s32 v17, v14  }
0x52: {  	v16 =	vpop (erf);
	(xrf1) =	vsort.dscd.msk.f32 $0xffff, v7, v7  }
0x53: {  	vm2 =	vmand vm2, vm8;
	vm1 =	vmand vm1, vm7;
	v14 =	vpop (erf)  }
0x54: {  	vm5 =	vmor vm5, vm2;
	(xrf1) =	vsort.dscd.msk.f32 $0xffff, v6, v6;
	vm1 =	vmor vm4, vm1;
	vm4 =	vlt.s32 v13, v25;
	v13, _, _ =	vpop (xrf1)  }
0x55: {  	v26 =	vnsel vm5, $0xCE6E6B28, v12;
	(xrf1) =	vsort.dscd.msk.f32 $0xffff, v10, v10;
	v24 =	vnsel vm1, $0xCE6E6B28, v11;
	vm0 =	vmand vm0, vm4;
	v15 =	vpop (erf)  }
0x56: {  	(xrf1) =	vsort.dscd.msk.f32 $0xffff, v5, v5;
	vm0 =	vmor vm6, vm0;
	v18 =	vbroadcast v13, $0x7;
	v25 =	vbroadcast v13, $0x0;
	v12 =	vpop (erf)  }
0x57: {  	v11 =	vnsel vm1, $0x0, v16;
	v17 =	vnsel vm0, $0x0, v15;
	v12 =	vnsel vm3, $0x0, v12  }
0x58: {  	vm3 =	veq.f32 v20, v18;
	v16 =	vsub.f32 v20, v25;
	vm2 =	veq.f32 v19, v18  }
0x59: {  	vm6 =	vgt.f32 v13, v18;
	v27 =	vsub.f32 v8, v25;
	v13 =	vnsel vm5, $0x0, v14  }
0x5a: {  	v29 =	vsel vm3, $0x1, v1;
	v14 =	vmul.f32 $1.442695020e+00, v16;
	v16 =	vsub.f32 v19, v25  }
0x5b: {  	vm1 =	veq.f32 v8, v18;
	vm4 =	veq.f32 v22, v18;
	v28 =	vadd.f32 v11, v13;
	v30, _, _ =	vpop (xrf1);
	(xrf0) =	vadd.scan.msk.s32 $0xffff, v29  }
0x5c: {  	v30 =	vperm.xlane v30, v0;
	v15 =	vmul.f32 $1.442695020e+00, v16;
	v16 =	vadd.f32 v17, v12  }
0x5d: {  	v31 =	vsel vm1, $0x1, v1;
	v33 =	vsel vm4, $0x1, v1;
	v32, _, _ =	vpop (xrf1);
	v25 =	vsub.f32 v22, v25  }
0x5e: {  	(xrf0) =	vadd.scan.msk.s32 $0xffff, v33;
	(erf) = vpow2.f32 v15;
	v15 =	vadd.f32 v16, v28;
	v16 =	vmax.f32 v32, v30  }
0x5f: {  	v53 =	vmpcnt.ones.xlane vm2;
	v35 =	vmpcnt.ones.xlane vm1;
	v30 =	vsel vm2, $0x1, v1;
	(xrf1) =	vsort.dscd.msk.f32 $0xffff, v16, v16  }
0x60: {  	vm8 =	vgt.f32 v22, v18;
	v27 =	vmul.f32 $1.442695020e+00, v27;
	v25 =	vmul.f32 $1.442695020e+00, v25;
	v52, _, _ =	vpop (xrf1);
	(xrf0) =	vadd.scan.msk.s32 $0xffff, v30  }
0x61: {  	vm5 =	vgt.f32 v19, v18;
	v28 =	vmpcnt.ones.xlane vm3;
	v32 =	vperm.xlane v52, v0;
	(xrf0) =	vadd.scan.msk.s32 $0xffff, v31;
	v31, _, _ =	vpop (xrf0)  }
0x62: {  	vm7 =	vgt.f32 v20, v18;
	(erf) = vpow2.f32 v14;
	(xrf2) =	vadd.scan.msk.f32 $0xffff, v15;
	v15 =	vmpcnt.ones.xlane vm6;
	v16, _, _ =	vpop (xrf1)  }
0x63: {  	v33 =	vadd.s32 v28, v53;
	(erf) = vpow2.f32 v27;
	v16 =	vperm.xlane v16, v0;
	v34, _, _ =	vpop (xrf1)  }
0x64: {  	s31 =	simm.s32 $0x200;
	vm6 =	vgt.f32 v8, v18;
	(erf) = vpow2.f32 v25;
	v25 =	vsub.s32 v31, v29;
	v14, _, _ =	vpop (xrf1)  }
0x65: {  	v29 =	vsel vm2, $0xFFFFFFFF, v1;
	v27 =	vsub.s32 $0x8, v15;
	v54 =	vmax.f32 v14, v16;
	v14 =	vld [tilespmem:s31+$0x10]  }
0x66: {  	v15 =	vsel vm4, $0xFFFFFFFF, v1;
	vm9 =	vlt.s32 v25, v27;
	v16 =	vadd.s32 v35, v33  }
0x67: {  	v18, _, _ =	vpop (xrf0);
	v30 =	vmax.f32 v34, v32;
	vm3 =	vmand vm3, vm9;
	v16 =	vadd.s32 v15, v16;
	v15 =	vld [tilespmem:s31+$0x30]  }
0x68: {  	v28 =	vadd.s32 v29, v28;
	(xrf1) =	vsort.dscd.msk.f32 $0xffff, v54, v54;
	v29, _, _ =	vpop (xrf0);
	vm7 =	vmor vm7, vm3;
	v18 =	vadd.s32 v18, v16;
	v16 =	vld [tilespmem:s31+$0x0]  }
0x69: {  	(xrf1) =	vsort.dscd.msk.f32 $0xffff, v30, v30;
	v28 =	vadd.s32 v29, v28;
	v29 =	vsel vm1, $0xFFFFFFFF, v1;
	vm10 =	vlt.s32 v18, v27;
	v18 =	vld [tilespmem:s31+$0x20]  }
0x6a: {  	v58 =	vnsel vm0, $0xCE6E6B28, v21;
	v30, _, _ =	vpop (xrf0);
	v57 =	vnsel vm7, $0xCE6E6B28, v20;
	vm4 =	vmand vm4, vm10;
	(xrf1) =	vsort.dscd.msk.f32 $0xffff, v14, v14  }
0x6b: {  	v25 =	vpop (erf);
	vm4 =	vmor vm8, vm4;
	vm8 =	vlt.s32 v28, v27;
	v28 =	vadd.s32 v29, v33  }
0x6c: {  	v29, _, _ =	vpop (xrf2);
	v31 =	vnsel vm4, $0xCE6E6B28, v22;
	(xrf1) =	vsort.dscd.msk.f32 $0xffff, v15, v15;
	vm2 =	vmand vm2, vm8;
	v22 =	vadd.s32 v30, v28  }
0x6d: {  	(xrf1) =	vsort.dscd.msk.f32 $0xffff, v16, v16;
	v29 =	vbroadcast v29, $0xF;
	vm2 =	vmor vm5, vm2;
	vm5 =	vlt.s32 v22, v27;
	v27, _, _ =	vpop (xrf1)  }
0x6e: {  	v28 =	vpop (erf);
	(xrf1) =	vsort.dscd.msk.f32 $0xffff, v18, v18;
	vm1 =	vmand vm1, vm5;
	v37 =	vbroadcast v27, $0x7;
	v56 =	vbroadcast v27, $0x0  }
0x6f: {  	v55 =	vnsel vm2, $0xCE6E6B28, v19;
	v19 =	vnsel vm2, $0x0, v25;
	v22 =	vpop (erf);
	vm0 =	vmor vm6, vm1  }
0x70: {  	(erf) = vrcp.f32 v29;
	v20 =	vpop (erf);
	vm3 =	veq.f32 v4, v37;
	v21 =	vsub.f32 v4, v56  }
0x71: {  	[tilespmem:s28+$0x10000] =	vst v26;
	v22 =	vnsel vm0, $0x0, v22;
	v20 =	vnsel vm4, $0x0, v20;
	v26 =	vsel vm3, $0x1, v1  }
0x72: {  	[tilespmem:s28+$0x10010] =	vst v24;
	v24 =	vmul.f32 $1.442695020e+00, v21;
	v21 =	vnsel vm7, $0x0, v28;
	v28 =	vsub.f32 v3, v56  }
0x73: {  	vm2 =	veq.f32 v3, v37;
	vm5 =	vgt.f32 v27, v37;
	v25 =	vsub.f32 v2, v56;
	(xrf0) =	vadd.scan.msk.s32 $0xffff, v26  }
0x74: {  	vm1 =	veq.f32 v2, v37;
	vm4 =	veq.f32 v9, v37;
	v29 =	vadd.f32 v22, v20  }
0x75: {  	[tilespmem:s28+$0x10030] =	vst v23;
	v32 =	vsub.f32 v9, v56;
	vm8 =	vgt.f32 v9, v37;
	vm6 =	vgt.f32 v3, v37  }
0x76: {  	[tilespmem:s28+$0x10020] =	vst v58;
	v30 =	vsel vm1, $0x1, v1;
	v38 =	vsel vm2, $0x1, v1;
	v23 =	vmul.f32 $1.442695020e+00, v28;
	v28, _, _ =	vpop (xrf1)  }
0x77: {  	[tilespmem:s26+$0x10030] =	vst v31;
	v39 =	vmpcnt.ones.xlane vm2;
	v40 =	vsel vm4, $0x1, v1;
	v36 =	vadd.f32 v19, v21;
	v59, _, _ =	vpop (xrf1)  }
0x78: {  	v35 =	vsel vm4, $0xFFFFFFFF, v1;
	v27 =	vmul.f32 $1.442695020e+00, v25;
	(xrf0) =	vadd.scan.msk.s32 $0xffff, v40;
	v28 =	vperm.xlane v28, v0;
	v31, _, _ =	vpop (xrf1)  }
0x79: {  	[tilespmem:s26+$0x10000] =	vst v57;
	v25 =	vmpcnt.ones.xlane vm3;
	(erf) = vpow2.f32 v23;
	v23 =	vadd.f32 v29, v36;
	v33, _, _ =	vpop (xrf0)  }
0x7a: {  	[tilespmem:s26+$0x10010] =	vst v55;
	vm7 =	vgt.f32 v4, v37;
	v60, _, _ =	vpop (xrf1);
	v31 =	vperm.xlane v31, v0;
	v28 =	vmax.f32 v59, v28  }
0x7b: {  	v29 =	vadd.s32 v25, v39;
	v61, _, _ =	vpop (xrf1);
	(xrf1) =	vsort.dscd.msk.f32 $0xffff, v28, v28;
	v28 =	vmpcnt.ones.xlane vm5;
	v63 =	vperm.xlane v60, v0  }
0x7c: {  	v36 =	vmpcnt.ones.xlane vm1;
	(erf) = vpow2.f32 v24;
	(xrf2) =	vadd.scan.msk.f32 $0xffff, v23;
	vm5 =	vgt.f32 v2, v37;
	v62, _, _ =	vpop (xrf1)  }
0x7d: {  	s0 =	simm.s32 $0xA00;
	(xrf0) =	vadd.scan.msk.s32 $0xffff, v38;
	v23 =	vpop (erf);
	v31 =	vmax.f32 v61, v31;
	v28 =	vsub.s32 $0x8, v28;
	v34 =	vmax.f32 v62, v63  }
.LBB2_2:
0x7e: {  	v36 =	vadd.s32 v36, v29;
	v32 =	vmul.f32 $1.442695020e+00, v32;
	(xrf0) =	vadd.scan.msk.s32 $0xffff, v30;
	v30, _, _ =	vpop (xrf0)  }
0x7f: {  	s2 =	sshra.s32 s0, $0x2;
	p0 =	sne.s32 s0, $0xFE00;
	s0 =	sadd.s32 $0x200, s0;
	(erf) = vpow2.f32 v27;
	v24 =	vmovc v5;
	v5 =	vmovc v18;
	v27 =	vmov v11;
	v11 =	vmov v19  }
0x80: {  	v18 =	vsub.s32 v33, v26;
	v26 =	vmul.f32 v23, v13;
	v13 =	vmovc v21;
	v37 =	vld [tilespmem:s2+$0x10];
	v35 =	vadd.s32 v35, v36  }
0x81: {  	v21 =	vmul.f32 v23, v12;
	v12 =	vmovc v20;
	v33 =	vld [tilespmem:s2+$0x30];
	v30 =	vadd.s32 v30, v35;
	(erf) = vpow2.f32 v32  }
0x82: {  	v20 =	vmul.f32 v23, v17;
	vm9 =	vlt.s32 v18, v28;
	v32 =	vld [tilespmem:s2+$0x0];
	vm10 =	vlt.s32 v30, v28;
	v19 =	vpop (erf);
	[tilespmem:s28+$0x8000] =	vst v26  }
0x83: {  	v17 =	vmovc v22;
	vm9 =	vmand vm3, vm9;
	v30 =	vsel vm2, $0xFFFFFFFF, v1;
	v18 =	vld [tilespmem:s2+$0x20];
	(xrf1) =	vsort.dscd.msk.f32 $0xffff, v34, v34;
	vm3 =	vmand vm4, vm10  }
0x84: {  	v23 =	vmul.f32 v23, v27;
	v22 =	vadd.s32 v30, v25;
	(xrf1) =	vsort.dscd.msk.f32 $0xffff, v31, v31;
	vm3 =	vmor vm8, vm3;
	v25, _, _ =	vpop (xrf0)  }
0x85: {  	v27 =	vsel vm1, $0xFFFFFFFF, v1;
	(xrf1) =	vsort.dscd.msk.f32 $0xffff, v37, v37;
	v30 =	vadd.s32 v25, v22;
	v9 =	vnsel vm3, $0xCE6E6B28, v9;
	v26, _, _ =	vpop (xrf0)  }
0x86: {  	v27 =	vadd.s32 v27, v29;
	(xrf1) =	vsort.dscd.msk.f32 $0xffff, v33, v33;
	vm4 =	vlt.s32 v30, v28;
	v25, _, _ =	vpop (xrf2);
	[tilespmem:s28+$0x8030] =	vst v21  }
0x87: {  	v26 =	vadd.s32 v26, v27;
	(xrf1) =	vsort.dscd.msk.f32 $0xffff, v32, v32;
	vm2 =	vmand vm2, vm4;
	v22 =	vpop (erf);
	v25 =	vbroadcast v25, $0xF  }
0x88: {  	(xrf1) =	vsort.dscd.msk.f32 $0xffff, v18, v18;
	vm2 =	vmor vm6, vm2;
	vm6 =	vlt.s32 v26, v28;
	v28 =	vpop (erf);
	[tilespmem:s28+$0x8010] =	vst v23  }
0x89: {  	vm4 =	vmor vm7, vm9;
	v21, _, _ =	vpop (xrf1);
	v26 =	vnsel vm2, $0xCE6E6B28, v3;
	v19 =	vnsel vm2, $0x0, v19;
	[tilespmem:s28+$0x8020] =	vst v20;
	s28 =	smov.u32 s26;
	s26 =	smov.u32 s29;
	s29 =	smov.u32 s30  }
0x8a: {  	v4 =	vnsel vm4, $0xCE6E6B28, v4;
	s30 =	smov.u32 s31;
	s31 =	smov.u32 s2;
	v23 =	vbroadcast v21, $0x7;
	v29 =	vbroadcast v21, $0x0;
	[tilespmem:s26+$0x10010] =	vst v26;
	v3 =	vpop (erf)  }
0x8b: {  	vm1 =	vmand vm1, vm6;
	v20 =	vnsel vm3, $0x0, v3;
	[tilespmem:s26+$0x10000] =	vst v4;
	v4 =	vnsel vm0, $0xCE6E6B28, v8;
	v3 =	vmovc v7;
	v7 =	vmovc v14  }
0x8c: {  	vm0 =	vmor vm5, vm1;
	v14 =	vmovc v37;
	vm3 =	veq.f32 v10, v23;
	v8 =	vsub.f32 v10, v29;
	[tilespmem:s26+$0x10030] =	vst v9  }
0x8d: {  	vm2 =	veq.f32 v3, v23;
	vm5 =	vgt.f32 v21, v23;
	v26 =	vsub.f32 v24, v29;
	[tilespmem:s28+$0x10020] =	vst v4  }
0x8e: {  	vm1 =	veq.f32 v24, v23;
	v21 =	vnsel vm4, $0x0, v22;
	v9 =	vmovc v6;
	v6 =	vmovc v15;
	v37 =	vmul.f32 $1.442695020e+00, v8  }
0x8f: {  	v15 =	vmovc v33;
	v31 =	vadd.f32 v19, v21;
	v8 =	vsub.f32 v3, v29;
	v27 =	vmul.f32 $1.442695020e+00, v26;
	v4 =	vmovc v10  }
0x90: {  	v30 =	vsel vm1, $0x1, v1;
	v26 =	vsel vm3, $0x1, v1;
	v10 =	vmovc v16;
	v16 =	vmovc v32;
	(erf) = vrcp.f32 v25  }
0x91: {  	v22 =	vnsel vm0, $0x0, v28;
	vm4 =	veq.f32 v9, v23;
	v8 =	vmul.f32 $1.442695020e+00, v8;
	v32, _, _ =	vpop (xrf1);
	(xrf0) =	vadd.scan.msk.s32 $0xffff, v26  }
0x92: {  	v38 =	vsel vm2, $0x1, v1;
	v41 =	vadd.f32 v22, v20;
	v25 =	vmpcnt.ones.xlane vm3;
	v28, _, _ =	vpop (xrf1)  }
0x93: {  	v36 =	vmpcnt.ones.xlane vm2;
	v39 =	vsel vm4, $0x1, v1;
	v35 =	vperm.xlane v32, v0;
	v34, _, _ =	vpop (xrf1)  }
0x94: {  	v32 =	vsub.f32 v9, v29;
	v40, _, _ =	vpop (xrf1);
	(xrf0) =	vadd.scan.msk.s32 $0xffff, v39;
	(erf) = vpow2.f32 v8;
	v8 =	vadd.f32 v41, v31  }
.Ltmp0:
0x95: {  	vm8 =	vgt.f32 v9, v23;
	v31 =	vperm.xlane v34, v0;
	v28 =	vmax.f32 v28, v35;
	v33, _, _ =	vpop (xrf1);
	(pc) =	sbr.rel @p0 .LBB2_2-.Ltmp0, $4  }
0x96: {  	vm6 =	vgt.f32 v3, v23;
	v29 =	vadd.s32 v25, v36;
	v34, _, _ =	vpop (xrf1);
	(xrf1) =	vsort.dscd.msk.f32 $0xffff, v28, v28;
	v28 =	vmpcnt.ones.xlane vm5  }
0x97: {  	vm7 =	vgt.f32 v4, v23;
	v39 =	vperm.xlane v40, v0;
	v31 =	vmax.f32 v33, v31;
	v33, _, _ =	vpop (xrf0);
	(xrf2) =	vadd.scan.msk.f32 $0xffff, v8  }
0x98: {  	v36 =	vmpcnt.ones.xlane vm1;
	v35 =	vsel vm4, $0xFFFFFFFF, v1;
	v28 =	vsub.s32 $0x8, v28;
	v8 =	vmovc v2;
	v2 =	vmovc v24  }
0x99: {  	v34 =	vmax.f32 v34, v39;
	vm5 =	vgt.f32 v2, v23;
	(xrf0) =	vadd.scan.msk.s32 $0xffff, v38;
	(erf) = vpow2.f32 v37;
	v23 =	vpop (erf)  }
0x9a: {  	(xrf1) =	vsort.dscd.msk.f32 $0xffff, v34, v34  }
0x9b: {  	(xrf0) =	vadd.scan.msk.s32 $0xffff, v30;
	v24 =	vmul.f32 $1.442695020e+00, v32;
	(erf) = vpow2.f32 v27  }
0x9c: {  	v26 =	vsub.s32 v33, v26;
	(xrf1) =	vsort.dscd.msk.f32 $0xffff, v31, v31  }
0x9d: {  	v31 =	vsel vm2, $0xFFFFFFFF, v1;
	(erf) = vpow2.f32 v24;
	v24 =	vadd.s32 v36, v29  }
0x9e: {  	v27, _, _ =	vpop (xrf0);
	v25 =	vadd.s32 v31, v25;
	v24 =	vadd.s32 v35, v24  }
0x9f: {  	vm9 =	vlt.s32 v26, v28;
	v24 =	vadd.s32 v27, v24;
	v26, _, _ =	vpop (xrf0)  }
0xa0: {  	v30 =	vpop (erf);
	vm10 =	vlt.s32 v24, v28;
	v24 =	vadd.s32 v26, v25  }
0xa1: {  	vm9 =	vmand vm3, vm9;
	v25, _, _ =	vpop (xrf0);
	v26 =	vsel vm1, $0xFFFFFFFF, v1  }
0xa2: {  	vm3 =	vmand vm4, vm10;
	vm4 =	vlt.s32 v24, v28;
	v26 =	vadd.s32 v26, v29;
	v27 =	vpop (erf)  }
0xa3: {  	vm3 =	vmor vm8, vm3;
	vm2 =	vmand vm2, vm4;
	v25 =	vadd.s32 v25, v26;
	v24, _, _ =	vpop (xrf2)  }
0xa4: {  	vm4 =	vmor vm7, vm9;
	vm2 =	vmor vm6, vm2;
	vm6 =	vlt.s32 v25, v28;
	v28 =	vpop (erf)  }
0xa5: {  	v27 =	vnsel vm4, $0x0, v27;
	v29 =	vbroadcast v24, $0xF;
	v26, _, _ =	vpop (xrf1);
	v24 =	vnsel vm2, $0x0, v30  }
0xa6: {  	vm1 =	vmand vm1, vm6;
	v31 =	vbroadcast v26, $0x7;
	v53 =	vbroadcast v26, $0x0;
	v25 =	vpop (erf)  }
0xa7: {  	vm1 =	vmor vm5, vm1;
	v57 =	vadd.f32 v24, v27;
	v25 =	vnsel vm3, $0x0, v25  }
0xa8: {  	(erf) = vrcp.f32 v29;
	vm6 =	veq.f32 v10, v31;
	v30 =	vsub.f32 v10, v53;
	v54, _, _ =	vpop (xrf1)  }
0xa9: {  	vm7 =	veq.f32 v7, v31;
	vm9 =	vgt.f32 v26, v31;
	v33 =	vperm.xlane v54, v0  }
0xaa: {  	v55 =	vsub.f32 v5, v53;
	vm5 =	veq.f32 v5, v31;
	v56 =	vsub.f32 v7, v53;
	v26, _, _ =	vpop (xrf1)  }
0xab: {  	vm8 =	veq.f32 v6, v31;
	v32 =	vsub.f32 v6, v53;
	v33 =	vmax.f32 v26, v33  }
0xac: {  	vm12 =	vgt.f32 v6, v31;
	v26 =	vnsel vm1, $0x0, v28;
	v28 =	vsel vm6, $0x1, v1;
	(xrf1) =	vsort.dscd.msk.f32 $0xffff, v33, v33  }
0xad: {  	vm11 =	vgt.f32 v10, v31;
	vm10 =	vgt.f32 v5, v31;
	v37 =	vsel vm5, $0x1, v1;
	(xrf0) =	vadd.scan.msk.s32 $0xffff, v28  }
0xae: {  	v38 =	vsel vm8, $0x1, v1;
	v59 =	vmpcnt.ones.xlane vm6;
	v58 =	vadd.f32 v26, v25  }
0xaf: {  	v60 =	vsel vm7, $0x1, v1;
	v61 =	vmpcnt.ones.xlane vm7;
	v29 =	vmul.f32 $1.442695020e+00, v56;
	(xrf0) =	vadd.scan.msk.s32 $0xffff, v38  }
0xb0: {  	v62 =	vmpcnt.ones.xlane vm5;
	v30 =	vmul.f32 $1.442695020e+00, v30;
	v33 =	vadd.f32 v58, v57;
	(xrf0) =	vadd.scan.msk.s32 $0xffff, v60  }
0xb1: {  	v41 =	vsel vm8, $0xFFFFFFFF, v1;
	(erf) = vpow2.f32 v29;
	v29 =	vmpcnt.ones.xlane vm9  }
0xb2: {  	v63 =	vadd.s32 v59, v61;
	(erf) = vpow2.f32 v30;
	v30 =	vmul.f32 $1.442695020e+00, v32;
	(xrf2) =	vadd.scan.msk.f32 $0xffff, v33  }
0xb3: {  	v34 =	vmul.f32 $1.442695020e+00, v55;
	vm9 =	vgt.f32 v7, v31;
	v31 =	vadd.s32 v62, v63;
	(xrf0) =	vadd.scan.msk.s32 $0xffff, v37;
	v40, _, _ =	vpop (xrf0)  }
0xb4: {  	v31 =	vadd.s32 v41, v31;
	v29 =	vsub.s32 $0x8, v29;
	v28 =	vsub.s32 v40, v28  }
0xb5: {  	(erf) = vpow2.f32 v34;
	v42, _, _ =	vpop (xrf0);
	vm13 =	vlt.s32 v28, v29;
	v28 =	vsel vm7, $0xFFFFFFFF, v1  }
0xb6: {  	(erf) = vpow2.f32 v30;
	v31 =	vadd.s32 v42, v31;
	v30, _, _ =	vpop (xrf0);
	v28 =	vadd.s32 v28, v59  }
0xb7: {  	v28 =	vadd.s32 v30, v28;
	v30 =	vsel vm5, $0xFFFFFFFF, v1  }
0xb8: {  	vm14 =	vlt.s32 v31, v29;
	vm13 =	vmand vm6, vm13  }
0xb9: {  	vm6 =	vmand vm8, vm14;
	v31, _, _ =	vpop (xrf0);
	vm8 =	vlt.s32 v28, v29;
	v28 =	vadd.s32 v30, v63  }
0xba: {  	vm6 =	vmor vm12, vm6;
	vm7 =	vmand vm7, vm8;
	v28 =	vadd.s32 v31, v28;
	v30, _, _ =	vpop (xrf1)  }
0xbb: {  	vm8 =	vmor vm11, vm13;
	vm12 =	vlt.s32 v28, v29;
	v31 =	vbroadcast v30, $0x7  }
0xbc: {  	vm7 =	vmor vm9, vm7;
	v43, _, _ =	vpop (xrf2);
	vm5 =	vmand vm5, vm12;
	v44 =	vbroadcast v30, $0x0  }
0xbd: {  	v32 =	vbroadcast v43, $0xF;
	vm5 =	vmor vm10, vm5;
	vm9 =	veq.f32 v16, v31  }
0xbe: {  	v28 =	vsub.f32 v16, v44;
	v45 =	vsub.f32 v18, v44;
	v29 =	vsel vm9, $0x1, v1  }
0xbf: {  	v48 =	vpop (erf);
	v46 =	vsub.f32 v14, v44;
	vm11 =	veq.f32 v15, v31;
	vm10 =	veq.f32 v14, v31;
	(xrf0) =	vadd.scan.msk.s32 $0xffff, v29  }
0xc0: {  	v49 =	vpop (erf);
	vm13 =	vgt.f32 v30, v31;
	(erf) = vrcp.f32 v32;
	v47 =	vsel vm11, $0x1, v1  }
0xc1: {  	vm12 =	veq.f32 v18, v31;
	v32 =	vnsel vm7, $0x0, v49;
	v30 =	vmpcnt.ones.xlane vm9;
	(xrf0) =	vadd.scan.msk.s32 $0xffff, v47  }
0xc2: {  	v50 =	vmpcnt.ones.xlane vm10;
	v52 =	vsel vm10, $0x1, v1;
	v35 =	vmul.f32 $1.442695020e+00, v46  }
0xc3: {  	v39 =	vmpcnt.ones.xlane vm12;
	v56 =	vsel vm11, $0xFFFFFFFF, v1;
	v28 =	vmul.f32 $1.442695020e+00, v28  }
0xc4: {  	v51 =	vpop (erf);
	v57 =	vsel vm12, $0x1, v1;
	v40 =	vmpcnt.ones.xlane vm13;
	(erf) = vpow2.f32 v35  }
0xc5: {  	v53 =	vadd.s32 v30, v50;
	(erf) = vpow2.f32 v28;
	v28 =	vsub.f32 v15, v44;
	v54, _, _ =	vpop (xrf0);
	(xrf0) =	vadd.scan.msk.s32 $0xffff, v52  }
0xc6: {  	v55 =	vpop (erf);
	v34 =	vmul.f32 $1.442695020e+00, v45;
	v61 =	vsub.s32 $0x8, v40;
	v39 =	vadd.s32 v39, v53  }
0xc7: {  	v35 =	vnsel vm8, $0x0, v51;
	v38 =	vadd.s32 v56, v39;
	v28 =	vmul.f32 $1.442695020e+00, v28;
	v58, _, _ =	vpop (xrf0);
	(xrf0) =	vadd.scan.msk.s32 $0xffff, v57  }
0xc8: {  	v60 =	vpop (erf);
	(erf) = vpow2.f32 v34;
	v34 =	vnsel vm5, $0x0, v55;
	v29 =	vsub.s32 v54, v29  }
0xc9: {  	(erf) = vpow2.f32 v28;
	v59 =	vadd.s32 v58, v38;
	v38 =	vnsel vm6, $0x0, v60  }
0xca: {  	vm13 =	vlt.s32 v29, v61;
	v29 =	vsel vm10, $0xFFFFFFFF, v1;
	vm14 =	vlt.s32 v59, v61  }
0xcb: {  	vm13 =	vmand vm9, vm13;
	v29 =	vadd.s32 v29, v30;
	vm9 =	vmand vm11, vm14;
	v30, _, _ =	vpop (xrf0)  }
0xcc: {  	vm11 =	vgt.f32 v15, v31;
	v29 =	vadd.s32 v30, v29;
	v30 =	vsel vm12, $0xFFFFFFFF, v1  }
0xcd: {  	vm9 =	vmor vm11, vm9;
	v62, _, _ =	vpop (xrf0);
	vm11 =	vlt.s32 v29, v61;
	v29 =	vadd.s32 v30, v53  }
0xce: {  	v28 =	vadd.f32 v32, v35;
	v63 =	vadd.f32 v34, v38;
	v29 =	vadd.s32 v62, v29  }
0xcf: {  	v13 =	vmul.f32 v23, v13;
	v30 =	vpop (erf)  }
0xd0: {  	v28 =	vadd.f32 v63, v28;
	vm10 =	vmand vm10, vm11;
	vm11 =	vgt.f32 v14, v31;
	v40 =	vpop (erf)  }
0xd1: {  	v12 =	vmul.f32 v23, v12;
	vm11 =	vmor vm11, vm10;
	vm10 =	vlt.s32 v29, v61;
	v29 =	vpop (erf)  }
0xd2: {  	vm15 =	vgt.f32 v18, v31;
	vm14 =	vgt.f32 v16, v31;
	(xrf2) =	vadd.scan.msk.f32 $0xffff, v28;
	vm10 =	vmand vm12, vm10;
	v31 =	vpop (erf)  }
0xd3: {  	vm12 =	vmor vm14, vm13;
	vm10 =	vmor vm15, vm10;
	v41 =	vnsel vm11, $0x0, v40;
	v42 =	vpop (erf)  }
0xd4: {  	v29 =	vnsel vm12, $0x0, v29;
	v31 =	vnsel vm10, $0x0, v31;
	v28 =	vnsel vm9, $0x0, v42  }
0xd5: {  	v11 =	vmul.f32 v23, v11;
	[tilespmem:s28+$0x8000] =	vst v13;
	v13 =	vadd.f32 v41, v29;
	v37 =	vadd.f32 v31, v28  }
0xd6: {  	[tilespmem:s28+$0x8030] =	vst v12  }
0xd7: {  	[tilespmem:s28+$0x8010] =	vst v11;
	v3 =	vnsel vm2, $0xCE6E6B28, v3;
	v11 =	vadd.f32 v37, v13  }
0xd8: {  	v17 =	vmul.f32 v23, v17;
	[tilespmem:s29+$0x10010] =	vst v3;
	v3 =	vnsel vm3, $0xCE6E6B28, v9  }
0xd9: {  	[tilespmem:s29+$0x10030] =	vst v3;
	v3 =	vmul.f32 v48, v21;
	(xrf2) =	vadd.scan.msk.f32 $0xffff, v11  }
0xda: {  	[tilespmem:s28+$0x8020] =	vst v17  }
0xdb: {  	v4 =	vnsel vm4, $0xCE6E6B28, v4;
	[tilespmem:s26+$0x8000] =	vst v3;
	v3 =	vmul.f32 v48, v19  }
0xdc: {  	[tilespmem:s29+$0x10000] =	vst v4;
	v4 =	vnsel vm0, $0xCE6E6B28, v8;
	v8, _, _ =	vpop (xrf2)  }
0xdd: {  	[tilespmem:s26+$0x8010] =	vst v3;
	v3 =	vbroadcast v8, $0xF  }
0xde: {  	[tilespmem:s26+$0x10020] =	vst v4;
	v2 =	vnsel vm1, $0xCE6E6B28, v2;
	v4 =	vmul.f32 v48, v20  }
0xdf: {  	[tilespmem:s29+$0x10020] =	vst v2;
	(erf) = vrcp.f32 v3  }
0xe0: {  	[tilespmem:s26+$0x8030] =	vst v4;
	v4 =	vnsel vm7, $0xCE6E6B28, v7;
	v3 =	vnsel vm6, $0xCE6E6B28, v6  }
0xe1: {  	[tilespmem:s30+$0x10030] =	vst v3;
	v3 =	vmul.f32 v30, v27  }
0xe2: {  	v9 =	vmul.f32 v48, v22;
	[tilespmem:s30+$0x10010] =	vst v4  }
0xe3: {  	[tilespmem:s29+$0x8000] =	vst v3;
	v3 =	vmul.f32 v30, v24;
	v4, _, _ =	vpop (xrf2)  }
0xe4: {  	[tilespmem:s26+$0x8020] =	vst v9;
	v2 =	vmul.f32 v30, v25;
	v4 =	vbroadcast v4, $0xF  }
0xe5: {  	[tilespmem:s29+$0x8010] =	vst v3;
	v3 =	vnsel vm12, $0xCE6E6B28, v16  }
0xe6: {  	[tilespmem:s29+$0x8030] =	vst v2;
	v2 =	vnsel vm11, $0xCE6E6B28, v14;
	(erf) = vrcp.f32 v4  }
0xe7: {  	[tilespmem:s31+$0x10010] =	vst v2  }
0xe8: {  	v2 =	vnsel vm9, $0xCE6E6B28, v15;
	[tilespmem:s31+$0x10000] =	vst v3;
	v3 =	vpop (erf)  }
0xe9: {  	v7 =	vnsel vm8, $0xCE6E6B28, v10;
	[tilespmem:s31+$0x10030] =	vst v2;
	v2 =	vmul.f32 v3, v35  }
0xea: {  	[tilespmem:s30+$0x10000] =	vst v7;
	v6 =	vmul.f32 v30, v26  }
0xeb: {  	[tilespmem:s30+$0x8000] =	vst v2;
	v2 =	vmul.f32 v3, v32  }
0xec: {  	[tilespmem:s29+$0x8020] =	vst v6;
	v4 =	vnsel vm5, $0xCE6E6B28, v5  }
0xed: {  	[tilespmem:s30+$0x10020] =	vst v4;
	v4 =	vmul.f32 v3, v38  }
0xee: {  	v3 =	vmul.f32 v3, v34;
	[tilespmem:s30+$0x8010] =	vst v2  }
0xef: {  	[tilespmem:s30+$0x8030] =	vst v4;
	v2 =	vpop (erf)  }
0xf0: {  	[tilespmem:s30+$0x8020] =	vst v3;
	v3 =	vnsel vm10, $0xCE6E6B28, v18;
	v4 =	vmul.f32 v2, v29  }
0xf1: {  	[tilespmem:s31+$0x10020] =	vst v3;
	v3 =	vmul.f32 v2, v28  }
0xf2: {  	[tilespmem:s31+$0x8000] =	vst v4;
	v4 =	vmul.f32 v2, v41  }
0xf3: {  	v2 =	vmul.f32 v2, v31;
	[tilespmem:s31+$0x8030] =	vst v3  }
0xf4: {  	[tilespmem:s31+$0x8010] =	vst v4  }
0xf5: {  	s0 =	simm.s32 $0x0;
	[tilespmem:s31+$0x8020] =	vst v2  }
0xf6: {  	[hbm4b:s5+s0] =	stream.linear.scatter [tilespmem:s18], [sflag:$0x3], $0x4000, $0x38;
	[tilespmem:$0x18000] =	vst v63  }
0xf7: {  	_ = 	snop  }
0xf8: {  	[hbm4b:s6+s0] =	stream.linear.scatter [tilespmem:s19], [sflag:$0x3], $0x4000, $0x38;
	[tilespmem:$0x18000] =	vst v63  }
0xf9: {  	_ = 	snop  }
0xfa: {  	[tilespmem:s0], [sflag:$0x1] =	stream.linear.gather [hbm4b:s7+s0], $0x4000, $0x38;
	[tilespmem:$0x18000] =	vst v63  }
0xfb: {  	_ =	swait.ge [sflag:s20], $0x4000  }
0xfc: {  	[sflag:s20] =	ssyncset.done $0x0  }
0xfd: {  	s28 =	simm.s32 $0x0;
	[sflag:s20] =	ssyncadd.s32 $0xFFFFC000  }
0xfe: {  	v11 =	vld [tilespmem:s28+$0x4010]  }
0xff: {  	v13 =	vld [tilespmem:s28+$0x4030]  }
0x100: {  	v12 =	vld [tilespmem:s28+$0x4000]  }
0x101: {  	v21 =	vld [tilespmem:s28+$0x4020];
	_ =	sdelay $0x1  }
0x102: {  	(xrf1) =	vsort.dscd.msk.f32 $0xffff, v11, v11  }
0x103: {  	(xrf1) =	vsort.dscd.msk.f32 $0xffff, v13, v13  }
0x104: {  	(xrf1) =	vsort.dscd.msk.f32 $0xffff, v12, v12  }
0x105: {  	(xrf1) =	vsort.dscd.msk.f32 $0xffff, v21, v21;
	_ =	sdelay $0xa  }
0x106: {  	v2, _, _ =	vpop (xrf1)  }
0x107: {  	v3, _, _ =	vpop (xrf1)  }
0x108: {  	v4, _, _ =	vpop (xrf1);
	v3 =	vperm.xlane v3, v0  }
0x109: {  	s26 =	simm.s32 $0x80;
	v5, _, _ =	vpop (xrf1)  }
0x10a: {  	v19 =	vld [tilespmem:s26+$0x4010];
	v2 =	vperm.xlane v2, v0;
	v3 =	vmax.f32 v5, v3  }
0x10b: {  	v22 =	vld [tilespmem:s26+$0x4030];
	(xrf1) =	vsort.dscd.msk.f32 $0xffff, v3, v3  }
0x10c: {  	v20 =	vld [tilespmem:s26+$0x4000];
	v2 =	vmax.f32 v4, v2  }
0x10d: {  	v8 =	vld [tilespmem:s26+$0x4020];
	(xrf1) =	vsort.dscd.msk.f32 $0xffff, v2, v2;
	_ =	sdelay $0x1  }
0x10e: {  	(xrf1) =	vsort.dscd.msk.f32 $0xffff, v19, v19  }
0x10f: {  	(xrf1) =	vsort.dscd.msk.f32 $0xffff, v22, v22  }
0x110: {  	(xrf1) =	vsort.dscd.msk.f32 $0xffff, v20, v20  }
0x111: {  	(xrf1) =	vsort.dscd.msk.f32 $0xffff, v8, v8;
	_ =	sdelay $0x6  }
0x112: {  	v2, _, _ =	vpop (xrf1)  }
0x113: {  	v2 =	vperm.xlane v2, v0  }
0x114: {  	v3, _, _ =	vpop (xrf1)  }
0x115: {  	v2 =	vmax.f32 v3, v2  }
0x116: {  	v4, _, _ =	vpop (xrf1)  }
0x117: {  	v3, _, _ =	vpop (xrf1)  }
0x118: {  	(xrf1) =	vsort.dscd.msk.f32 $0xffff, v2, v2;
	v3 =	vperm.xlane v3, v0;
	v2, _, _ =	vpop (xrf1)  }
0x119: {  	v5, _, _ =	vpop (xrf1)  }
0x11a: {  	v4 =	vperm.xlane v4, v0;
	v5 =	vmax.f32 v5, v3  }
0x11b: {  	s29 =	simm.s32 $0x100;
	(xrf1) =	vsort.dscd.msk.f32 $0xffff, v5, v5  }
0x11c: {  	v2 =	vmax.f32 v2, v4;
	v3 =	vld [tilespmem:s29+$0x4010]  }
0x11d: {  	v9 =	vld [tilespmem:s29+$0x4030];
	(xrf1) =	vsort.dscd.msk.f32 $0xffff, v2, v2  }
0x11e: {  	v4 =	vld [tilespmem:s29+$0x4000];
	_ =	sdelay $0x1  }
0x11f: {  	v2 =	vld [tilespmem:s29+$0x4020]  }
0x120: {  	(xrf1) =	vsort.dscd.msk.f32 $0xffff, v3, v3  }
0x121: {  	(xrf1) =	vsort.dscd.msk.f32 $0xffff, v9, v9  }
0x122: {  	(xrf1) =	vsort.dscd.msk.f32 $0xffff, v4, v4;
	_ =	sdelay $0x1  }
0x123: {  	(xrf1) =	vsort.dscd.msk.f32 $0xffff, v2, v2  }
0x124: {  	v5, _, _ =	vpop (xrf1)  }
0x125: {  	v10 =	vbroadcast v5, $0x7  }
0x126: {  	v6 =	vbroadcast v5, $0x0  }
0x127: {  	vm2 =	veq.f32 v12, v10;
	v14, _, _ =	vpop (xrf1)  }
0x128: {  	v7 =	vsub.f32 v12, v6;
	vm1 =	veq.f32 v11, v10;
	v14 =	vperm.xlane v14, v0  }
0x129: {  	vm5 =	vgt.f32 v5, v10;
	v5 =	vsub.f32 v21, v6;
	v15 =	vsub.f32 v11, v6;
	v17, _, _ =	vpop (xrf1)  }
0x12a: {  	vm3 =	veq.f32 v13, v10;
	v16 =	vsel vm2, $0x1, v1;
	v14 =	vmax.f32 v17, v14  }
0x12b: {  	vm0 =	veq.f32 v21, v10;
	v25 =	vsel vm3, $0x1, v1;
	v15 =	vmul.f32 $1.442695020e+00, v15;
	(xrf0) =	vadd.scan.msk.s32 $0xffff, v16  }
0x12c: {  	v6 =	vsub.f32 v13, v6;
	vm7 =	vgt.f32 v13, v10;
	vm4 =	vgt.f32 v11, v10;
	(xrf0) =	vadd.scan.msk.s32 $0xffff, v25  }
0x12d: {  	vm6 =	vgt.f32 v21, v10;
	v24 =	vmpcnt.ones.xlane vm1;
	v7 =	vmul.f32 $1.442695020e+00, v7;
	(xrf1) =	vsort.dscd.msk.f32 $0xffff, v14, v14;
	v14, _, _ =	vpop (xrf1)  }
0x12e: {  	v18 =	vsel vm0, $0x1, v1;
	v5 =	vmul.f32 $1.442695020e+00, v5;
	v26, _, _ =	vpop (xrf1);
	v14 =	vperm.xlane v14, v0  }
0x12f: {  	v23 =	vsel vm1, $0x1, v1;
	(erf) = vpow2.f32 v15;
	v17 =	vmpcnt.ones.xlane vm2;
	v15, _, _ =	vpop (xrf1)  }
0x130: {  	(xrf0) =	vadd.scan.msk.s32 $0xffff, v23;
	v23 =	vmpcnt.ones.xlane vm0;
	v14 =	vmax.f32 v15, v14;
	v15 =	vperm.xlane v26, v0  }
0x131: {  	(erf) = vpow2.f32 v7;
	(xrf0) =	vadd.scan.msk.s32 $0xffff, v18;
	v18 =	vsel vm3, $0xFFFFFFFF, v1;
	v24 =	vadd.s32 v17, v24;
	v7, _, _ =	vpop (xrf1)  }
0x132: {  	(erf) = vpow2.f32 v5;
	v5, _, _ =	vpop (xrf0);
	v23 =	vadd.s32 v23, v24;
	v15 =	vmax.f32 v7, v15  }
0x133: {  	v25 =	vmpcnt.ones.xlane vm5;
	vm5 =	vgt.f32 v12, v10;
	v10, _, _ =	vpop (xrf0);
	(xrf1) =	vsort.dscd.msk.f32 $0xffff, v15, v15;
	v15 =	vadd.s32 v18, v23  }
0x134: {  	v26 =	vmul.f32 $1.442695020e+00, v6;
	v15 =	vadd.s32 v10, v15  }
0x135: {  	s30 =	simm.s32 $0x180;
	v25 =	vsub.s32 $0x8, v25;
	v5 =	vsub.s32 v5, v16  }
0x136: {  	vm8 =	vlt.s32 v5, v25;
	v5 =	vsel vm1, $0xFFFFFFFF, v1;
	v7 =	vld [tilespmem:s30+$0x4010];
	(erf) = vpow2.f32 v26  }
0x137: {  	(xrf1) =	vsort.dscd.msk.f32 $0xffff, v14, v14;
	v14 =	vadd.s32 v5, v17;
	vm9 =	vlt.s32 v15, v25;
	v15, _, _ =	vpop (xrf0)  }
0x138: {  	v6 =	vld [tilespmem:s30+$0x4030];
	vm3 =	vmand vm3, vm9;
	v14 =	vadd.s32 v15, v14;
	v15 =	vsel vm0, $0xFFFFFFFF, v1  }
0x139: {  	v10 =	vld [tilespmem:s30+$0x4000];
	vm3 =	vmor vm7, vm3;
	v17, _, _ =	vpop (xrf0);
	vm7 =	vlt.s32 v14, v25;
	v14 =	vadd.s32 v15, v24  }
0x13a: {  	v5 =	vld [tilespmem:s30+$0x4020];
	v23 =	vnsel vm3, $0xCE6E6B28, v13;
	v13 =	vadd.s32 v17, v14  }
0x13b: {  	v16 =	vpop (erf);
	(xrf1) =	vsort.dscd.msk.f32 $0xffff, v7, v7  }
0x13c: {  	vm2 =	vmand vm2, vm8;
	vm1 =	vmand vm1, vm7;
	v14 =	vpop (erf)  }
0x13d: {  	vm5 =	vmor vm5, vm2;
	(xrf1) =	vsort.dscd.msk.f32 $0xffff, v6, v6;
	vm1 =	vmor vm4, vm1;
	vm4 =	vlt.s32 v13, v25;
	v13, _, _ =	vpop (xrf1)  }
0x13e: {  	v26 =	vnsel vm5, $0xCE6E6B28, v12;
	(xrf1) =	vsort.dscd.msk.f32 $0xffff, v10, v10;
	v24 =	vnsel vm1, $0xCE6E6B28, v11;
	vm0 =	vmand vm0, vm4;
	v15 =	vpop (erf)  }
0x13f: {  	(xrf1) =	vsort.dscd.msk.f32 $0xffff, v5, v5;
	vm0 =	vmor vm6, vm0;
	v18 =	vbroadcast v13, $0x7;
	v25 =	vbroadcast v13, $0x0;
	v12 =	vpop (erf)  }
0x140: {  	v11 =	vnsel vm1, $0x0, v16;
	v17 =	vnsel vm0, $0x0, v15;
	v12 =	vnsel vm3, $0x0, v12  }
0x141: {  	vm3 =	veq.f32 v20, v18;
	v16 =	vsub.f32 v20, v25;
	vm2 =	veq.f32 v19, v18  }
0x142: {  	vm6 =	vgt.f32 v13, v18;
	v27 =	vsub.f32 v8, v25;
	v13 =	vnsel vm5, $0x0, v14  }
0x143: {  	v29 =	vsel vm3, $0x1, v1;
	v14 =	vmul.f32 $1.442695020e+00, v16;
	v16 =	vsub.f32 v19, v25  }
0x144: {  	vm1 =	veq.f32 v8, v18;
	vm4 =	veq.f32 v22, v18;
	v28 =	vadd.f32 v11, v13;
	v30, _, _ =	vpop (xrf1);
	(xrf0) =	vadd.scan.msk.s32 $0xffff, v29  }
0x145: {  	v30 =	vperm.xlane v30, v0;
	v15 =	vmul.f32 $1.442695020e+00, v16;
	v16 =	vadd.f32 v17, v12  }
0x146: {  	v31 =	vsel vm1, $0x1, v1;
	v44 =	vsel vm4, $0x1, v1;
	v43, _, _ =	vpop (xrf1);
	v25 =	vsub.f32 v22, v25  }
0x147: {  	(xrf0) =	vadd.scan.msk.s32 $0xffff, v44;
	(erf) = vpow2.f32 v15;
	v15 =	vadd.f32 v16, v28;
	v16 =	vmax.f32 v43, v30  }
0x148: {  	v46 =	vmpcnt.ones.xlane vm2;
	v48 =	vmpcnt.ones.xlane vm1;
	v30 =	vsel vm2, $0x1, v1;
	(xrf1) =	vsort.dscd.msk.f32 $0xffff, v16, v16  }
0x149: {  	vm8 =	vgt.f32 v22, v18;
	v27 =	vmul.f32 $1.442695020e+00, v27;
	v25 =	vmul.f32 $1.442695020e+00, v25;
	v45, _, _ =	vpop (xrf1);
	(xrf0) =	vadd.scan.msk.s32 $0xffff, v30  }
0x14a: {  	vm5 =	vgt.f32 v19, v18;
	v28 =	vmpcnt.ones.xlane vm3;
	v32 =	vperm.xlane v45, v0;
	(xrf0) =	vadd.scan.msk.s32 $0xffff, v31;
	v31, _, _ =	vpop (xrf0)  }
0x14b: {  	vm7 =	vgt.f32 v20, v18;
	(erf) = vpow2.f32 v14;
	(xrf2) =	vadd.scan.msk.f32 $0xffff, v15;
	v15 =	vmpcnt.ones.xlane vm6;
	v16, _, _ =	vpop (xrf1)  }
0x14c: {  	v33 =	vadd.s32 v28, v46;
	(erf) = vpow2.f32 v27;
	v16 =	vperm.xlane v16, v0;
	v47, _, _ =	vpop (xrf1)  }
0x14d: {  	s31 =	simm.s32 $0x200;
	vm6 =	vgt.f32 v8, v18;
	(erf) = vpow2.f32 v25;
	v25 =	vsub.s32 v31, v29;
	v14, _, _ =	vpop (xrf1)  }
0x14e: {  	v29 =	vsel vm2, $0xFFFFFFFF, v1;
	v27 =	vsub.s32 $0x8, v15;
	v49 =	vmax.f32 v14, v16;
	v14 =	vld [tilespmem:s31+$0x4010]  }
0x14f: {  	v15 =	vsel vm4, $0xFFFFFFFF, v1;
	vm9 =	vlt.s32 v25, v27;
	v16 =	vadd.s32 v48, v33  }
0x150: {  	v18, _, _ =	vpop (xrf0);
	v30 =	vmax.f32 v47, v32;
	vm3 =	vmand vm3, vm9;
	v16 =	vadd.s32 v15, v16;
	v15 =	vld [tilespmem:s31+$0x4030]  }
0x151: {  	v28 =	vadd.s32 v29, v28;
	(xrf1) =	vsort.dscd.msk.f32 $0xffff, v49, v49;
	v29, _, _ =	vpop (xrf0);
	vm7 =	vmor vm7, vm3;
	v18 =	vadd.s32 v18, v16;
	v16 =	vld [tilespmem:s31+$0x4000]  }
0x152: {  	(xrf1) =	vsort.dscd.msk.f32 $0xffff, v30, v30;
	v28 =	vadd.s32 v29, v28;
	v29 =	vsel vm1, $0xFFFFFFFF, v1;
	vm10 =	vlt.s32 v18, v27;
	v18 =	vld [tilespmem:s31+$0x4020]  }
0x153: {  	v54 =	vnsel vm0, $0xCE6E6B28, v21;
	v30, _, _ =	vpop (xrf0);
	v53 =	vnsel vm7, $0xCE6E6B28, v20;
	vm4 =	vmand vm4, vm10;
	(xrf1) =	vsort.dscd.msk.f32 $0xffff, v14, v14  }
0x154: {  	v25 =	vpop (erf);
	vm4 =	vmor vm8, vm4;
	vm8 =	vlt.s32 v28, v27;
	v28 =	vadd.s32 v29, v33  }
0x155: {  	v29, _, _ =	vpop (xrf2);
	v31 =	vnsel vm4, $0xCE6E6B28, v22;
	(xrf1) =	vsort.dscd.msk.f32 $0xffff, v15, v15;
	vm2 =	vmand vm2, vm8;
	v22 =	vadd.s32 v30, v28  }
0x156: {  	(xrf1) =	vsort.dscd.msk.f32 $0xffff, v16, v16;
	v29 =	vbroadcast v29, $0xF;
	vm2 =	vmor vm5, vm2;
	vm5 =	vlt.s32 v22, v27;
	v27, _, _ =	vpop (xrf1)  }
0x157: {  	v28 =	vpop (erf);
	(xrf1) =	vsort.dscd.msk.f32 $0xffff, v18, v18;
	vm1 =	vmand vm1, vm5;
	v51 =	vbroadcast v27, $0x7;
	v52 =	vbroadcast v27, $0x0  }
0x158: {  	v50 =	vnsel vm2, $0xCE6E6B28, v19;
	v19 =	vnsel vm2, $0x0, v25;
	v22 =	vpop (erf);
	vm0 =	vmor vm6, vm1  }
0x159: {  	(erf) = vrcp.f32 v29;
	v20 =	vpop (erf);
	vm3 =	veq.f32 v4, v51;
	v21 =	vsub.f32 v4, v52  }
0x15a: {  	[tilespmem:s28+$0x14000] =	vst v26;
	v22 =	vnsel vm0, $0x0, v22;
	v20 =	vnsel vm4, $0x0, v20;
	v26 =	vsel vm3, $0x1, v1  }
0x15b: {  	[tilespmem:s28+$0x14010] =	vst v24;
	v24 =	vmul.f32 $1.442695020e+00, v21;
	v21 =	vnsel vm7, $0x0, v28;
	v28 =	vsub.f32 v3, v52  }
0x15c: {  	vm2 =	veq.f32 v3, v51;
	vm5 =	vgt.f32 v27, v51;
	v25 =	vsub.f32 v2, v52;
	(xrf0) =	vadd.scan.msk.s32 $0xffff, v26  }
0x15d: {  	vm1 =	veq.f32 v2, v51;
	vm4 =	veq.f32 v9, v51;
	v29 =	vadd.f32 v22, v20  }
0x15e: {  	[tilespmem:s28+$0x14030] =	vst v23;
	v32 =	vsub.f32 v9, v52;
	vm8 =	vgt.f32 v9, v51;
	vm6 =	vgt.f32 v3, v51  }
0x15f: {  	[tilespmem:s28+$0x14020] =	vst v54;
	v30 =	vsel vm1, $0x1, v1;
	v56 =	vsel vm2, $0x1, v1;
	v23 =	vmul.f32 $1.442695020e+00, v28;
	v28, _, _ =	vpop (xrf1)  }
0x160: {  	[tilespmem:s26+$0x14030] =	vst v31;
	v58 =	vmpcnt.ones.xlane vm2;
	v59 =	vsel vm4, $0x1, v1;
	v55 =	vadd.f32 v19, v21;
	v57, _, _ =	vpop (xrf1)  }
0x161: {  	v36 =	vmpcnt.ones.xlane vm1;
	v35 =	vsel vm4, $0xFFFFFFFF, v1;
	(xrf0) =	vadd.scan.msk.s32 $0xffff, v59;
	v28 =	vperm.xlane v28, v0;
	v31, _, _ =	vpop (xrf1)  }
0x162: {  	[tilespmem:s26+$0x14000] =	vst v53;
	v27 =	vmul.f32 $1.442695020e+00, v25;
	(erf) = vpow2.f32 v23;
	v23 =	vadd.f32 v29, v55;
	v33, _, _ =	vpop (xrf0)  }
0x163: {  	[tilespmem:s26+$0x14010] =	vst v50;
	v25 =	vmpcnt.ones.xlane vm3;
	v60, _, _ =	vpop (xrf1);
	v31 =	vperm.xlane v31, v0;
	v28 =	vmax.f32 v57, v28  }
0x164: {  	vm7 =	vgt.f32 v4, v51;
	v61, _, _ =	vpop (xrf1);
	(xrf1) =	vsort.dscd.msk.f32 $0xffff, v28, v28;
	v28 =	vmpcnt.ones.xlane vm5;
	v63 =	vperm.xlane v60, v0  }
0x165: {  	v29 =	vadd.s32 v25, v58;
	(erf) = vpow2.f32 v24;
	(xrf2) =	vadd.scan.msk.f32 $0xffff, v23;
	vm5 =	vgt.f32 v2, v51;
	v62, _, _ =	vpop (xrf1)  }
0x166: {  	s0 =	simm.s32 $0xA00;
	(xrf0) =	vadd.scan.msk.s32 $0xffff, v56;
	v23 =	vpop (erf);
	v31 =	vmax.f32 v61, v31;
	v28 =	vsub.s32 $0x8, v28;
	v34 =	vmax.f32 v62, v63  }
.LBB2_4:
0x167: {  	v36 =	vadd.s32 v36, v29;
	v32 =	vmul.f32 $1.442695020e+00, v32;
	(xrf0) =	vadd.scan.msk.s32 $0xffff, v30;
	v30, _, _ =	vpop (xrf0)  }
0x168: {  	s2 =	sshra.s32 s0, $0x2;
	p0 =	sne.s32 s0, $0xFE00;
	s0 =	sadd.s32 $0x200, s0;
	(erf) = vpow2.f32 v27;
	v24 =	vmovc v5;
	v5 =	vmovc v18;
	v27 =	vmov v11;
	v11 =	vmov v19  }
0x169: {  	v18 =	vsub.s32 v33, v26;
	v26 =	vmul.f32 v23, v13;
	v13 =	vmovc v21;
	v37 =	vld [tilespmem:s2+$0x4010];
	v35 =	vadd.s32 v35, v36  }
0x16a: {  	v21 =	vmul.f32 v23, v12;
	v12 =	vmovc v20;
	v33 =	vld [tilespmem:s2+$0x4030];
	v30 =	vadd.s32 v30, v35;
	(erf) = vpow2.f32 v32  }
0x16b: {  	v20 =	vmul.f32 v23, v17;
	vm9 =	vlt.s32 v18, v28;
	v32 =	vld [tilespmem:s2+$0x4000];
	vm10 =	vlt.s32 v30, v28;
	v19 =	vpop (erf);
	[tilespmem:s28+$0xC000] =	vst v26  }
0x16c: {  	v17 =	vmovc v22;
	vm9 =	vmand vm3, vm9;
	v30 =	vsel vm2, $0xFFFFFFFF, v1;
	v18 =	vld [tilespmem:s2+$0x4020];
	(xrf1) =	vsort.dscd.msk.f32 $0xffff, v34, v34;
	vm3 =	vmand vm4, vm10  }
0x16d: {  	v23 =	vmul.f32 v23, v27;
	v22 =	vadd.s32 v30, v25;
	(xrf1) =	vsort.dscd.msk.f32 $0xffff, v31, v31;
	vm3 =	vmor vm8, vm3;
	v25, _, _ =	vpop (xrf0)  }
0x16e: {  	v27 =	vsel vm1, $0xFFFFFFFF, v1;
	(xrf1) =	vsort.dscd.msk.f32 $0xffff, v37, v37;
	v30 =	vadd.s32 v25, v22;
	v9 =	vnsel vm3, $0xCE6E6B28, v9;
	v26, _, _ =	vpop (xrf0)  }
0x16f: {  	v27 =	vadd.s32 v27, v29;
	(xrf1) =	vsort.dscd.msk.f32 $0xffff, v33, v33;
	vm4 =	vlt.s32 v30, v28;
	v25, _, _ =	vpop (xrf2);
	[tilespmem:s28+$0xC030] =	vst v21  }
0x170: {  	v26 =	vadd.s32 v26, v27;
	(xrf1) =	vsort.dscd.msk.f32 $0xffff, v32, v32;
	vm2 =	vmand vm2, vm4;
	v22 =	vpop (erf);
	v25 =	vbroadcast v25, $0xF  }
0x171: {  	(xrf1) =	vsort.dscd.msk.f32 $0xffff, v18, v18;
	vm2 =	vmor vm6, vm2;
	vm6 =	vlt.s32 v26, v28;
	v28 =	vpop (erf);
	[tilespmem:s28+$0xC010] =	vst v23  }
0x172: {  	vm4 =	vmor vm7, vm9;
	v21, _, _ =	vpop (xrf1);
	v26 =	vnsel vm2, $0xCE6E6B28, v3;
	v19 =	vnsel vm2, $0x0, v19;
	[tilespmem:s28+$0xC020] =	vst v20;
	s28 =	smov.u32 s26;
	s26 =	smov.u32 s29;
	s29 =	smov.u32 s30  }
0x173: {  	v4 =	vnsel vm4, $0xCE6E6B28, v4;
	s30 =	smov.u32 s31;
	s31 =	smov.u32 s2;
	v23 =	vbroadcast v21, $0x7;
	v29 =	vbroadcast v21, $0x0;
	[tilespmem:s26+$0x14010] =	vst v26;
	v3 =	vpop (erf)  }
0x174: {  	vm1 =	vmand vm1, vm6;
	v20 =	vnsel vm3, $0x0, v3;
	[tilespmem:s26+$0x14000] =	vst v4;
	v4 =	vnsel vm0, $0xCE6E6B28, v8;
	v3 =	vmovc v7;
	v7 =	vmovc v14  }
0x175: {  	vm0 =	vmor vm5, vm1;
	v14 =	vmovc v37;
	vm3 =	veq.f32 v10, v23;
	v8 =	vsub.f32 v10, v29;
	[tilespmem:s26+$0x14030] =	vst v9  }
0x176: {  	vm2 =	veq.f32 v3, v23;
	vm5 =	vgt.f32 v21, v23;
	v26 =	vsub.f32 v24, v29;
	[tilespmem:s28+$0x14020] =	vst v4  }
0x177: {  	vm1 =	veq.f32 v24, v23;
	v21 =	vnsel vm4, $0x0, v22;
	v9 =	vmovc v6;
	v6 =	vmovc v15;
	v37 =	vmul.f32 $1.442695020e+00, v8  }
0x178: {  	v15 =	vmovc v33;
	v31 =	vadd.f32 v19, v21;
	v8 =	vsub.f32 v3, v29;
	v27 =	vmul.f32 $1.442695020e+00, v26;
	v4 =	vmovc v10  }
0x179: {  	v30 =	vsel vm1, $0x1, v1;
	v26 =	vsel vm3, $0x1, v1;
	v10 =	vmovc v16;
	v16 =	vmovc v32;
	(erf) = vrcp.f32 v25  }
0x17a: {  	v22 =	vnsel vm0, $0x0, v28;
	vm4 =	veq.f32 v9, v23;
	v8 =	vmul.f32 $1.442695020e+00, v8;
	v32, _, _ =	vpop (xrf1);
	(xrf0) =	vadd.scan.msk.s32 $0xffff, v26  }
0x17b: {  	v38 =	vsel vm2, $0x1, v1;
	v41 =	vadd.f32 v22, v20;
	v25 =	vmpcnt.ones.xlane vm3;
	v28, _, _ =	vpop (xrf1)  }
0x17c: {  	v36 =	vmpcnt.ones.xlane vm2;
	v39 =	vsel vm4, $0x1, v1;
	v35 =	vperm.xlane v32, v0;
	v34, _, _ =	vpop (xrf1)  }
0x17d: {  	v32 =	vsub.f32 v9, v29;
	v40, _, _ =	vpop (xrf1);
	(xrf0) =	vadd.scan.msk.s32 $0xffff, v39;
	(erf) = vpow2.f32 v8;
	v8 =	vadd.f32 v41, v31  }
.Ltmp1:
0x17e: {  	vm8 =	vgt.f32 v9, v23;
	v31 =	vperm.xlane v34, v0;
	v28 =	vmax.f32 v28, v35;
	v33, _, _ =	vpop (xrf1);
	(pc) =	sbr.rel @p0 .LBB2_4-.Ltmp1, $4  }
0x17f: {  	vm6 =	vgt.f32 v3, v23;
	v29 =	vadd.s32 v25, v36;
	v34, _, _ =	vpop (xrf1);
	(xrf1) =	vsort.dscd.msk.f32 $0xffff, v28, v28;
	v28 =	vmpcnt.ones.xlane vm5  }
0x180: {  	vm7 =	vgt.f32 v4, v23;
	v39 =	vperm.xlane v40, v0;
	v31 =	vmax.f32 v33, v31;
	v33, _, _ =	vpop (xrf0);
	(xrf2) =	vadd.scan.msk.f32 $0xffff, v8  }
0x181: {  	v36 =	vmpcnt.ones.xlane vm1;
	v35 =	vsel vm4, $0xFFFFFFFF, v1;
	v28 =	vsub.s32 $0x8, v28;
	v8 =	vmovc v2;
	v2 =	vmovc v24  }
0x182: {  	v34 =	vmax.f32 v34, v39;
	vm5 =	vgt.f32 v2, v23;
	(xrf0) =	vadd.scan.msk.s32 $0xffff, v38;
	(erf) = vpow2.f32 v37;
	v23 =	vpop (erf)  }
0x183: {  	(xrf1) =	vsort.dscd.msk.f32 $0xffff, v34, v34  }
0x184: {  	(xrf0) =	vadd.scan.msk.s32 $0xffff, v30;
	v24 =	vmul.f32 $1.442695020e+00, v32;
	(erf) = vpow2.f32 v27  }
0x185: {  	v26 =	vsub.s32 v33, v26;
	(xrf1) =	vsort.dscd.msk.f32 $0xffff, v31, v31  }
0x186: {  	v31 =	vsel vm2, $0xFFFFFFFF, v1;
	(erf) = vpow2.f32 v24;
	v24 =	vadd.s32 v36, v29  }
0x187: {  	v27, _, _ =	vpop (xrf0);
	v25 =	vadd.s32 v31, v25;
	v24 =	vadd.s32 v35, v24  }
0x188: {  	vm9 =	vlt.s32 v26, v28;
	v24 =	vadd.s32 v27, v24;
	v26, _, _ =	vpop (xrf0)  }
0x189: {  	v30 =	vpop (erf);
	vm10 =	vlt.s32 v24, v28;
	v24 =	vadd.s32 v26, v25  }
0x18a: {  	vm9 =	vmand vm3, vm9;
	v25, _, _ =	vpop (xrf0);
	v26 =	vsel vm1, $0xFFFFFFFF, v1  }
0x18b: {  	vm3 =	vmand vm4, vm10;
	vm4 =	vlt.s32 v24, v28;
	v26 =	vadd.s32 v26, v29;
	v27 =	vpop (erf)  }
0x18c: {  	vm3 =	vmor vm8, vm3;
	vm2 =	vmand vm2, vm4;
	v25 =	vadd.s32 v25, v26;
	v24, _, _ =	vpop (xrf2)  }
0x18d: {  	vm4 =	vmor vm7, vm9;
	vm2 =	vmor vm6, vm2;
	vm6 =	vlt.s32 v25, v28;
	v28 =	vpop (erf)  }
0x18e: {  	v27 =	vnsel vm4, $0x0, v27;
	v29 =	vbroadcast v24, $0xF;
	v26, _, _ =	vpop (xrf1);
	v24 =	vnsel vm2, $0x0, v30  }
0x18f: {  	vm1 =	vmand vm1, vm6;
	v31 =	vbroadcast v26, $0x7;
	v53 =	vbroadcast v26, $0x0;
	v25 =	vpop (erf)  }
0x190: {  	vm1 =	vmor vm5, vm1;
	v57 =	vadd.f32 v24, v27;
	v25 =	vnsel vm3, $0x0, v25  }
0x191: {  	(erf) = vrcp.f32 v29;
	vm6 =	veq.f32 v10, v31;
	v30 =	vsub.f32 v10, v53;
	v54, _, _ =	vpop (xrf1)  }
0x192: {  	vm7 =	veq.f32 v7, v31;
	vm9 =	vgt.f32 v26, v31;
	v33 =	vperm.xlane v54, v0  }
0x193: {  	v55 =	vsub.f32 v5, v53;
	vm5 =	veq.f32 v5, v31;
	v56 =	vsub.f32 v7, v53;
	v26, _, _ =	vpop (xrf1)  }
0x194: {  	vm8 =	veq.f32 v6, v31;
	v32 =	vsub.f32 v6, v53;
	v33 =	vmax.f32 v26, v33  }
0x195: {  	vm12 =	vgt.f32 v6, v31;
	v26 =	vnsel vm1, $0x0, v28;
	v28 =	vsel vm6, $0x1, v1;
	(xrf1) =	vsort.dscd.msk.f32 $0xffff, v33, v33  }
0x196: {  	vm11 =	vgt.f32 v10, v31;
	vm10 =	vgt.f32 v5, v31;
	v37 =	vsel vm5, $0x1, v1;
	(xrf0) =	vadd.scan.msk.s32 $0xffff, v28  }
0x197: {  	v38 =	vsel vm8, $0x1, v1;
	v59 =	vmpcnt.ones.xlane vm6;
	v58 =	vadd.f32 v26, v25  }
0x198: {  	v60 =	vsel vm7, $0x1, v1;
	v61 =	vmpcnt.ones.xlane vm7;
	v29 =	vmul.f32 $1.442695020e+00, v56;
	(xrf0) =	vadd.scan.msk.s32 $0xffff, v38  }
0x199: {  	v62 =	vmpcnt.ones.xlane vm5;
	v30 =	vmul.f32 $1.442695020e+00, v30;
	v33 =	vadd.f32 v58, v57;
	(xrf0) =	vadd.scan.msk.s32 $0xffff, v60  }
0x19a: {  	v41 =	vsel vm8, $0xFFFFFFFF, v1;
	(erf) = vpow2.f32 v29;
	v29 =	vmpcnt.ones.xlane vm9  }
0x19b: {  	v63 =	vadd.s32 v59, v61;
	(erf) = vpow2.f32 v30;
	v30 =	vmul.f32 $1.442695020e+00, v32;
	(xrf2) =	vadd.scan.msk.f32 $0xffff, v33  }
0x19c: {  	v34 =	vmul.f32 $1.442695020e+00, v55;
	vm9 =	vgt.f32 v7, v31;
	v31 =	vadd.s32 v62, v63;
	(xrf0) =	vadd.scan.msk.s32 $0xffff, v37;
	v40, _, _ =	vpop (xrf0)  }
0x19d: {  	v31 =	vadd.s32 v41, v31;
	v29 =	vsub.s32 $0x8, v29;
	v28 =	vsub.s32 v40, v28  }
0x19e: {  	(erf) = vpow2.f32 v34;
	v42, _, _ =	vpop (xrf0);
	vm13 =	vlt.s32 v28, v29;
	v28 =	vsel vm7, $0xFFFFFFFF, v1  }
0x19f: {  	(erf) = vpow2.f32 v30;
	v31 =	vadd.s32 v42, v31;
	v30, _, _ =	vpop (xrf0);
	v28 =	vadd.s32 v28, v59  }
0x1a0: {  	v28 =	vadd.s32 v30, v28;
	v30 =	vsel vm5, $0xFFFFFFFF, v1  }
0x1a1: {  	vm14 =	vlt.s32 v31, v29;
	vm13 =	vmand vm6, vm13  }
0x1a2: {  	vm6 =	vmand vm8, vm14;
	v31, _, _ =	vpop (xrf0);
	vm8 =	vlt.s32 v28, v29;
	v28 =	vadd.s32 v30, v63  }
0x1a3: {  	vm6 =	vmor vm12, vm6;
	vm7 =	vmand vm7, vm8;
	v28 =	vadd.s32 v31, v28;
	v30, _, _ =	vpop (xrf1)  }
0x1a4: {  	vm8 =	vmor vm11, vm13;
	vm12 =	vlt.s32 v28, v29;
	v31 =	vbroadcast v30, $0x7  }
0x1a5: {  	vm7 =	vmor vm9, vm7;
	v43, _, _ =	vpop (xrf2);
	vm5 =	vmand vm5, vm12;
	v44 =	vbroadcast v30, $0x0  }
0x1a6: {  	v32 =	vbroadcast v43, $0xF;
	vm5 =	vmor vm10, vm5;
	vm9 =	veq.f32 v16, v31  }
0x1a7: {  	v28 =	vsub.f32 v16, v44;
	v45 =	vsub.f32 v18, v44;
	v29 =	vsel vm9, $0x1, v1  }
0x1a8: {  	v48 =	vpop (erf);
	v46 =	vsub.f32 v14, v44;
	vm11 =	veq.f32 v15, v31;
	vm10 =	veq.f32 v14, v31;
	(xrf0) =	vadd.scan.msk.s32 $0xffff, v29  }
0x1a9: {  	v49 =	vpop (erf);
	vm13 =	vgt.f32 v30, v31;
	(erf) = vrcp.f32 v32;
	v47 =	vsel vm11, $0x1, v1  }
0x1aa: {  	vm12 =	veq.f32 v18, v31;
	v32 =	vnsel vm7, $0x0, v49;
	v30 =	vmpcnt.ones.xlane vm9;
	(xrf0) =	vadd.scan.msk.s32 $0xffff, v47  }
0x1ab: {  	v50 =	vmpcnt.ones.xlane vm10;
	v52 =	vsel vm10, $0x1, v1;
	v35 =	vmul.f32 $1.442695020e+00, v46  }
0x1ac: {  	v39 =	vmpcnt.ones.xlane vm12;
	v56 =	vsel vm11, $0xFFFFFFFF, v1;
	v28 =	vmul.f32 $1.442695020e+00, v28  }
0x1ad: {  	v51 =	vpop (erf);
	v57 =	vsel vm12, $0x1, v1;
	v40 =	vmpcnt.ones.xlane vm13;
	(erf) = vpow2.f32 v35  }
0x1ae: {  	v53 =	vadd.s32 v30, v50;
	(erf) = vpow2.f32 v28;
	v28 =	vsub.f32 v15, v44;
	v54, _, _ =	vpop (xrf0);
	(xrf0) =	vadd.scan.msk.s32 $0xffff, v52  }
0x1af: {  	v55 =	vpop (erf);
	v34 =	vmul.f32 $1.442695020e+00, v45;
	v61 =	vsub.s32 $0x8, v40;
	v39 =	vadd.s32 v39, v53  }
0x1b0: {  	v35 =	vnsel vm8, $0x0, v51;
	v38 =	vadd.s32 v56, v39;
	v28 =	vmul.f32 $1.442695020e+00, v28;
	v58, _, _ =	vpop (xrf0);
	(xrf0) =	vadd.scan.msk.s32 $0xffff, v57  }
0x1b1: {  	v60 =	vpop (erf);
	(erf) = vpow2.f32 v34;
	v34 =	vnsel vm5, $0x0, v55;
	v29 =	vsub.s32 v54, v29  }
0x1b2: {  	(erf) = vpow2.f32 v28;
	v59 =	vadd.s32 v58, v38;
	v38 =	vnsel vm6, $0x0, v60  }
0x1b3: {  	vm13 =	vlt.s32 v29, v61;
	v29 =	vsel vm10, $0xFFFFFFFF, v1;
	vm14 =	vlt.s32 v59, v61  }
0x1b4: {  	vm13 =	vmand vm9, vm13;
	v29 =	vadd.s32 v29, v30;
	vm9 =	vmand vm11, vm14;
	v30, _, _ =	vpop (xrf0)  }
0x1b5: {  	vm11 =	vgt.f32 v15, v31;
	v29 =	vadd.s32 v30, v29;
	v30 =	vsel vm12, $0xFFFFFFFF, v1  }
0x1b6: {  	vm9 =	vmor vm11, vm9;
	v62, _, _ =	vpop (xrf0);
	vm11 =	vlt.s32 v29, v61;
	v29 =	vadd.s32 v30, v53  }
0x1b7: {  	v28 =	vadd.f32 v32, v35;
	v63 =	vadd.f32 v34, v38;
	v29 =	vadd.s32 v62, v29  }
0x1b8: {  	v13 =	vmul.f32 v23, v13;
	v30 =	vpop (erf)  }
0x1b9: {  	v28 =	vadd.f32 v63, v28;
	vm10 =	vmand vm10, vm11;
	vm11 =	vgt.f32 v14, v31;
	v40 =	vpop (erf)  }
0x1ba: {  	v12 =	vmul.f32 v23, v12;
	vm11 =	vmor vm11, vm10;
	vm10 =	vlt.s32 v29, v61;
	v29 =	vpop (erf)  }
0x1bb: {  	vm15 =	vgt.f32 v18, v31;
	vm14 =	vgt.f32 v16, v31;
	(xrf2) =	vadd.scan.msk.f32 $0xffff, v28;
	vm10 =	vmand vm12, vm10;
	v31 =	vpop (erf)  }
0x1bc: {  	vm12 =	vmor vm14, vm13;
	vm10 =	vmor vm15, vm10;
	v41 =	vnsel vm11, $0x0, v40;
	v42 =	vpop (erf)  }
0x1bd: {  	v29 =	vnsel vm12, $0x0, v29;
	v31 =	vnsel vm10, $0x0, v31;
	v28 =	vnsel vm9, $0x0, v42  }
0x1be: {  	v11 =	vmul.f32 v23, v11;
	[tilespmem:s28+$0xC000] =	vst v13;
	v13 =	vadd.f32 v41, v29;
	v37 =	vadd.f32 v31, v28  }
0x1bf: {  	[tilespmem:s28+$0xC030] =	vst v12  }
0x1c0: {  	[tilespmem:s28+$0xC010] =	vst v11;
	v3 =	vnsel vm2, $0xCE6E6B28, v3;
	v11 =	vadd.f32 v37, v13  }
0x1c1: {  	v17 =	vmul.f32 v23, v17;
	[tilespmem:s29+$0x14010] =	vst v3;
	v3 =	vnsel vm3, $0xCE6E6B28, v9  }
0x1c2: {  	[tilespmem:s29+$0x14030] =	vst v3;
	v3 =	vmul.f32 v48, v21;
	(xrf2) =	vadd.scan.msk.f32 $0xffff, v11  }
0x1c3: {  	[tilespmem:s28+$0xC020] =	vst v17  }
0x1c4: {  	v4 =	vnsel vm4, $0xCE6E6B28, v4;
	[tilespmem:s26+$0xC000] =	vst v3;
	v3 =	vmul.f32 v48, v19  }
0x1c5: {  	[tilespmem:s29+$0x14000] =	vst v4;
	v4 =	vnsel vm0, $0xCE6E6B28, v8;
	v8, _, _ =	vpop (xrf2)  }
0x1c6: {  	[tilespmem:s26+$0xC010] =	vst v3;
	v3 =	vbroadcast v8, $0xF  }
0x1c7: {  	[tilespmem:s26+$0x14020] =	vst v4;
	v2 =	vnsel vm1, $0xCE6E6B28, v2;
	v4 =	vmul.f32 v48, v20  }
0x1c8: {  	[tilespmem:s29+$0x14020] =	vst v2;
	(erf) = vrcp.f32 v3  }
0x1c9: {  	[tilespmem:s26+$0xC030] =	vst v4;
	v4 =	vnsel vm7, $0xCE6E6B28, v7;
	v3 =	vnsel vm6, $0xCE6E6B28, v6  }
0x1ca: {  	[tilespmem:s30+$0x14030] =	vst v3;
	v3 =	vmul.f32 v30, v27  }
0x1cb: {  	v9 =	vmul.f32 v48, v22;
	[tilespmem:s30+$0x14010] =	vst v4  }
0x1cc: {  	[tilespmem:s29+$0xC000] =	vst v3;
	v3 =	vmul.f32 v30, v24;
	v4, _, _ =	vpop (xrf2)  }
0x1cd: {  	[tilespmem:s26+$0xC020] =	vst v9;
	v2 =	vmul.f32 v30, v25;
	v4 =	vbroadcast v4, $0xF  }
0x1ce: {  	[tilespmem:s29+$0xC010] =	vst v3;
	v3 =	vnsel vm12, $0xCE6E6B28, v16  }
0x1cf: {  	[tilespmem:s29+$0xC030] =	vst v2;
	v2 =	vnsel vm11, $0xCE6E6B28, v14;
	(erf) = vrcp.f32 v4  }
0x1d0: {  	[tilespmem:s31+$0x14010] =	vst v2  }
0x1d1: {  	v2 =	vnsel vm9, $0xCE6E6B28, v15;
	[tilespmem:s31+$0x14000] =	vst v3;
	v3 =	vpop (erf)  }
0x1d2: {  	v7 =	vnsel vm8, $0xCE6E6B28, v10;
	[tilespmem:s31+$0x14030] =	vst v2;
	v2 =	vmul.f32 v3, v35  }
0x1d3: {  	[tilespmem:s30+$0x14000] =	vst v7;
	v6 =	vmul.f32 v30, v26  }
0x1d4: {  	[tilespmem:s30+$0xC000] =	vst v2;
	v2 =	vmul.f32 v3, v32  }
0x1d5: {  	[tilespmem:s29+$0xC020] =	vst v6;
	v4 =	vnsel vm5, $0xCE6E6B28, v5  }
0x1d6: {  	[tilespmem:s30+$0x14020] =	vst v4;
	v4 =	vmul.f32 v3, v38  }
0x1d7: {  	v3 =	vmul.f32 v3, v34;
	[tilespmem:s30+$0xC010] =	vst v2  }
0x1d8: {  	[tilespmem:s30+$0xC030] =	vst v4;
	v2 =	vpop (erf)  }
0x1d9: {  	[tilespmem:s30+$0xC020] =	vst v3;
	v3 =	vnsel vm10, $0xCE6E6B28, v18;
	v4 =	vmul.f32 v2, v29  }
0x1da: {  	[tilespmem:s31+$0x14020] =	vst v3;
	v3 =	vmul.f32 v2, v28  }
0x1db: {  	[tilespmem:s31+$0xC000] =	vst v4;
	v4 =	vmul.f32 v2, v41  }
0x1dc: {  	v2 =	vmul.f32 v2, v31;
	[tilespmem:s31+$0xC030] =	vst v3  }
0x1dd: {  	[tilespmem:s31+$0xC010] =	vst v4  }
0x1de: {  	s0 =	simm.s32 $0x0;
	[tilespmem:s31+$0xC020] =	vst v2  }
0x1df: {  	[hbm4b:s8+s0] =	stream.linear.scatter [tilespmem:s21], [sflag:$0x4], $0x4000, $0x38;
	[tilespmem:$0x18000] =	vst v63  }
0x1e0: {  	_ = 	snop  }
0x1e1: {  	[hbm4b:s9+s0] =	stream.linear.scatter [tilespmem:s22], [sflag:$0x4], $0x4000, $0x38;
	[tilespmem:$0x18000] =	vst v63  }
0x1e2: {  	_ = 	snop  }
0x1e3: {  	[tilespmem:s16], [sflag:$0x2] =	stream.linear.gather [hbm4b:s10+s0], $0x4000, $0x38;
	[tilespmem:$0x18000] =	vst v63  }
0x1e4: {  	_ =	swait.ge [sflag:s17], $0x4000  }
0x1e5: {  	[sflag:s17] =	ssyncset.done $0x0  }
0x1e6: {  	[sflag:s17] =	ssyncadd.s32 $0xFFFFC000  }
0x1e7: {  	_ =	swait.ge [sflag:s23], $0x4000  }
0x1e8: {  	[sflag:s23] =	ssyncset.done $0x0  }
0x1e9: {  	[sflag:s23] =	ssyncadd.s32 $0xFFFFC000  }
0x1ea: {  	_ =	swait.ge [sflag:s23], $0x4000  }
0x1eb: {  	[sflag:s23] =	ssyncset.done $0x0  }
0x1ec: {  	s28 =	simm.s32 $0x0;
	[sflag:s23] =	ssyncadd.s32 $0xFFFFC000  }
0x1ed: {  	v11 =	vld [tilespmem:s28+$0x10]  }
0x1ee: {  	v13 =	vld [tilespmem:s28+$0x30]  }
0x1ef: {  	v12 =	vld [tilespmem:s28+$0x0]  }
0x1f0: {  	v21 =	vld [tilespmem:s28+$0x20];
	_ =	sdelay $0x1  }
0x1f1: {  	(xrf1) =	vsort.dscd.msk.f32 $0xffff, v11, v11  }
0x1f2: {  	(xrf1) =	vsort.dscd.msk.f32 $0xffff, v13, v13  }
0x1f3: {  	(xrf1) =	vsort.dscd.msk.f32 $0xffff, v12, v12  }
0x1f4: {  	(xrf1) =	vsort.dscd.msk.f32 $0xffff, v21, v21;
	_ =	sdelay $0xa  }
0x1f5: {  	v2, _, _ =	vpop (xrf1)  }
0x1f6: {  	v3, _, _ =	vpop (xrf1)  }
0x1f7: {  	v4, _, _ =	vpop (xrf1);
	v3 =	vperm.xlane v3, v0  }
0x1f8: {  	s26 =	simm.s32 $0x80;
	v5, _, _ =	vpop (xrf1)  }
0x1f9: {  	v19 =	vld [tilespmem:s26+$0x10];
	v2 =	vperm.xlane v2, v0;
	v3 =	vmax.f32 v5, v3  }
0x1fa: {  	v22 =	vld [tilespmem:s26+$0x30];
	(xrf1) =	vsort.dscd.msk.f32 $0xffff, v3, v3  }
0x1fb: {  	v20 =	vld [tilespmem:s26+$0x0];
	v2 =	vmax.f32 v4, v2  }
0x1fc: {  	v8 =	vld [tilespmem:s26+$0x20];
	(xrf1) =	vsort.dscd.msk.f32 $0xffff, v2, v2;
	_ =	sdelay $0x1  }
0x1fd: {  	(xrf1) =	vsort.dscd.msk.f32 $0xffff, v19, v19  }
0x1fe: {  	(xrf1) =	vsort.dscd.msk.f32 $0xffff, v22, v22  }
0x1ff: {  	(xrf1) =	vsort.dscd.msk.f32 $0xffff, v20, v20  }
0x200: {  	(xrf1) =	vsort.dscd.msk.f32 $0xffff, v8, v8;
	_ =	sdelay $0x6  }
0x201: {  	v2, _, _ =	vpop (xrf1)  }
0x202: {  	v2 =	vperm.xlane v2, v0  }
0x203: {  	v3, _, _ =	vpop (xrf1)  }
0x204: {  	v2 =	vmax.f32 v3, v2  }
0x205: {  	v4, _, _ =	vpop (xrf1)  }
0x206: {  	v3, _, _ =	vpop (xrf1)  }
0x207: {  	(xrf1) =	vsort.dscd.msk.f32 $0xffff, v2, v2;
	v3 =	vperm.xlane v3, v0;
	v2, _, _ =	vpop (xrf1)  }
0x208: {  	v5, _, _ =	vpop (xrf1)  }
0x209: {  	v4 =	vperm.xlane v4, v0;
	v5 =	vmax.f32 v5, v3  }
0x20a: {  	s29 =	simm.s32 $0x100;
	(xrf1) =	vsort.dscd.msk.f32 $0xffff, v5, v5  }
0x20b: {  	v2 =	vmax.f32 v2, v4;
	v3 =	vld [tilespmem:s29+$0x10]  }
0x20c: {  	v9 =	vld [tilespmem:s29+$0x30];
	(xrf1) =	vsort.dscd.msk.f32 $0xffff, v2, v2  }
0x20d: {  	v4 =	vld [tilespmem:s29+$0x0];
	_ =	sdelay $0x1  }
0x20e: {  	v2 =	vld [tilespmem:s29+$0x20]  }
0x20f: {  	(xrf1) =	vsort.dscd.msk.f32 $0xffff, v3, v3  }
0x210: {  	(xrf1) =	vsort.dscd.msk.f32 $0xffff, v9, v9  }
0x211: {  	(xrf1) =	vsort.dscd.msk.f32 $0xffff, v4, v4;
	_ =	sdelay $0x1  }
0x212: {  	(xrf1) =	vsort.dscd.msk.f32 $0xffff, v2, v2  }
0x213: {  	v5, _, _ =	vpop (xrf1)  }
0x214: {  	v10 =	vbroadcast v5, $0x7  }
0x215: {  	v6 =	vbroadcast v5, $0x0  }
0x216: {  	vm2 =	veq.f32 v12, v10;
	v14, _, _ =	vpop (xrf1)  }
0x217: {  	v7 =	vsub.f32 v12, v6;
	vm1 =	veq.f32 v11, v10;
	v14 =	vperm.xlane v14, v0  }
0x218: {  	vm5 =	vgt.f32 v5, v10;
	v5 =	vsub.f32 v21, v6;
	v15 =	vsub.f32 v11, v6;
	v17, _, _ =	vpop (xrf1)  }
0x219: {  	vm3 =	veq.f32 v13, v10;
	v16 =	vsel vm2, $0x1, v1;
	v14 =	vmax.f32 v17, v14  }
0x21a: {  	vm0 =	veq.f32 v21, v10;
	v25 =	vsel vm3, $0x1, v1;
	v15 =	vmul.f32 $1.442695020e+00, v15;
	(xrf0) =	vadd.scan.msk.s32 $0xffff, v16  }
0x21b: {  	v6 =	vsub.f32 v13, v6;
	vm7 =	vgt.f32 v13, v10;
	vm4 =	vgt.f32 v11, v10;
	(xrf0) =	vadd.scan.msk.s32 $0xffff, v25  }
0x21c: {  	vm6 =	vgt.f32 v21, v10;
	v24 =	vmpcnt.ones.xlane vm1;
	v7 =	vmul.f32 $1.442695020e+00, v7;
	(xrf1) =	vsort.dscd.msk.f32 $0xffff, v14, v14;
	v14, _, _ =	vpop (xrf1)  }
0x21d: {  	v18 =	vsel vm0, $0x1, v1;
	v5 =	vmul.f32 $1.442695020e+00, v5;
	v26, _, _ =	vpop (xrf1);
	v14 =	vperm.xlane v14, v0  }
0x21e: {  	v23 =	vsel vm1, $0x1, v1;
	(erf) = vpow2.f32 v15;
	v17 =	vmpcnt.ones.xlane vm2;
	v15, _, _ =	vpop (xrf1)  }
0x21f: {  	(xrf0) =	vadd.scan.msk.s32 $0xffff, v23;
	v23 =	vmpcnt.ones.xlane vm0;
	v14 =	vmax.f32 v15, v14;
	v15 =	vperm.xlane v26, v0  }
0x220: {  	(erf) = vpow2.f32 v7;
	(xrf0) =	vadd.scan.msk.s32 $0xffff, v18;
	v18 =	vsel vm3, $0xFFFFFFFF, v1;
	v24 =	vadd.s32 v17, v24;
	v7, _, _ =	vpop (xrf1)  }
0x221: {  	(erf) = vpow2.f32 v5;
	v5, _, _ =	vpop (xrf0);
	v23 =	vadd.s32 v23, v24;
	v15 =	vmax.f32 v7, v15  }
0x222: {  	v25 =	vmpcnt.ones.xlane vm5;
	vm5 =	vgt.f32 v12, v10;
	v10, _, _ =	vpop (xrf0);
	(xrf1) =	vsort.dscd.msk.f32 $0xffff, v15, v15;
	v15 =	vadd.s32 v18, v23  }
0x223: {  	v26 =	vmul.f32 $1.442695020e+00, v6;
	v15 =	vadd.s32 v10, v15  }
0x224: {  	s30 =	simm.s32 $0x180;
	v25 =	vsub.s32 $0x8, v25;
	v5 =	vsub.s32 v5, v16  }
0x225: {  	vm8 =	vlt.s32 v5, v25;
	v5 =	vsel vm1, $0xFFFFFFFF, v1;
	v7 =	vld [tilespmem:s30+$0x10];
	(erf) = vpow2.f32 v26  }
0x226: {  	(xrf1) =	vsort.dscd.msk.f32 $0xffff, v14, v14;
	v14 =	vadd.s32 v5, v17;
	vm9 =	vlt.s32 v15, v25;
	v15, _, _ =	vpop (xrf0)  }
0x227: {  	v6 =	vld [tilespmem:s30+$0x30];
	vm3 =	vmand vm3, vm9;
	v14 =	vadd.s32 v15, v14;
	v15 =	vsel vm0, $0xFFFFFFFF, v1  }
0x228: {  	v10 =	vld [tilespmem:s30+$0x0];
	vm3 =	vmor vm7, vm3;
	v17, _, _ =	vpop (xrf0);
	vm7 =	vlt.s32 v14, v25;
	v14 =	vadd.s32 v15, v24  }
0x229: {  	v5 =	vld [tilespmem:s30+$0x20];
	v23 =	vnsel vm3, $0xCE6E6B28, v13;
	v13 =	vadd.s32 v17, v14  }
0x22a: {  	v16 =	vpop (erf);
	(xrf1) =	vsort.dscd.msk.f32 $0xffff, v7, v7  }
0x22b: {  	vm2 =	vmand vm2, vm8;
	vm1 =	vmand vm1, vm7;
	v14 =	vpop (erf)  }
0x22c: {  	vm5 =	vmor vm5, vm2;
	(xrf1) =	vsort.dscd.msk.f32 $0xffff, v6, v6;
	vm1 =	vmor vm4, vm1;
	vm4 =	vlt.s32 v13, v25;
	v13, _, _ =	vpop (xrf1)  }
0x22d: {  	v26 =	vnsel vm5, $0xCE6E6B28, v12;
	(xrf1) =	vsort.dscd.msk.f32 $0xffff, v10, v10;
	v24 =	vnsel vm1, $0xCE6E6B28, v11;
	vm0 =	vmand vm0, vm4;
	v15 =	vpop (erf)  }
0x22e: {  	(xrf1) =	vsort.dscd.msk.f32 $0xffff, v5, v5;
	vm0 =	vmor vm6, vm0;
	v18 =	vbroadcast v13, $0x7;
	v25 =	vbroadcast v13, $0x0;
	v12 =	vpop (erf)  }
0x22f: {  	v11 =	vnsel vm1, $0x0, v16;
	v17 =	vnsel vm0, $0x0, v15;
	v12 =	vnsel vm3, $0x0, v12  }
0x230: {  	vm3 =	veq.f32 v20, v18;
	v16 =	vsub.f32 v20, v25;
	vm2 =	veq.f32 v19, v18  }
0x231: {  	vm6 =	vgt.f32 v13, v18;
	v27 =	vsub.f32 v8, v25;
	v13 =	vnsel vm5, $0x0, v14  }
0x232: {  	v29 =	vsel vm3, $0x1, v1;
	v14 =	vmul.f32 $1.442695020e+00, v16;
	v16 =	vsub.f32 v19, v25  }
0x233: {  	vm1 =	veq.f32 v8, v18;
	vm4 =	veq.f32 v22, v18;
	v28 =	vadd.f32 v11, v13;
	v30, _, _ =	vpop (xrf1);
	(xrf0) =	vadd.scan.msk.s32 $0xffff, v29  }
0x234: {  	v30 =	vperm.xlane v30, v0;
	v15 =	vmul.f32 $1.442695020e+00, v16;
	v16 =	vadd.f32 v17, v12  }
0x235: {  	v31 =	vsel vm1, $0x1, v1;
	v44 =	vsel vm4, $0x1, v1;
	v43, _, _ =	vpop (xrf1);
	v25 =	vsub.f32 v22, v25  }
0x236: {  	(xrf0) =	vadd.scan.msk.s32 $0xffff, v44;
	(erf) = vpow2.f32 v15;
	v15 =	vadd.f32 v16, v28;
	v16 =	vmax.f32 v43, v30  }
0x237: {  	v46 =	vmpcnt.ones.xlane vm2;
	v48 =	vmpcnt.ones.xlane vm1;
	v30 =	vsel vm2, $0x1, v1;
	(xrf1) =	vsort.dscd.msk.f32 $0xffff, v16, v16  }
0x238: {  	vm8 =	vgt.f32 v22, v18;
	v27 =	vmul.f32 $1.442695020e+00, v27;
	v25 =	vmul.f32 $1.442695020e+00, v25;
	v45, _, _ =	vpop (xrf1);
	(xrf0) =	vadd.scan.msk.s32 $0xffff, v30  }
0x239: {  	vm5 =	vgt.f32 v19, v18;
	v28 =	vmpcnt.ones.xlane vm3;
	v32 =	vperm.xlane v45, v0;
	(xrf0) =	vadd.scan.msk.s32 $0xffff, v31;
	v31, _, _ =	vpop (xrf0)  }
0x23a: {  	vm7 =	vgt.f32 v20, v18;
	(erf) = vpow2.f32 v14;
	(xrf2) =	vadd.scan.msk.f32 $0xffff, v15;
	v15 =	vmpcnt.ones.xlane vm6;
	v16, _, _ =	vpop (xrf1)  }
0x23b: {  	v33 =	vadd.s32 v28, v46;
	(erf) = vpow2.f32 v27;
	v16 =	vperm.xlane v16, v0;
	v47, _, _ =	vpop (xrf1)  }
0x23c: {  	s31 =	simm.s32 $0x200;
	vm6 =	vgt.f32 v8, v18;
	(erf) = vpow2.f32 v25;
	v25 =	vsub.s32 v31, v29;
	v14, _, _ =	vpop (xrf1)  }
0x23d: {  	v29 =	vsel vm2, $0xFFFFFFFF, v1;
	v27 =	vsub.s32 $0x8, v15;
	v49 =	vmax.f32 v14, v16;
	v14 =	vld [tilespmem:s31+$0x10]  }
0x23e: {  	v15 =	vsel vm4, $0xFFFFFFFF, v1;
	vm9 =	vlt.s32 v25, v27;
	v16 =	vadd.s32 v48, v33  }
0x23f: {  	v18, _, _ =	vpop (xrf0);
	v30 =	vmax.f32 v47, v32;
	vm3 =	vmand vm3, vm9;
	v16 =	vadd.s32 v15, v16;
	v15 =	vld [tilespmem:s31+$0x30]  }
0x240: {  	v28 =	vadd.s32 v29, v28;
	(xrf1) =	vsort.dscd.msk.f32 $0xffff, v49, v49;
	v29, _, _ =	vpop (xrf0);
	vm7 =	vmor vm7, vm3;
	v18 =	vadd.s32 v18, v16;
	v16 =	vld [tilespmem:s31+$0x0]  }
0x241: {  	(xrf1) =	vsort.dscd.msk.f32 $0xffff, v30, v30;
	v28 =	vadd.s32 v29, v28;
	v29 =	vsel vm1, $0xFFFFFFFF, v1;
	vm10 =	vlt.s32 v18, v27;
	v18 =	vld [tilespmem:s31+$0x20]  }
0x242: {  	v54 =	vnsel vm0, $0xCE6E6B28, v21;
	v30, _, _ =	vpop (xrf0);
	v53 =	vnsel vm7, $0xCE6E6B28, v20;
	vm4 =	vmand vm4, vm10;
	(xrf1) =	vsort.dscd.msk.f32 $0xffff, v14, v14  }
0x243: {  	v25 =	vpop (erf);
	vm4 =	vmor vm8, vm4;
	vm8 =	vlt.s32 v28, v27;
	v28 =	vadd.s32 v29, v33  }
0x244: {  	v29, _, _ =	vpop (xrf2);
	v31 =	vnsel vm4, $0xCE6E6B28, v22;
	(xrf1) =	vsort.dscd.msk.f32 $0xffff, v15, v15;
	vm2 =	vmand vm2, vm8;
	v22 =	vadd.s32 v30, v28  }
0x245: {  	(xrf1) =	vsort.dscd.msk.f32 $0xffff, v16, v16;
	v29 =	vbroadcast v29, $0xF;
	vm2 =	vmor vm5, vm2;
	vm5 =	vlt.s32 v22, v27;
	v27, _, _ =	vpop (xrf1)  }
0x246: {  	v28 =	vpop (erf);
	(xrf1) =	vsort.dscd.msk.f32 $0xffff, v18, v18;
	vm1 =	vmand vm1, vm5;
	v51 =	vbroadcast v27, $0x7;
	v52 =	vbroadcast v27, $0x0  }
0x247: {  	v50 =	vnsel vm2, $0xCE6E6B28, v19;
	v19 =	vnsel vm2, $0x0, v25;
	v22 =	vpop (erf);
	vm0 =	vmor vm6, vm1  }
0x248: {  	(erf) = vrcp.f32 v29;
	v20 =	vpop (erf);
	vm3 =	veq.f32 v4, v51;
	v21 =	vsub.f32 v4, v52  }
0x249: {  	[tilespmem:s28+$0x10000] =	vst v26;
	v22 =	vnsel vm0, $0x0, v22;
	v20 =	vnsel vm4, $0x0, v20;
	v26 =	vsel vm3, $0x1, v1  }
0x24a: {  	[tilespmem:s28+$0x10010] =	vst v24;
	v24 =	vmul.f32 $1.442695020e+00, v21;
	v21 =	vnsel vm7, $0x0, v28;
	v28 =	vsub.f32 v3, v52  }
0x24b: {  	vm2 =	veq.f32 v3, v51;
	vm5 =	vgt.f32 v27, v51;
	v25 =	vsub.f32 v2, v52;
	(xrf0) =	vadd.scan.msk.s32 $0xffff, v26  }
0x24c: {  	vm1 =	veq.f32 v2, v51;
	vm4 =	veq.f32 v9, v51;
	v29 =	vadd.f32 v22, v20  }
0x24d: {  	[tilespmem:s28+$0x10030] =	vst v23;
	v32 =	vsub.f32 v9, v52;
	vm8 =	vgt.f32 v9, v51;
	vm6 =	vgt.f32 v3, v51  }
0x24e: {  	[tilespmem:s28+$0x10020] =	vst v54;
	v30 =	vsel vm1, $0x1, v1;
	v56 =	vsel vm2, $0x1, v1;
	v23 =	vmul.f32 $1.442695020e+00, v28;
	v28, _, _ =	vpop (xrf1)  }
0x24f: {  	[tilespmem:s26+$0x10030] =	vst v31;
	v58 =	vmpcnt.ones.xlane vm2;
	v59 =	vsel vm4, $0x1, v1;
	v55 =	vadd.f32 v19, v21;
	v57, _, _ =	vpop (xrf1)  }
0x250: {  	v36 =	vmpcnt.ones.xlane vm1;
	v35 =	vsel vm4, $0xFFFFFFFF, v1;
	(xrf0) =	vadd.scan.msk.s32 $0xffff, v59;
	v28 =	vperm.xlane v28, v0;
	v31, _, _ =	vpop (xrf1)  }
0x251: {  	[tilespmem:s26+$0x10000] =	vst v53;
	v27 =	vmul.f32 $1.442695020e+00, v25;
	(erf) = vpow2.f32 v23;
	v23 =	vadd.f32 v29, v55;
	v33, _, _ =	vpop (xrf0)  }
0x252: {  	[tilespmem:s26+$0x10010] =	vst v50;
	v25 =	vmpcnt.ones.xlane vm3;
	v60, _, _ =	vpop (xrf1);
	v31 =	vperm.xlane v31, v0;
	v28 =	vmax.f32 v57, v28  }
0x253: {  	vm7 =	vgt.f32 v4, v51;
	v61, _, _ =	vpop (xrf1);
	(xrf1) =	vsort.dscd.msk.f32 $0xffff, v28, v28;
	v28 =	vmpcnt.ones.xlane vm5;
	v63 =	vperm.xlane v60, v0  }
0x254: {  	v29 =	vadd.s32 v25, v58;
	(erf) = vpow2.f32 v24;
	(xrf2) =	vadd.scan.msk.f32 $0xffff, v23;
	vm5 =	vgt.f32 v2, v51;
	v62, _, _ =	vpop (xrf1)  }
0x255: {  	s0 =	simm.s32 $0xA00;
	(xrf0) =	vadd.scan.msk.s32 $0xffff, v56;
	v23 =	vpop (erf);
	v31 =	vmax.f32 v61, v31;
	v28 =	vsub.s32 $0x8, v28;
	v34 =	vmax.f32 v62, v63  }
.LBB2_6:
0x256: {  	v36 =	vadd.s32 v36, v29;
	v32 =	vmul.f32 $1.442695020e+00, v32;
	(xrf0) =	vadd.scan.msk.s32 $0xffff, v30;
	v30, _, _ =	vpop (xrf0)  }
0x257: {  	s2 =	sshra.s32 s0, $0x2;
	p0 =	sne.s32 s0, $0xFE00;
	s0 =	sadd.s32 $0x200, s0;
	(erf) = vpow2.f32 v27;
	v24 =	vmovc v5;
	v5 =	vmovc v18;
	v27 =	vmov v11;
	v11 =	vmov v19  }
0x258: {  	v18 =	vsub.s32 v33, v26;
	v26 =	vmul.f32 v23, v13;
	v13 =	vmovc v21;
	v37 =	vld [tilespmem:s2+$0x10];
	v35 =	vadd.s32 v35, v36  }
0x259: {  	v21 =	vmul.f32 v23, v12;
	v12 =	vmovc v20;
	v33 =	vld [tilespmem:s2+$0x30];
	v30 =	vadd.s32 v30, v35;
	(erf) = vpow2.f32 v32  }
0x25a: {  	v20 =	vmul.f32 v23, v17;
	vm9 =	vlt.s32 v18, v28;
	v32 =	vld [tilespmem:s2+$0x0];
	vm10 =	vlt.s32 v30, v28;
	v19 =	vpop (erf);
	[tilespmem:s28+$0x8000] =	vst v26  }
0x25b: {  	v17 =	vmovc v22;
	vm9 =	vmand vm3, vm9;
	v30 =	vsel vm2, $0xFFFFFFFF, v1;
	v18 =	vld [tilespmem:s2+$0x20];
	(xrf1) =	vsort.dscd.msk.f32 $0xffff, v34, v34;
	vm3 =	vmand vm4, vm10  }
0x25c: {  	v23 =	vmul.f32 v23, v27;
	v22 =	vadd.s32 v30, v25;
	(xrf1) =	vsort.dscd.msk.f32 $0xffff, v31, v31;
	vm3 =	vmor vm8, vm3;
	v25, _, _ =	vpop (xrf0)  }
0x25d: {  	v27 =	vsel vm1, $0xFFFFFFFF, v1;
	(xrf1) =	vsort.dscd.msk.f32 $0xffff, v37, v37;
	v30 =	vadd.s32 v25, v22;
	v9 =	vnsel vm3, $0xCE6E6B28, v9;
	v26, _, _ =	vpop (xrf0)  }
0x25e: {  	v27 =	vadd.s32 v27, v29;
	(xrf1) =	vsort.dscd.msk.f32 $0xffff, v33, v33;
	vm4 =	vlt.s32 v30, v28;
	v25, _, _ =	vpop (xrf2);
	[tilespmem:s28+$0x8030] =	vst v21  }
0x25f: {  	v26 =	vadd.s32 v26, v27;
	(xrf1) =	vsort.dscd.msk.f32 $0xffff, v32, v32;
	vm2 =	vmand vm2, vm4;
	v22 =	vpop (erf);
	v25 =	vbroadcast v25, $0xF  }
0x260: {  	(xrf1) =	vsort.dscd.msk.f32 $0xffff, v18, v18;
	vm2 =	vmor vm6, vm2;
	vm6 =	vlt.s32 v26, v28;
	v28 =	vpop (erf);
	[tilespmem:s28+$0x8010] =	vst v23  }
0x261: {  	vm4 =	vmor vm7, vm9;
	v21, _, _ =	vpop (xrf1);
	v26 =	vnsel vm2, $0xCE6E6B28, v3;
	v19 =	vnsel vm2, $0x0, v19;
	[tilespmem:s28+$0x8020] =	vst v20;
	s28 =	smov.u32 s26;
	s26 =	smov.u32 s29;
	s29 =	smov.u32 s30  }
0x262: {  	v4 =	vnsel vm4, $0xCE6E6B28, v4;
	s30 =	smov.u32 s31;
	s31 =	smov.u32 s2;
	v23 =	vbroadcast v21, $0x7;
	v29 =	vbroadcast v21, $0x0;
	[tilespmem:s26+$0x10010] =	vst v26;
	v3 =	vpop (erf)  }
0x263: {  	vm1 =	vmand vm1, vm6;
	v20 =	vnsel vm3, $0x0, v3;
	[tilespmem:s26+$0x10000] =	vst v4;
	v4 =	vnsel vm0, $0xCE6E6B28, v8;
	v3 =	vmovc v7;
	v7 =	vmovc v14  }
0x264: {  	vm0 =	vmor vm5, vm1;
	v14 =	vmovc v37;
	vm3 =	veq.f32 v10, v23;
	v8 =	vsub.f32 v10, v29;
	[tilespmem:s26+$0x10030] =	vst v9  }
0x265: {  	vm2 =	veq.f32 v3, v23;
	vm5 =	vgt.f32 v21, v23;
	v26 =	vsub.f32 v24, v29;
	[tilespmem:s28+$0x10020] =	vst v4  }
0x266: {  	vm1 =	veq.f32 v24, v23;
	v21 =	vnsel vm4, $0x0, v22;
	v9 =	vmovc v6;
	v6 =	vmovc v15;
	v37 =	vmul.f32 $1.442695020e+00, v8  }
0x267: {  	v15 =	vmovc v33;
	v31 =	vadd.f32 v19, v21;
	v8 =	vsub.f32 v3, v29;
	v27 =	vmul.f32 $1.442695020e+00, v26;
	v4 =	vmovc v10  }
0x268: {  	v30 =	vsel vm1, $0x1, v1;
	v26 =	vsel vm3, $0x1, v1;
	v10 =	vmovc v16;
	v16 =	vmovc v32;
	(erf) = vrcp.f32 v25  }
0x269: {  	v22 =	vnsel vm0, $0x0, v28;
	vm4 =	veq.f32 v9, v23;
	v8 =	vmul.f32 $1.442695020e+00, v8;
	v32, _, _ =	vpop (xrf1);
	(xrf0) =	vadd.scan.msk.s32 $0xffff, v26  }
0x26a: {  	v38 =	vsel vm2, $0x1, v1;
	v41 =	vadd.f32 v22, v20;
	v25 =	vmpcnt.ones.xlane vm3;
	v28, _, _ =	vpop (xrf1)  }
0x26b: {  	v36 =	vmpcnt.ones.xlane vm2;
	v39 =	vsel vm4, $0x1, v1;
	v35 =	vperm.xlane v32, v0;
	v34, _, _ =	vpop (xrf1)  }
0x26c: {  	v32 =	vsub.f32 v9, v29;
	v40, _, _ =	vpop (xrf1);
	(xrf0) =	vadd.scan.msk.s32 $0xffff, v39;
	(erf) = vpow2.f32 v8;
	v8 =	vadd.f32 v41, v31  }
.Ltmp2:
0x26d: {  	vm8 =	vgt.f32 v9, v23;
	v31 =	vperm.xlane v34, v0;
	v28 =	vmax.f32 v28, v35;
	v33, _, _ =	vpop (xrf1);
	(pc) =	sbr.rel @p0 .LBB2_6-.Ltmp2, $4  }
0x26e: {  	vm6 =	vgt.f32 v3, v23;
	v29 =	vadd.s32 v25, v36;
	v34, _, _ =	vpop (xrf1);
	(xrf1) =	vsort.dscd.msk.f32 $0xffff, v28, v28;
	v28 =	vmpcnt.ones.xlane vm5  }
0x26f: {  	vm7 =	vgt.f32 v4, v23;
	v39 =	vperm.xlane v40, v0;
	v31 =	vmax.f32 v33, v31;
	v33, _, _ =	vpop (xrf0);
	(xrf2) =	vadd.scan.msk.f32 $0xffff, v8  }
0x270: {  	v36 =	vmpcnt.ones.xlane vm1;
	v35 =	vsel vm4, $0xFFFFFFFF, v1;
	v28 =	vsub.s32 $0x8, v28;
	v8 =	vmovc v2;
	v2 =	vmovc v24  }
0x271: {  	v34 =	vmax.f32 v34, v39;
	vm5 =	vgt.f32 v2, v23;
	(xrf0) =	vadd.scan.msk.s32 $0xffff, v38;
	(erf) = vpow2.f32 v37;
	v23 =	vpop (erf)  }
0x272: {  	(xrf1) =	vsort.dscd.msk.f32 $0xffff, v34, v34  }
0x273: {  	(xrf0) =	vadd.scan.msk.s32 $0xffff, v30;
	v24 =	vmul.f32 $1.442695020e+00, v32;
	(erf) = vpow2.f32 v27  }
0x274: {  	v26 =	vsub.s32 v33, v26;
	(xrf1) =	vsort.dscd.msk.f32 $0xffff, v31, v31  }
0x275: {  	v31 =	vsel vm2, $0xFFFFFFFF, v1;
	(erf) = vpow2.f32 v24;
	v24 =	vadd.s32 v36, v29  }
0x276: {  	v27, _, _ =	vpop (xrf0);
	v25 =	vadd.s32 v31, v25;
	v24 =	vadd.s32 v35, v24  }
0x277: {  	vm9 =	vlt.s32 v26, v28;
	v24 =	vadd.s32 v27, v24;
	v26, _, _ =	vpop (xrf0)  }
0x278: {  	v30 =	vpop (erf);
	vm10 =	vlt.s32 v24, v28;
	v24 =	vadd.s32 v26, v25  }
0x279: {  	vm9 =	vmand vm3, vm9;
	v25, _, _ =	vpop (xrf0);
	v26 =	vsel vm1, $0xFFFFFFFF, v1  }
0x27a: {  	vm3 =	vmand vm4, vm10;
	vm4 =	vlt.s32 v24, v28;
	v26 =	vadd.s32 v26, v29;
	v27 =	vpop (erf)  }
0x27b: {  	vm3 =	vmor vm8, vm3;
	vm2 =	vmand vm2, vm4;
	v25 =	vadd.s32 v25, v26;
	v24, _, _ =	vpop (xrf2)  }
0x27c: {  	vm4 =	vmor vm7, vm9;
	vm2 =	vmor vm6, vm2;
	vm6 =	vlt.s32 v25, v28;
	v28 =	vpop (erf)  }
0x27d: {  	v27 =	vnsel vm4, $0x0, v27;
	v29 =	vbroadcast v24, $0xF;
	v26, _, _ =	vpop (xrf1);
	v24 =	vnsel vm2, $0x0, v30  }
0x27e: {  	vm1 =	vmand vm1, vm6;
	v31 =	vbroadcast v26, $0x7;
	v53 =	vbroadcast v26, $0x0;
	v25 =	vpop (erf)  }
0x27f: {  	vm1 =	vmor vm5, vm1;
	v57 =	vadd.f32 v24, v27;
	v25 =	vnsel vm3, $0x0, v25  }
0x280: {  	(erf) = vrcp.f32 v29;
	vm6 =	veq.f32 v10, v31;
	v30 =	vsub.f32 v10, v53;
	v54, _, _ =	vpop (xrf1)  }
0x281: {  	vm7 =	veq.f32 v7, v31;
	vm9 =	vgt.f32 v26, v31;
	v33 =	vperm.xlane v54, v0  }
0x282: {  	v55 =	vsub.f32 v5, v53;
	vm5 =	veq.f32 v5, v31;
	v56 =	vsub.f32 v7, v53;
	v26, _, _ =	vpop (xrf1)  }
0x283: {  	vm8 =	veq.f32 v6, v31;
	v32 =	vsub.f32 v6, v53;
	v33 =	vmax.f32 v26, v33  }
0x284: {  	vm12 =	vgt.f32 v6, v31;
	v26 =	vnsel vm1, $0x0, v28;
	v28 =	vsel vm6, $0x1, v1;
	(xrf1) =	vsort.dscd.msk.f32 $0xffff, v33, v33  }
0x285: {  	vm11 =	vgt.f32 v10, v31;
	vm10 =	vgt.f32 v5, v31;
	v37 =	vsel vm5, $0x1, v1;
	(xrf0) =	vadd.scan.msk.s32 $0xffff, v28  }
0x286: {  	v38 =	vsel vm8, $0x1, v1;
	v59 =	vmpcnt.ones.xlane vm6;
	v58 =	vadd.f32 v26, v25  }
0x287: {  	v60 =	vsel vm7, $0x1, v1;
	v61 =	vmpcnt.ones.xlane vm7;
	v29 =	vmul.f32 $1.442695020e+00, v56;
	(xrf0) =	vadd.scan.msk.s32 $0xffff, v38  }
0x288: {  	v62 =	vmpcnt.ones.xlane vm5;
	v30 =	vmul.f32 $1.442695020e+00, v30;
	v33 =	vadd.f32 v58, v57;
	(xrf0) =	vadd.scan.msk.s32 $0xffff, v60  }
0x289: {  	v41 =	vsel vm8, $0xFFFFFFFF, v1;
	(erf) = vpow2.f32 v29;
	v29 =	vmpcnt.ones.xlane vm9  }
0x28a: {  	v63 =	vadd.s32 v59, v61;
	(erf) = vpow2.f32 v30;
	v30 =	vmul.f32 $1.442695020e+00, v32;
	(xrf2) =	vadd.scan.msk.f32 $0xffff, v33  }
0x28b: {  	v34 =	vmul.f32 $1.442695020e+00, v55;
	vm9 =	vgt.f32 v7, v31;
	v31 =	vadd.s32 v62, v63;
	(xrf0) =	vadd.scan.msk.s32 $0xffff, v37;
	v40, _, _ =	vpop (xrf0)  }
0x28c: {  	v31 =	vadd.s32 v41, v31;
	v29 =	vsub.s32 $0x8, v29;
	v28 =	vsub.s32 v40, v28  }
0x28d: {  	(erf) = vpow2.f32 v34;
	v42, _, _ =	vpop (xrf0);
	vm13 =	vlt.s32 v28, v29;
	v28 =	vsel vm7, $0xFFFFFFFF, v1  }
0x28e: {  	(erf) = vpow2.f32 v30;
	v31 =	vadd.s32 v42, v31;
	v30, _, _ =	vpop (xrf0);
	v28 =	vadd.s32 v28, v59  }
0x28f: {  	v28 =	vadd.s32 v30, v28;
	v30 =	vsel vm5, $0xFFFFFFFF, v1  }
0x290: {  	vm14 =	vlt.s32 v31, v29;
	vm13 =	vmand vm6, vm13  }
0x291: {  	vm6 =	vmand vm8, vm14;
	v31, _, _ =	vpop (xrf0);
	vm8 =	vlt.s32 v28, v29;
	v28 =	vadd.s32 v30, v63  }
0x292: {  	vm6 =	vmor vm12, vm6;
	vm7 =	vmand vm7, vm8;
	v28 =	vadd.s32 v31, v28;
	v30, _, _ =	vpop (xrf1)  }
0x293: {  	vm8 =	vmor vm11, vm13;
	vm12 =	vlt.s32 v28, v29;
	v31 =	vbroadcast v30, $0x7  }
0x294: {  	vm7 =	vmor vm9, vm7;
	v43, _, _ =	vpop (xrf2);
	vm5 =	vmand vm5, vm12;
	v44 =	vbroadcast v30, $0x0  }
0x295: {  	v32 =	vbroadcast v43, $0xF;
	vm5 =	vmor vm10, vm5;
	vm9 =	veq.f32 v16, v31  }
0x296: {  	v28 =	vsub.f32 v16, v44;
	v45 =	vsub.f32 v18, v44;
	v29 =	vsel vm9, $0x1, v1  }
0x297: {  	v48 =	vpop (erf);
	v46 =	vsub.f32 v14, v44;
	vm11 =	veq.f32 v15, v31;
	vm10 =	veq.f32 v14, v31;
	(xrf0) =	vadd.scan.msk.s32 $0xffff, v29  }
0x298: {  	v49 =	vpop (erf);
	vm13 =	vgt.f32 v30, v31;
	(erf) = vrcp.f32 v32;
	v47 =	vsel vm11, $0x1, v1  }
0x299: {  	vm12 =	veq.f32 v18, v31;
	v32 =	vnsel vm7, $0x0, v49;
	v30 =	vmpcnt.ones.xlane vm9;
	(xrf0) =	vadd.scan.msk.s32 $0xffff, v47  }
0x29a: {  	v50 =	vmpcnt.ones.xlane vm10;
	v52 =	vsel vm10, $0x1, v1;
	v35 =	vmul.f32 $1.442695020e+00, v46  }
0x29b: {  	v39 =	vmpcnt.ones.xlane vm12;
	v56 =	vsel vm11, $0xFFFFFFFF, v1;
	v28 =	vmul.f32 $1.442695020e+00, v28  }
0x29c: {  	v51 =	vpop (erf);
	v57 =	vsel vm12, $0x1, v1;
	v40 =	vmpcnt.ones.xlane vm13;
	(erf) = vpow2.f32 v35  }
0x29d: {  	v53 =	vadd.s32 v30, v50;
	(erf) = vpow2.f32 v28;
	v28 =	vsub.f32 v15, v44;
	v54, _, _ =	vpop (xrf0);
	(xrf0) =	vadd.scan.msk.s32 $0xffff, v52  }
0x29e: {  	v55 =	vpop (erf);
	v34 =	vmul.f32 $1.442695020e+00, v45;
	v61 =	vsub.s32 $0x8, v40;
	v39 =	vadd.s32 v39, v53  }
0x29f: {  	v35 =	vnsel vm8, $0x0, v51;
	v38 =	vadd.s32 v56, v39;
	v28 =	vmul.f32 $1.442695020e+00, v28;
	v58, _, _ =	vpop (xrf0);
	(xrf0) =	vadd.scan.msk.s32 $0xffff, v57  }
0x2a0: {  	v60 =	vpop (erf);
	(erf) = vpow2.f32 v34;
	v34 =	vnsel vm5, $0x0, v55;
	v29 =	vsub.s32 v54, v29  }
0x2a1: {  	(erf) = vpow2.f32 v28;
	v59 =	vadd.s32 v58, v38;
	v38 =	vnsel vm6, $0x0, v60  }
0x2a2: {  	vm13 =	vlt.s32 v29, v61;
	v29 =	vsel vm10, $0xFFFFFFFF, v1;
	vm14 =	vlt.s32 v59, v61  }
0x2a3: {  	vm13 =	vmand vm9, vm13;
	v29 =	vadd.s32 v29, v30;
	vm9 =	vmand vm11, vm14;
	v30, _, _ =	vpop (xrf0)  }
0x2a4: {  	vm11 =	vgt.f32 v15, v31;
	v29 =	vadd.s32 v30, v29;
	v30 =	vsel vm12, $0xFFFFFFFF, v1  }
0x2a5: {  	vm9 =	vmor vm11, vm9;
	v62, _, _ =	vpop (xrf0);
	vm11 =	vlt.s32 v29, v61;
	v29 =	vadd.s32 v30, v53  }
0x2a6: {  	v28 =	vadd.f32 v32, v35;
	v63 =	vadd.f32 v34, v38;
	v29 =	vadd.s32 v62, v29  }
0x2a7: {  	v13 =	vmul.f32 v23, v13;
	v30 =	vpop (erf)  }
0x2a8: {  	v28 =	vadd.f32 v63, v28;
	vm10 =	vmand vm10, vm11;
	vm11 =	vgt.f32 v14, v31;
	v40 =	vpop (erf)  }
0x2a9: {  	v12 =	vmul.f32 v23, v12;
	vm11 =	vmor vm11, vm10;
	vm10 =	vlt.s32 v29, v61;
	v29 =	vpop (erf)  }
0x2aa: {  	vm15 =	vgt.f32 v18, v31;
	vm14 =	vgt.f32 v16, v31;
	(xrf2) =	vadd.scan.msk.f32 $0xffff, v28;
	vm10 =	vmand vm12, vm10;
	v31 =	vpop (erf)  }
0x2ab: {  	vm12 =	vmor vm14, vm13;
	vm10 =	vmor vm15, vm10;
	v41 =	vnsel vm11, $0x0, v40;
	v42 =	vpop (erf)  }
0x2ac: {  	v29 =	vnsel vm12, $0x0, v29;
	v31 =	vnsel vm10, $0x0, v31;
	v28 =	vnsel vm9, $0x0, v42  }
0x2ad: {  	v11 =	vmul.f32 v23, v11;
	[tilespmem:s28+$0x8000] =	vst v13;
	v13 =	vadd.f32 v41, v29;
	v37 =	vadd.f32 v31, v28  }
0x2ae: {  	[tilespmem:s28+$0x8030] =	vst v12  }
0x2af: {  	[tilespmem:s28+$0x8010] =	vst v11;
	v3 =	vnsel vm2, $0xCE6E6B28, v3;
	v11 =	vadd.f32 v37, v13  }
0x2b0: {  	v17 =	vmul.f32 v23, v17;
	[tilespmem:s29+$0x10010] =	vst v3;
	v3 =	vnsel vm3, $0xCE6E6B28, v9  }
0x2b1: {  	[tilespmem:s29+$0x10030] =	vst v3;
	v3 =	vmul.f32 v48, v21;
	(xrf2) =	vadd.scan.msk.f32 $0xffff, v11  }
0x2b2: {  	[tilespmem:s28+$0x8020] =	vst v17  }
0x2b3: {  	v4 =	vnsel vm4, $0xCE6E6B28, v4;
	[tilespmem:s26+$0x8000] =	vst v3;
	v3 =	vmul.f32 v48, v19  }
0x2b4: {  	[tilespmem:s29+$0x10000] =	vst v4;
	v4 =	vnsel vm0, $0xCE6E6B28, v8;
	v8, _, _ =	vpop (xrf2)  }
0x2b5: {  	[tilespmem:s26+$0x8010] =	vst v3;
	v3 =	vbroadcast v8, $0xF  }
0x2b6: {  	[tilespmem:s26+$0x10020] =	vst v4;
	v2 =	vnsel vm1, $0xCE6E6B28, v2;
	v4 =	vmul.f32 v48, v20  }
0x2b7: {  	[tilespmem:s29+$0x10020] =	vst v2;
	(erf) = vrcp.f32 v3  }
0x2b8: {  	[tilespmem:s26+$0x8030] =	vst v4;
	v4 =	vnsel vm7, $0xCE6E6B28, v7;
	v3 =	vnsel vm6, $0xCE6E6B28, v6  }
0x2b9: {  	[tilespmem:s30+$0x10030] =	vst v3;
	v3 =	vmul.f32 v30, v27  }
0x2ba: {  	v9 =	vmul.f32 v48, v22;
	[tilespmem:s30+$0x10010] =	vst v4  }
0x2bb: {  	[tilespmem:s29+$0x8000] =	vst v3;
	v3 =	vmul.f32 v30, v24;
	v4, _, _ =	vpop (xrf2)  }
0x2bc: {  	[tilespmem:s26+$0x8020] =	vst v9;
	v2 =	vmul.f32 v30, v25;
	v4 =	vbroadcast v4, $0xF  }
0x2bd: {  	[tilespmem:s29+$0x8010] =	vst v3;
	v3 =	vnsel vm12, $0xCE6E6B28, v16  }
0x2be: {  	[tilespmem:s29+$0x8030] =	vst v2;
	v2 =	vnsel vm11, $0xCE6E6B28, v14;
	(erf) = vrcp.f32 v4  }
0x2bf: {  	[tilespmem:s31+$0x10010] =	vst v2  }
0x2c0: {  	v2 =	vnsel vm9, $0xCE6E6B28, v15;
	[tilespmem:s31+$0x10000] =	vst v3;
	v3 =	vpop (erf)  }
0x2c1: {  	v7 =	vnsel vm8, $0xCE6E6B28, v10;
	[tilespmem:s31+$0x10030] =	vst v2;
	v2 =	vmul.f32 v3, v35  }
0x2c2: {  	[tilespmem:s30+$0x10000] =	vst v7;
	v6 =	vmul.f32 v30, v26  }
0x2c3: {  	[tilespmem:s30+$0x8000] =	vst v2;
	v2 =	vmul.f32 v3, v32  }
0x2c4: {  	[tilespmem:s29+$0x8020] =	vst v6;
	v4 =	vnsel vm5, $0xCE6E6B28, v5  }
0x2c5: {  	[tilespmem:s30+$0x10020] =	vst v4;
	v4 =	vmul.f32 v3, v38  }
0x2c6: {  	v3 =	vmul.f32 v3, v34;
	[tilespmem:s30+$0x8010] =	vst v2  }
0x2c7: {  	[tilespmem:s30+$0x8030] =	vst v4;
	v2 =	vpop (erf)  }
0x2c8: {  	[tilespmem:s30+$0x8020] =	vst v3;
	v3 =	vnsel vm10, $0xCE6E6B28, v18;
	v4 =	vmul.f32 v2, v29  }
0x2c9: {  	[tilespmem:s31+$0x10020] =	vst v3;
	v3 =	vmul.f32 v2, v28  }
0x2ca: {  	[tilespmem:s31+$0x8000] =	vst v4;
	v4 =	vmul.f32 v2, v41  }
0x2cb: {  	v2 =	vmul.f32 v2, v31;
	[tilespmem:s31+$0x8030] =	vst v3  }
0x2cc: {  	[tilespmem:s31+$0x8010] =	vst v4  }
0x2cd: {  	s0 =	simm.s32 $0x0;
	[tilespmem:s31+$0x8020] =	vst v2  }
0x2ce: {  	[hbm4b:s11+s0] =	stream.linear.scatter [tilespmem:s18], [sflag:$0x3], $0x4000, $0x38;
	[tilespmem:$0x18000] =	vst v63  }
0x2cf: {  	_ = 	snop  }
0x2d0: {  	[hbm4b:s12+s0] =	stream.linear.scatter [tilespmem:s19], [sflag:$0x3], $0x4000, $0x38;
	[tilespmem:$0x18000] =	vst v63  }
0x2d1: {  	_ =	swait.ge [sflag:s20], $0x4000  }
0x2d2: {  	[sflag:s20] =	ssyncset.done $0x0  }
0x2d3: {  	[sflag:s20] =	ssyncadd.s32 $0xFFFFC000  }
0x2d4: {  	_ =	swait.ge [sflag:s24], $0x4000  }
0x2d5: {  	[sflag:s24] =	ssyncset.done $0x0  }
0x2d6: {  	[sflag:s24] =	ssyncadd.s32 $0xFFFFC000  }
0x2d7: {  	_ =	swait.ge [sflag:s24], $0x4000  }
0x2d8: {  	[sflag:s24] =	ssyncset.done $0x0  }
0x2d9: {  	s28 =	simm.s32 $0x0;
	[sflag:s24] =	ssyncadd.s32 $0xFFFFC000  }
0x2da: {  	v11 =	vld [tilespmem:s28+$0x4010]  }
0x2db: {  	v13 =	vld [tilespmem:s28+$0x4030]  }
0x2dc: {  	v12 =	vld [tilespmem:s28+$0x4000]  }
0x2dd: {  	v21 =	vld [tilespmem:s28+$0x4020];
	_ =	sdelay $0x1  }
0x2de: {  	(xrf1) =	vsort.dscd.msk.f32 $0xffff, v11, v11  }
0x2df: {  	(xrf1) =	vsort.dscd.msk.f32 $0xffff, v13, v13  }
0x2e0: {  	(xrf1) =	vsort.dscd.msk.f32 $0xffff, v12, v12  }
0x2e1: {  	(xrf1) =	vsort.dscd.msk.f32 $0xffff, v21, v21;
	_ =	sdelay $0xa  }
0x2e2: {  	v2, _, _ =	vpop (xrf1)  }
0x2e3: {  	v3, _, _ =	vpop (xrf1)  }
0x2e4: {  	v4, _, _ =	vpop (xrf1);
	v3 =	vperm.xlane v3, v0  }
0x2e5: {  	s26 =	simm.s32 $0x80;
	v5, _, _ =	vpop (xrf1)  }
0x2e6: {  	v19 =	vld [tilespmem:s26+$0x4010];
	v2 =	vperm.xlane v2, v0;
	v3 =	vmax.f32 v5, v3  }
0x2e7: {  	v22 =	vld [tilespmem:s26+$0x4030];
	(xrf1) =	vsort.dscd.msk.f32 $0xffff, v3, v3  }
0x2e8: {  	v20 =	vld [tilespmem:s26+$0x4000];
	v2 =	vmax.f32 v4, v2  }
0x2e9: {  	v8 =	vld [tilespmem:s26+$0x4020];
	(xrf1) =	vsort.dscd.msk.f32 $0xffff, v2, v2;
	_ =	sdelay $0x1  }
0x2ea: {  	(xrf1) =	vsort.dscd.msk.f32 $0xffff, v19, v19  }
0x2eb: {  	(xrf1) =	vsort.dscd.msk.f32 $0xffff, v22, v22  }
0x2ec: {  	(xrf1) =	vsort.dscd.msk.f32 $0xffff, v20, v20  }
0x2ed: {  	(xrf1) =	vsort.dscd.msk.f32 $0xffff, v8, v8;
	_ =	sdelay $0x6  }
0x2ee: {  	v2, _, _ =	vpop (xrf1)  }
0x2ef: {  	v2 =	vperm.xlane v2, v0  }
0x2f0: {  	v3, _, _ =	vpop (xrf1)  }
0x2f1: {  	v2 =	vmax.f32 v3, v2  }
0x2f2: {  	v4, _, _ =	vpop (xrf1)  }
0x2f3: {  	v3, _, _ =	vpop (xrf1)  }
0x2f4: {  	(xrf1) =	vsort.dscd.msk.f32 $0xffff, v2, v2;
	v3 =	vperm.xlane v3, v0;
	v2, _, _ =	vpop (xrf1)  }
0x2f5: {  	v5, _, _ =	vpop (xrf1)  }
0x2f6: {  	v4 =	vperm.xlane v4, v0;
	v5 =	vmax.f32 v5, v3  }
0x2f7: {  	s29 =	simm.s32 $0x100;
	(xrf1) =	vsort.dscd.msk.f32 $0xffff, v5, v5  }
0x2f8: {  	v2 =	vmax.f32 v2, v4;
	v3 =	vld [tilespmem:s29+$0x4010]  }
0x2f9: {  	v9 =	vld [tilespmem:s29+$0x4030];
	(xrf1) =	vsort.dscd.msk.f32 $0xffff, v2, v2  }
0x2fa: {  	v4 =	vld [tilespmem:s29+$0x4000];
	_ =	sdelay $0x1  }
0x2fb: {  	v2 =	vld [tilespmem:s29+$0x4020]  }
0x2fc: {  	(xrf1) =	vsort.dscd.msk.f32 $0xffff, v3, v3  }
0x2fd: {  	(xrf1) =	vsort.dscd.msk.f32 $0xffff, v9, v9  }
0x2fe: {  	(xrf1) =	vsort.dscd.msk.f32 $0xffff, v4, v4;
	_ =	sdelay $0x1  }
0x2ff: {  	(xrf1) =	vsort.dscd.msk.f32 $0xffff, v2, v2  }
0x300: {  	v5, _, _ =	vpop (xrf1)  }
0x301: {  	v10 =	vbroadcast v5, $0x7  }
0x302: {  	v6 =	vbroadcast v5, $0x0  }
0x303: {  	vm2 =	veq.f32 v12, v10;
	v14, _, _ =	vpop (xrf1)  }
0x304: {  	v7 =	vsub.f32 v12, v6;
	vm1 =	veq.f32 v11, v10;
	v14 =	vperm.xlane v14, v0  }
0x305: {  	vm5 =	vgt.f32 v5, v10;
	v5 =	vsub.f32 v21, v6;
	v15 =	vsub.f32 v11, v6;
	v17, _, _ =	vpop (xrf1)  }
0x306: {  	vm3 =	veq.f32 v13, v10;
	v16 =	vsel vm2, $0x1, v1;
	v14 =	vmax.f32 v17, v14  }
0x307: {  	vm0 =	veq.f32 v21, v10;
	v25 =	vsel vm3, $0x1, v1;
	v15 =	vmul.f32 $1.442695020e+00, v15;
	(xrf0) =	vadd.scan.msk.s32 $0xffff, v16  }
0x308: {  	v6 =	vsub.f32 v13, v6;
	vm7 =	vgt.f32 v13, v10;
	vm4 =	vgt.f32 v11, v10;
	(xrf0) =	vadd.scan.msk.s32 $0xffff, v25  }
0x309: {  	vm6 =	vgt.f32 v21, v10;
	v24 =	vmpcnt.ones.xlane vm1;
	v7 =	vmul.f32 $1.442695020e+00, v7;
	(xrf1) =	vsort.dscd.msk.f32 $0xffff, v14, v14;
	v14, _, _ =	vpop (xrf1)  }
0x30a: {  	v18 =	vsel vm0, $0x1, v1;
	v5 =	vmul.f32 $1.442695020e+00, v5;
	v26, _, _ =	vpop (xrf1);
	v14 =	vperm.xlane v14, v0  }
0x30b: {  	v23 =	vsel vm1, $0x1, v1;
	(erf) = vpow2.f32 v15;
	v17 =	vmpcnt.ones.xlane vm2;
	v15, _, _ =	vpop (xrf1)  }
0x30c: {  	(xrf0) =	vadd.scan.msk.s32 $0xffff, v23;
	v23 =	vmpcnt.ones.xlane vm0;
	v14 =	vmax.f32 v15, v14;
	v15 =	vperm.xlane v26, v0  }
0x30d: {  	(erf) = vpow2.f32 v7;
	(xrf0) =	vadd.scan.msk.s32 $0xffff, v18;
	v18 =	vsel vm3, $0xFFFFFFFF, v1;
	v24 =	vadd.s32 v17, v24;
	v7, _, _ =	vpop (xrf1)  }
0x30e: {  	(erf) = vpow2.f32 v5;
	v5, _, _ =	vpop (xrf0);
	v23 =	vadd.s32 v23, v24;
	v15 =	vmax.f32 v7, v15  }
0x30f: {  	v25 =	vmpcnt.ones.xlane vm5;
	vm5 =	vgt.f32 v12, v10;
	v10, _, _ =	vpop (xrf0);
	(xrf1) =	vsort.dscd.msk.f32 $0xffff, v15, v15;
	v15 =	vadd.s32 v18, v23  }
0x310: {  	v26 =	vmul.f32 $1.442695020e+00, v6;
	v15 =	vadd.s32 v10, v15  }
0x311: {  	s30 =	simm.s32 $0x180;
	v25 =	vsub.s32 $0x8, v25;
	v5 =	vsub.s32 v5, v16  }
0x312: {  	vm8 =	vlt.s32 v5, v25;
	v5 =	vsel vm1, $0xFFFFFFFF, v1;
	v7 =	vld [tilespmem:s30+$0x4010];
	(erf) = vpow2.f32 v26  }
0x313: {  	(xrf1) =	vsort.dscd.msk.f32 $0xffff, v14, v14;
	v14 =	vadd.s32 v5, v17;
	vm9 =	vlt.s32 v15, v25;
	v15, _, _ =	vpop (xrf0)  }
0x314: {  	v6 =	vld [tilespmem:s30+$0x4030];
	vm3 =	vmand vm3, vm9;
	v14 =	vadd.s32 v15, v14;
	v15 =	vsel vm0, $0xFFFFFFFF, v1  }
0x315: {  	v10 =	vld [tilespmem:s30+$0x4000];
	vm3 =	vmor vm7, vm3;
	v17, _, _ =	vpop (xrf0);
	vm7 =	vlt.s32 v14, v25;
	v14 =	vadd.s32 v15, v24  }
0x316: {  	v5 =	vld [tilespmem:s30+$0x4020];
	v23 =	vnsel vm3, $0xCE6E6B28, v13;
	v13 =	vadd.s32 v17, v14  }
0x317: {  	v16 =	vpop (erf);
	(xrf1) =	vsort.dscd.msk.f32 $0xffff, v7, v7  }
0x318: {  	vm2 =	vmand vm2, vm8;
	vm1 =	vmand vm1, vm7;
	v14 =	vpop (erf)  }
0x319: {  	vm5 =	vmor vm5, vm2;
	(xrf1) =	vsort.dscd.msk.f32 $0xffff, v6, v6;
	vm1 =	vmor vm4, vm1;
	vm4 =	vlt.s32 v13, v25;
	v13, _, _ =	vpop (xrf1)  }
0x31a: {  	v26 =	vnsel vm5, $0xCE6E6B28, v12;
	(xrf1) =	vsort.dscd.msk.f32 $0xffff, v10, v10;
	v24 =	vnsel vm1, $0xCE6E6B28, v11;
	vm0 =	vmand vm0, vm4;
	v15 =	vpop (erf)  }
0x31b: {  	(xrf1) =	vsort.dscd.msk.f32 $0xffff, v5, v5;
	vm0 =	vmor vm6, vm0;
	v18 =	vbroadcast v13, $0x7;
	v25 =	vbroadcast v13, $0x0;
	v12 =	vpop (erf)  }
0x31c: {  	v11 =	vnsel vm1, $0x0, v16;
	v17 =	vnsel vm0, $0x0, v15;
	v12 =	vnsel vm3, $0x0, v12  }
0x31d: {  	vm3 =	veq.f32 v20, v18;
	v16 =	vsub.f32 v20, v25;
	vm2 =	veq.f32 v19, v18  }
0x31e: {  	vm6 =	vgt.f32 v13, v18;
	v27 =	vsub.f32 v8, v25;
	v13 =	vnsel vm5, $0x0, v14  }
0x31f: {  	v29 =	vsel vm3, $0x1, v1;
	v14 =	vmul.f32 $1.442695020e+00, v16;
	v16 =	vsub.f32 v19, v25  }
0x320: {  	vm1 =	veq.f32 v8, v18;
	vm4 =	veq.f32 v22, v18;
	v28 =	vadd.f32 v11, v13;
	v30, _, _ =	vpop (xrf1);
	(xrf0) =	vadd.scan.msk.s32 $0xffff, v29  }
0x321: {  	v30 =	vperm.xlane v30, v0;
	v15 =	vmul.f32 $1.442695020e+00, v16;
	v16 =	vadd.f32 v17, v12  }
0x322: {  	v31 =	vsel vm1, $0x1, v1;
	v44 =	vsel vm4, $0x1, v1;
	v43, _, _ =	vpop (xrf1);
	v25 =	vsub.f32 v22, v25  }
0x323: {  	(xrf0) =	vadd.scan.msk.s32 $0xffff, v44;
	(erf) = vpow2.f32 v15;
	v15 =	vadd.f32 v16, v28;
	v16 =	vmax.f32 v43, v30  }
0x324: {  	v46 =	vmpcnt.ones.xlane vm2;
	v48 =	vmpcnt.ones.xlane vm1;
	v30 =	vsel vm2, $0x1, v1;
	(xrf1) =	vsort.dscd.msk.f32 $0xffff, v16, v16  }
0x325: {  	vm8 =	vgt.f32 v22, v18;
	v27 =	vmul.f32 $1.442695020e+00, v27;
	v25 =	vmul.f32 $1.442695020e+00, v25;
	v45, _, _ =	vpop (xrf1);
	(xrf0) =	vadd.scan.msk.s32 $0xffff, v30  }
0x326: {  	vm5 =	vgt.f32 v19, v18;
	v28 =	vmpcnt.ones.xlane vm3;
	v32 =	vperm.xlane v45, v0;
	(xrf0) =	vadd.scan.msk.s32 $0xffff, v31;
	v31, _, _ =	vpop (xrf0)  }
0x327: {  	vm7 =	vgt.f32 v20, v18;
	(erf) = vpow2.f32 v14;
	(xrf2) =	vadd.scan.msk.f32 $0xffff, v15;
	v15 =	vmpcnt.ones.xlane vm6;
	v16, _, _ =	vpop (xrf1)  }
0x328: {  	v33 =	vadd.s32 v28, v46;
	(erf) = vpow2.f32 v27;
	v16 =	vperm.xlane v16, v0;
	v47, _, _ =	vpop (xrf1)  }
0x329: {  	s31 =	simm.s32 $0x200;
	vm6 =	vgt.f32 v8, v18;
	(erf) = vpow2.f32 v25;
	v25 =	vsub.s32 v31, v29;
	v14, _, _ =	vpop (xrf1)  }
0x32a: {  	v29 =	vsel vm2, $0xFFFFFFFF, v1;
	v27 =	vsub.s32 $0x8, v15;
	v49 =	vmax.f32 v14, v16;
	v14 =	vld [tilespmem:s31+$0x4010]  }
0x32b: {  	v15 =	vsel vm4, $0xFFFFFFFF, v1;
	vm9 =	vlt.s32 v25, v27;
	v16 =	vadd.s32 v48, v33  }
0x32c: {  	v18, _, _ =	vpop (xrf0);
	v30 =	vmax.f32 v47, v32;
	vm3 =	vmand vm3, vm9;
	v16 =	vadd.s32 v15, v16;
	v15 =	vld [tilespmem:s31+$0x4030]  }
0x32d: {  	v28 =	vadd.s32 v29, v28;
	(xrf1) =	vsort.dscd.msk.f32 $0xffff, v49, v49;
	v29, _, _ =	vpop (xrf0);
	vm7 =	vmor vm7, vm3;
	v18 =	vadd.s32 v18, v16;
	v16 =	vld [tilespmem:s31+$0x4000]  }
0x32e: {  	(xrf1) =	vsort.dscd.msk.f32 $0xffff, v30, v30;
	v28 =	vadd.s32 v29, v28;
	v29 =	vsel vm1, $0xFFFFFFFF, v1;
	vm10 =	vlt.s32 v18, v27;
	v18 =	vld [tilespmem:s31+$0x4020]  }
0x32f: {  	v54 =	vnsel vm0, $0xCE6E6B28, v21;
	v30, _, _ =	vpop (xrf0);
	v53 =	vnsel vm7, $0xCE6E6B28, v20;
	vm4 =	vmand vm4, vm10;
	(xrf1) =	vsort.dscd.msk.f32 $0xffff, v14, v14  }
0x330: {  	v25 =	vpop (erf);
	vm4 =	vmor vm8, vm4;
	vm8 =	vlt.s32 v28, v27;
	v28 =	vadd.s32 v29, v33  }
0x331: {  	v29, _, _ =	vpop (xrf2);
	v31 =	vnsel vm4, $0xCE6E6B28, v22;
	(xrf1) =	vsort.dscd.msk.f32 $0xffff, v15, v15;
	vm2 =	vmand vm2, vm8;
	v22 =	vadd.s32 v30, v28  }
0x332: {  	(xrf1) =	vsort.dscd.msk.f32 $0xffff, v16, v16;
	v29 =	vbroadcast v29, $0xF;
	vm2 =	vmor vm5, vm2;
	vm5 =	vlt.s32 v22, v27;
	v27, _, _ =	vpop (xrf1)  }
0x333: {  	v28 =	vpop (erf);
	(xrf1) =	vsort.dscd.msk.f32 $0xffff, v18, v18;
	vm1 =	vmand vm1, vm5;
	v51 =	vbroadcast v27, $0x7;
	v52 =	vbroadcast v27, $0x0  }
0x334: {  	v50 =	vnsel vm2, $0xCE6E6B28, v19;
	v19 =	vnsel vm2, $0x0, v25;
	v22 =	vpop (erf);
	vm0 =	vmor vm6, vm1  }
0x335: {  	(erf) = vrcp.f32 v29;
	v20 =	vpop (erf);
	vm3 =	veq.f32 v4, v51;
	v21 =	vsub.f32 v4, v52  }
0x336: {  	[tilespmem:s28+$0x14000] =	vst v26;
	v22 =	vnsel vm0, $0x0, v22;
	v20 =	vnsel vm4, $0x0, v20;
	v26 =	vsel vm3, $0x1, v1  }
0x337: {  	[tilespmem:s28+$0x14010] =	vst v24;
	v24 =	vmul.f32 $1.442695020e+00, v21;
	v21 =	vnsel vm7, $0x0, v28;
	v28 =	vsub.f32 v3, v52  }
0x338: {  	vm2 =	veq.f32 v3, v51;
	vm5 =	vgt.f32 v27, v51;
	v25 =	vsub.f32 v2, v52;
	(xrf0) =	vadd.scan.msk.s32 $0xffff, v26  }
0x339: {  	vm1 =	veq.f32 v2, v51;
	vm4 =	veq.f32 v9, v51;
	v29 =	vadd.f32 v22, v20  }
0x33a: {  	[tilespmem:s28+$0x14030] =	vst v23;
	v32 =	vsub.f32 v9, v52;
	vm8 =	vgt.f32 v9, v51;
	vm6 =	vgt.f32 v3, v51  }
0x33b: {  	[tilespmem:s28+$0x14020] =	vst v54;
	v30 =	vsel vm1, $0x1, v1;
	v56 =	vsel vm2, $0x1, v1;
	v23 =	vmul.f32 $1.442695020e+00, v28;
	v28, _, _ =	vpop (xrf1)  }
0x33c: {  	[tilespmem:s26+$0x14030] =	vst v31;
	v58 =	vmpcnt.ones.xlane vm2;
	v59 =	vsel vm4, $0x1, v1;
	v55 =	vadd.f32 v19, v21;
	v57, _, _ =	vpop (xrf1)  }
0x33d: {  	v36 =	vmpcnt.ones.xlane vm1;
	v35 =	vsel vm4, $0xFFFFFFFF, v1;
	(xrf0) =	vadd.scan.msk.s32 $0xffff, v59;
	v28 =	vperm.xlane v28, v0;
	v31, _, _ =	vpop (xrf1)  }
0x33e: {  	[tilespmem:s26+$0x14000] =	vst v53;
	v27 =	vmul.f32 $1.442695020e+00, v25;
	(erf) = vpow2.f32 v23;
	v23 =	vadd.f32 v29, v55;
	v33, _, _ =	vpop (xrf0)  }
0x33f: {  	[tilespmem:s26+$0x14010] =	vst v50;
	v25 =	vmpcnt.ones.xlane vm3;
	v60, _, _ =	vpop (xrf1);
	v31 =	vperm.xlane v31, v0;
	v28 =	vmax.f32 v57, v28  }
0x340: {  	vm7 =	vgt.f32 v4, v51;
	v61, _, _ =	vpop (xrf1);
	(xrf1) =	vsort.dscd.msk.f32 $0xffff, v28, v28;
	v28 =	vmpcnt.ones.xlane vm5;
	v63 =	vperm.xlane v60, v0  }
0x341: {  	v29 =	vadd.s32 v25, v58;
	(erf) = vpow2.f32 v24;
	(xrf2) =	vadd.scan.msk.f32 $0xffff, v23;
	vm5 =	vgt.f32 v2, v51;
	v62, _, _ =	vpop (xrf1)  }
0x342: {  	s0 =	simm.s32 $0xA00;
	(xrf0) =	vadd.scan.msk.s32 $0xffff, v56;
	v23 =	vpop (erf);
	v31 =	vmax.f32 v61, v31;
	v28 =	vsub.s32 $0x8, v28;
	v34 =	vmax.f32 v62, v63  }
.LBB2_8:
0x343: {  	v36 =	vadd.s32 v36, v29;
	v32 =	vmul.f32 $1.442695020e+00, v32;
	(xrf0) =	vadd.scan.msk.s32 $0xffff, v30;
	v30, _, _ =	vpop (xrf0)  }
0x344: {  	s2 =	sshra.s32 s0, $0x2;
	p0 =	sne.s32 s0, $0xFE00;
	s0 =	sadd.s32 $0x200, s0;
	(erf) = vpow2.f32 v27;
	v24 =	vmovc v5;
	v5 =	vmovc v18;
	v27 =	vmov v11;
	v11 =	vmov v19  }
0x345: {  	v18 =	vsub.s32 v33, v26;
	v26 =	vmul.f32 v23, v13;
	v13 =	vmovc v21;
	v37 =	vld [tilespmem:s2+$0x4010];
	v35 =	vadd.s32 v35, v36  }
0x346: {  	v21 =	vmul.f32 v23, v12;
	v12 =	vmovc v20;
	v33 =	vld [tilespmem:s2+$0x4030];
	v30 =	vadd.s32 v30, v35;
	(erf) = vpow2.f32 v32  }
0x347: {  	v20 =	vmul.f32 v23, v17;
	vm9 =	vlt.s32 v18, v28;
	v32 =	vld [tilespmem:s2+$0x4000];
	vm10 =	vlt.s32 v30, v28;
	v19 =	vpop (erf);
	[tilespmem:s28+$0xC000] =	vst v26  }
0x348: {  	v17 =	vmovc v22;
	vm9 =	vmand vm3, vm9;
	v30 =	vsel vm2, $0xFFFFFFFF, v1;
	v18 =	vld [tilespmem:s2+$0x4020];
	(xrf1) =	vsort.dscd.msk.f32 $0xffff, v34, v34;
	vm3 =	vmand vm4, vm10  }
0x349: {  	v23 =	vmul.f32 v23, v27;
	v22 =	vadd.s32 v30, v25;
	(xrf1) =	vsort.dscd.msk.f32 $0xffff, v31, v31;
	vm3 =	vmor vm8, vm3;
	v25, _, _ =	vpop (xrf0)  }
0x34a: {  	v27 =	vsel vm1, $0xFFFFFFFF, v1;
	(xrf1) =	vsort.dscd.msk.f32 $0xffff, v37, v37;
	v30 =	vadd.s32 v25, v22;
	v9 =	vnsel vm3, $0xCE6E6B28, v9;
	v26, _, _ =	vpop (xrf0)  }
0x34b: {  	v27 =	vadd.s32 v27, v29;
	(xrf1) =	vsort.dscd.msk.f32 $0xffff, v33, v33;
	vm4 =	vlt.s32 v30, v28;
	v25, _, _ =	vpop (xrf2);
	[tilespmem:s28+$0xC030] =	vst v21  }
0x34c: {  	v26 =	vadd.s32 v26, v27;
	(xrf1) =	vsort.dscd.msk.f32 $0xffff, v32, v32;
	vm2 =	vmand vm2, vm4;
	v22 =	vpop (erf);
	v25 =	vbroadcast v25, $0xF  }
0x34d: {  	(xrf1) =	vsort.dscd.msk.f32 $0xffff, v18, v18;
	vm2 =	vmor vm6, vm2;
	vm6 =	vlt.s32 v26, v28;
	v28 =	vpop (erf);
	[tilespmem:s28+$0xC010] =	vst v23  }
0x34e: {  	vm4 =	vmor vm7, vm9;
	v21, _, _ =	vpop (xrf1);
	v26 =	vnsel vm2, $0xCE6E6B28, v3;
	v19 =	vnsel vm2, $0x0, v19;
	[tilespmem:s28+$0xC020] =	vst v20;
	s28 =	smov.u32 s26;
	s26 =	smov.u32 s29;
	s29 =	smov.u32 s30  }
0x34f: {  	v4 =	vnsel vm4, $0xCE6E6B28, v4;
	s30 =	smov.u32 s31;
	s31 =	smov.u32 s2;
	v23 =	vbroadcast v21, $0x7;
	v29 =	vbroadcast v21, $0x0;
	[tilespmem:s26+$0x14010] =	vst v26;
	v3 =	vpop (erf)  }
0x350: {  	vm1 =	vmand vm1, vm6;
	v20 =	vnsel vm3, $0x0, v3;
	[tilespmem:s26+$0x14000] =	vst v4;
	v4 =	vnsel vm0, $0xCE6E6B28, v8;
	v3 =	vmovc v7;
	v7 =	vmovc v14  }
0x351: {  	vm0 =	vmor vm5, vm1;
	v14 =	vmovc v37;
	vm3 =	veq.f32 v10, v23;
	v8 =	vsub.f32 v10, v29;
	[tilespmem:s26+$0x14030] =	vst v9  }
0x352: {  	vm2 =	veq.f32 v3, v23;
	vm5 =	vgt.f32 v21, v23;
	v26 =	vsub.f32 v24, v29;
	[tilespmem:s28+$0x14020] =	vst v4  }
0x353: {  	vm1 =	veq.f32 v24, v23;
	v21 =	vnsel vm4, $0x0, v22;
	v9 =	vmovc v6;
	v6 =	vmovc v15;
	v37 =	vmul.f32 $1.442695020e+00, v8  }
0x354: {  	v15 =	vmovc v33;
	v31 =	vadd.f32 v19, v21;
	v8 =	vsub.f32 v3, v29;
	v27 =	vmul.f32 $1.442695020e+00, v26;
	v4 =	vmovc v10  }
0x355: {  	v30 =	vsel vm1, $0x1, v1;
	v26 =	vsel vm3, $0x1, v1;
	v10 =	vmovc v16;
	v16 =	vmovc v32;
	(erf) = vrcp.f32 v25  }
0x356: {  	v22 =	vnsel vm0, $0x0, v28;
	vm4 =	veq.f32 v9, v23;
	v8 =	vmul.f32 $1.442695020e+00, v8;
	v32, _, _ =	vpop (xrf1);
	(xrf0) =	vadd.scan.msk.s32 $0xffff, v26  }
0x357: {  	v38 =	vsel vm2, $0x1, v1;
	v41 =	vadd.f32 v22, v20;
	v25 =	vmpcnt.ones.xlane vm3;
	v28, _, _ =	vpop (xrf1)  }
0x358: {  	v36 =	vmpcnt.ones.xlane vm2;
	v39 =	vsel vm4, $0x1, v1;
	v35 =	vperm.xlane v32, v0;
	v34, _, _ =	vpop (xrf1)  }
0x359: {  	v32 =	vsub.f32 v9, v29;
	v40, _, _ =	vpop (xrf1);
	(xrf0) =	vadd.scan.msk.s32 $0xffff, v39;
	(erf) = vpow2.f32 v8;
	v8 =	vadd.f32 v41, v31  }
.Ltmp3:
0x35a: {  	vm8 =	vgt.f32 v9, v23;
	v31 =	vperm.xlane v34, v0;
	v28 =	vmax.f32 v28, v35;
	v33, _, _ =	vpop (xrf1);
	(pc) =	sbr.rel @p0 .LBB2_8-.Ltmp3, $4  }
0x35b: {  	vm6 =	vgt.f32 v3, v23;
	v29 =	vadd.s32 v25, v36;
	v34, _, _ =	vpop (xrf1);
	(xrf1) =	vsort.dscd.msk.f32 $0xffff, v28, v28;
	v28 =	vmpcnt.ones.xlane vm5  }
0x35c: {  	vm7 =	vgt.f32 v4, v23;
	v39 =	vperm.xlane v40, v0;
	v31 =	vmax.f32 v33, v31;
	v33, _, _ =	vpop (xrf0);
	(xrf2) =	vadd.scan.msk.f32 $0xffff, v8  }
0x35d: {  	v36 =	vmpcnt.ones.xlane vm1;
	v35 =	vsel vm4, $0xFFFFFFFF, v1;
	v28 =	vsub.s32 $0x8, v28;
	v8 =	vmovc v2;
	v2 =	vmovc v24  }
0x35e: {  	v34 =	vmax.f32 v34, v39;
	vm5 =	vgt.f32 v2, v23;
	(xrf0) =	vadd.scan.msk.s32 $0xffff, v38;
	(erf) = vpow2.f32 v37;
	v23 =	vpop (erf)  }
0x35f: {  	(xrf1) =	vsort.dscd.msk.f32 $0xffff, v34, v34  }
0x360: {  	(xrf0) =	vadd.scan.msk.s32 $0xffff, v30  }
0x361: {  	v24 =	vmul.f32 $1.442695020e+00, v32;
	(xrf1) =	vsort.dscd.msk.f32 $0xffff, v31, v31  }
0x362: {  	(erf) = vpow2.f32 v27;
	v45 =	vadd.s32 v36, v29;
	v26 =	vsub.s32 v33, v26  }
0x363: {  	v48 =	vsel vm2, $0xFFFFFFFF, v1;
	v52 =	vsel vm1, $0xFFFFFFFF, v1;
	(erf) = vpow2.f32 v24  }
0x364: {  	v46, _, _ =	vpop (xrf0);
	v13 =	vmul.f32 v23, v13;
	vm9 =	vlt.s32 v26, v28;
	v24 =	vadd.s32 v35, v45  }
0x365: {  	v25 =	vadd.s32 v48, v25;
	v26 =	vadd.s32 v52, v29;
	v24 =	vadd.s32 v46, v24;
	v49, _, _ =	vpop (xrf0)  }
0x366: {  	vm9 =	vmand vm3, vm9;
	v47 =	vpop (erf);
	vm10 =	vlt.s32 v24, v28;
	v50 =	vadd.s32 v49, v25  }
0x367: {  	vm15 =	vmand vm4, vm10;
	vm4 =	vmor vm7, vm9;
	v51, _, _ =	vpop (xrf0);
	vm10 =	vlt.s32 v50, v28  }
0x368: {  	vm3 =	vmor vm8, vm15;
	v53, _, _ =	vpop (xrf2);
	v25 =	vadd.s32 v51, v26;
	vm11 =	vmand vm2, vm10  }
0x369: {  	v54 =	vpop (erf);
	v55 =	vbroadcast v53, $0xF;
	vm12 =	vlt.s32 v25, v28;
	vm2 =	vmor vm6, vm11  }
0x36a: {  	vm13 =	vmand vm1, vm12;
	v27 =	vnsel vm4, $0x0, v54;
	v56, _, _ =	vpop (xrf1);
	v24 =	vnsel vm2, $0x0, v47  }
0x36b: {  	v57 =	vpop (erf);
	vm1 =	vmor vm5, vm13;
	v58 =	vbroadcast v56, $0x7;
	v59 =	vbroadcast v56, $0x0  }
0x36c: {  	(erf) = vrcp.f32 v55;
	v60 =	vpop (erf);
	v41 =	vadd.f32 v24, v27;
	v26 =	vnsel vm1, $0x0, v57  }
0x36d: {  	v25 =	vnsel vm3, $0x0, v60;
	vm7 =	veq.f32 v10, v58;
	v61 =	vsub.f32 v10, v59;
	v62, _, _ =	vpop (xrf1)  }
0x36e: {  	vm6 =	veq.f32 v7, v58;
	vm14 =	vgt.f32 v56, v58;
	v33 =	vperm.xlane v62, v0  }
0x36f: {  	v63 =	vsub.f32 v5, v59;
	vm8 =	veq.f32 v5, v58;
	v40 =	vsub.f32 v7, v59;
	v39, _, _ =	vpop (xrf1)  }
0x370: {  	vm5 =	veq.f32 v6, v58;
	v43 =	vadd.f32 v26, v25;
	v33 =	vmax.f32 v39, v33  }
0x371: {  	v32 =	vsub.f32 v6, v59;
	vm12 =	vgt.f32 v6, v58;
	v42 =	vsel vm7, $0x1, v1;
	(xrf1) =	vsort.dscd.msk.f32 $0xffff, v33, v33  }
0x372: {  	vm11 =	vgt.f32 v7, v58;
	v38 =	vsel vm5, $0x1, v1;
	(xrf0) =	vadd.scan.msk.s32 $0xffff, v42;
	v33 =	vadd.f32 v43, v41  }
0x373: {  	vm10 =	vgt.f32 v10, v58;
	vm9 =	vgt.f32 v5, v58;
	v45 =	vmpcnt.ones.xlane vm7;
	(xrf0) =	vadd.scan.msk.s32 $0xffff, v38  }
0x374: {  	v46 =	vsel vm6, $0x1, v1;
	v47 =	vmpcnt.ones.xlane vm6;
	v48 =	vmpcnt.ones.xlane vm14;
	(xrf2) =	vadd.scan.msk.f32 $0xffff, v33  }
0x375: {  	v37 =	vsel vm8, $0x1, v1;
	v49 =	vmpcnt.ones.xlane vm8;
	v44 =	vmul.f32 $1.442695020e+00, v40;
	(xrf0) =	vadd.scan.msk.s32 $0xffff, v46  }
0x376: {  	v52 =	vsel vm5, $0xFFFFFFFF, v1;
	v56 =	vsel vm6, $0xFFFFFFFF, v1;
	v30 =	vmul.f32 $1.442695020e+00, v61  }
0x377: {  	v58 =	vsel vm8, $0xFFFFFFFF, v1;
	v50 =	vadd.s32 v45, v47;
	(erf) = vpow2.f32 v44;
	(xrf0) =	vadd.scan.msk.s32 $0xffff, v37  }
0x378: {  	v34 =	vmul.f32 $1.442695020e+00, v63;
	v53 =	vadd.s32 v49, v50;
	(erf) = vpow2.f32 v30;
	v51, _, _ =	vpop (xrf0)  }
0x379: {  	v54 =	vmul.f32 $1.442695020e+00, v32;
	v29 =	vsub.s32 $0x8, v48;
	v31 =	vadd.s32 v52, v53;
	v55, _, _ =	vpop (xrf0)  }
0x37a: {  	v60 =	vadd.s32 v58, v50;
	v28 =	vsub.s32 v51, v42;
	v31 =	vadd.s32 v55, v31  }
0x37b: {  	vm13 =	vlt.s32 v28, v29;
	v28 =	vadd.s32 v56, v45;
	v57, _, _ =	vpop (xrf0);
	vm14 =	vlt.s32 v31, v29  }
0x37c: {  	(erf) = vpow2.f32 v34;
	v36 =	vpop (erf);
	v28 =	vadd.s32 v57, v28;
	vm5 =	vmand vm5, vm14  }
0x37d: {  	(erf) = vpow2.f32 v54;
	v59, _, _ =	vpop (xrf0);
	vm5 =	vmor vm12, vm5;
	vm12 =	vlt.s32 v28, v29  }
0x37e: {  	vm7 =	vmand vm7, vm13;
	v28 =	vadd.s32 v59, v60;
	vm6 =	vmand vm6, vm12;
	v62, _, _ =	vpop (xrf2)  }
0x37f: {  	vm7 =	vmor vm10, vm7;
	vm14 =	vlt.s32 v28, v29;
	vm6 =	vmor vm11, vm6;
	v61, _, _ =	vpop (xrf1)  }
0x380: {  	v39 =	vpop (erf);
	vm8 =	vmand vm8, vm14;
	v43 =	vbroadcast v62, $0xF;
	v33 =	vbroadcast v61, $0x7  }
0x381: {  	v41 =	vpop (erf);
	v31 =	vnsel vm6, $0x0, v39;
	vm8 =	vmor vm9, vm8;
	v63 =	vbroadcast v61, $0x0  }
0x382: {  	v62 =	vnsel vm7, $0x0, v41;
	(erf) = vrcp.f32 v43;
	vm12 =	veq.f32 v16, v33  }
0x383: {  	v44 =	vsub.f32 v16, v63;
	vm13 =	veq.f32 v15, v33;
	v46 =	vsel vm12, $0x1, v1  }
0x384: {  	v45 =	vsub.f32 v18, v63;
	v47 =	vsub.f32 v14, v63;
	v48 =	vsel vm13, $0x1, v1;
	(xrf0) =	vadd.scan.msk.s32 $0xffff, v46  }
0x385: {  	vm15 =	vgt.f32 v61, v33;
	vm11 =	veq.f32 v14, v33;
	vm10 =	veq.f32 v18, v33;
	(xrf0) =	vadd.scan.msk.s32 $0xffff, v48  }
0x386: {  	v34 =	vsub.f32 v15, v63;
	v50 =	vmpcnt.ones.xlane vm15;
	v51 =	vmpcnt.ones.xlane vm12  }
0x387: {  	v63 =	vadd.f32 v31, v62;
	v52 =	vmpcnt.ones.xlane vm11;
	v49 =	vmul.f32 $1.442695020e+00, v47  }
0x388: {  	v53 =	vsel vm11, $0x1, v1;
	v40 =	vmpcnt.ones.xlane vm10;
	v28 =	vmul.f32 $1.442695020e+00, v44  }
0x389: {  	v59 =	vpop (erf);
	v56 =	vsel vm13, $0xFFFFFFFF, v1;
	v29 =	vmul.f32 $1.442695020e+00, v45;
	(erf) = vpow2.f32 v49  }
0x38a: {  	v60 =	vsel vm10, $0x1, v1;
	v57 =	vmul.f32 $1.442695020e+00, v34;
	(erf) = vpow2.f32 v28;
	v55, _, _ =	vpop (xrf0);
	(xrf0) =	vadd.scan.msk.s32 $0xffff, v53  }
0x38b: {  	v39 =	vsel vm11, $0xFFFFFFFF, v1;
	v41 =	vsel vm10, $0xFFFFFFFF, v1;
	(erf) = vpow2.f32 v29;
	v58, _, _ =	vpop (xrf0);
	(xrf0) =	vadd.scan.msk.s32 $0xffff, v60  }
0x38c: {  	v61 =	vpop (erf);
	v34 =	vnsel vm8, $0x0, v59;
	v54 =	vadd.s32 v51, v52;
	(erf) = vpow2.f32 v57  }
0x38d: {  	v35 =	vsub.s32 $0x8, v50;
	v40 =	vadd.s32 v40, v54;
	v30 =	vadd.s32 v41, v54  }
0x38e: {  	v28 =	vadd.s32 v56, v40;
	v29 =	vnsel vm5, $0x0, v61;
	v32 =	vsub.s32 v55, v46  }
0x38f: {  	v43 =	vpop (erf);
	v44 =	vadd.f32 v34, v29;
	v28 =	vadd.s32 v58, v28;
	vm9 =	vlt.s32 v32, v35  }
0x390: {  	vm14 =	vlt.s32 v28, v35;
	vm12 =	vmand vm12, vm9;
	v28 =	vadd.s32 v39, v51;
	v40, _, _ =	vpop (xrf0)  }
0x391: {  	vm9 =	vmand vm13, vm14;
	vm13 =	vgt.f32 v15, v33;
	v28 =	vadd.s32 v40, v28;
	v42, _, _ =	vpop (xrf0)  }
0x392: {  	vm9 =	vmor vm13, vm9;
	v45 =	vpop (erf);
	vm13 =	vlt.s32 v28, v35;
	v28 =	vadd.s32 v42, v30  }
0x393: {  	v46 =	vpop (erf);
	v30 =	vadd.f32 v44, v63;
	vm11 =	vmand vm11, vm13;
	vm13 =	vgt.f32 v14, v33  }
0x394: {  	v12 =	vmul.f32 v23, v12;
	v47 =	vpop (erf);
	vm14 =	vlt.s32 v28, v35;
	vm11 =	vmor vm13, vm11  }
0x395: {  	v48 =	vpop (erf);
	vm13 =	vgt.f32 v16, v33;
	vm10 =	vmand vm10, vm14;
	vm14 =	vgt.f32 v18, v33;
	(xrf2) =	vadd.scan.msk.f32 $0xffff, v30  }
0x396: {  	v49 =	vnsel vm9, $0x0, v48;
	vm12 =	vmor vm13, vm12;
	vm10 =	vmor vm14, vm10  }
0x397: {  	v28 =	vnsel vm11, $0x0, v45;
	v33 =	vnsel vm12, $0x0, v46;
	v32 =	vnsel vm10, $0x0, v47  }
0x398: {  	v11 =	vmul.f32 v23, v11;
	[tilespmem:s28+$0xC000] =	vst v13;
	v50 =	vadd.f32 v28, v33;
	v35 =	vadd.f32 v32, v49  }
0x399: {  	[tilespmem:s28+$0xC030] =	vst v12  }
0x39a: {  	[tilespmem:s28+$0xC010] =	vst v11;
	v3 =	vnsel vm2, $0xCE6E6B28, v3;
	v51 =	vadd.f32 v35, v50  }
0x39b: {  	v17 =	vmul.f32 v23, v17;
	[tilespmem:s29+$0x14010] =	vst v3;
	v3 =	vnsel vm3, $0xCE6E6B28, v9  }
0x39c: {  	[tilespmem:s29+$0x14030] =	vst v3;
	v3 =	vmul.f32 v36, v21;
	(xrf2) =	vadd.scan.msk.f32 $0xffff, v51  }
0x39d: {  	[tilespmem:s28+$0xC020] =	vst v17  }
0x39e: {  	v4 =	vnsel vm4, $0xCE6E6B28, v4;
	[tilespmem:s26+$0xC000] =	vst v3;
	v3 =	vmul.f32 v36, v19  }
0x39f: {  	[tilespmem:s29+$0x14000] =	vst v4;
	v54, _, _ =	vpop (xrf2)  }
0x3a0: {  	v2 =	vnsel vm1, $0xCE6E6B28, v2;
	[tilespmem:s26+$0xC010] =	vst v3;
	v3 =	vbroadcast v54, $0xF  }
0x3a1: {  	[tilespmem:s29+$0x14020] =	vst v2;
	v52 =	vnsel vm0, $0xCE6E6B28, v8  }
0x3a2: {  	[tilespmem:s26+$0x14020] =	vst v52;
	v56 =	vnsel vm6, $0xCE6E6B28, v7;
	(erf) = vrcp.f32 v3  }
0x3a3: {  	[tilespmem:s30+$0x14010] =	vst v56;
	v3 =	vnsel vm5, $0xCE6E6B28, v6  }
0x3a4: {  	v57 =	vnsel vm7, $0xCE6E6B28, v10;
	[tilespmem:s30+$0x14030] =	vst v3;
	v3 =	vmul.f32 v43, v27  }
0x3a5: {  	v53 =	vmul.f32 v36, v20;
	[tilespmem:s30+$0x14000] =	vst v57  }
0x3a6: {  	[tilespmem:s29+$0xC000] =	vst v3;
	v3 =	vmul.f32 v43, v24;
	v58, _, _ =	vpop (xrf2)  }
0x3a7: {  	v2 =	vmul.f32 v43, v25;
	[tilespmem:s26+$0xC030] =	vst v53;
	v4 =	vbroadcast v58, $0xF  }
0x3a8: {  	[tilespmem:s29+$0xC010] =	vst v3;
	v3 =	vnsel vm12, $0xCE6E6B28, v16  }
0x3a9: {  	[tilespmem:s29+$0xC030] =	vst v2;
	v2 =	vnsel vm11, $0xCE6E6B28, v14;
	(erf) = vrcp.f32 v4  }
0x3aa: {  	[tilespmem:s31+$0x14010] =	vst v2  }
0x3ab: {  	v59 =	vmul.f32 v43, v26;
	v2 =	vnsel vm9, $0xCE6E6B28, v15;
	[tilespmem:s31+$0x14000] =	vst v3;
	v3 =	vpop (erf)  }
0x3ac: {  	[tilespmem:s31+$0x14030] =	vst v2;
	v2 =	vmul.f32 v3, v62  }
0x3ad: {  	[tilespmem:s29+$0xC020] =	vst v59  }
0x3ae: {  	v55 =	vmul.f32 v36, v22;
	v60 =	vnsel vm8, $0xCE6E6B28, v5;
	[tilespmem:s30+$0xC000] =	vst v2;
	v2 =	vmul.f32 v3, v31  }
0x3af: {  	[tilespmem:s30+$0x14020] =	vst v60;
	v61 =	vmul.f32 v3, v29  }
0x3b0: {  	[tilespmem:s26+$0xC020] =	vst v55  }
0x3b1: {  	v3 =	vmul.f32 v3, v34;
	[tilespmem:s30+$0xC030] =	vst v61  }
0x3b2: {  	[tilespmem:s30+$0xC010] =	vst v2;
	v2 =	vpop (erf)  }
0x3b3: {  	[tilespmem:s30+$0xC020] =	vst v3;
	v3 =	vnsel vm10, $0xCE6E6B28, v18;
	v62 =	vmul.f32 v2, v33  }
0x3b4: {  	[tilespmem:s31+$0x14020] =	vst v3;
	v3 =	vmul.f32 v2, v49  }
0x3b5: {  	v63 =	vmul.f32 v2, v28;
	[tilespmem:s31+$0xC000] =	vst v62  }
0x3b6: {  	v2 =	vmul.f32 v2, v32;
	[tilespmem:s31+$0xC030] =	vst v3  }
0x3b7: {  	[tilespmem:s31+$0xC010] =	vst v63  }
0x3b8: {  	[tilespmem:s31+$0xC020] =	vst v2  }
0x3b9: {  	[hbm4b:s13+s1] =	stream.linear.scatter [tilespmem:s21], [sflag:$0x4], $0x4000, $0x38;
	[tilespmem:$0x18000] =	vst v63  }
0x3ba: {  	_ = 	snop  }
0x3bb: {  	[hbm4b:s14+s1] =	stream.linear.scatter [tilespmem:s22], [sflag:$0x4], $0x4000, $0x38;
	[tilespmem:$0x18000] =	vst v63  }
0x3bc: {  	_ =	swait.ge [sflag:s23], $0x4000  }
0x3bd: {  	[sflag:s23] =	ssyncset.done $0x0  }
0x3be: {  	[sflag:s23] =	ssyncadd.s32 $0xFFFFC000  }
0x3bf: {  	_ =	swait.ge [sflag:s23], $0x4000  }
0x3c0: {  	[sflag:s23] =	ssyncset.done $0x0  }
0x3c1: {  	s25 =	sadd.s32 $0x1, s25;
	[sflag:s23] =	ssyncadd.s32 $0xFFFFC000  }
0x3c2: {  	p0 =	sne.s32 s25, s15;
	_ =	swait.ge [sflag:s24], $0x4000  }
.Ltmp4:
0x3c3: {  	[sflag:s24] =	ssyncset.done $0x0;
	(pc) =	sbr.rel @p0 .LBB2_1-.Ltmp4, $4  }
0x3c4: {  	[sflag:s24] =	ssyncadd.s32 $0xFFFFC000  }
0x3c5: {  	_ =	swait.ge [sflag:s24], $0x4000  }
0x3c6: {  	[sflag:s24] =	ssyncset.done $0x0  }
0x3c7: {  	[sflag:s24] =	ssyncadd.s32 $0xFFFFC000  }
0x3c8: {  	_ =	sfence.sel $0x180000  }
0x3c9: {  	[bflag:$0x0] =	sbarrier.arrive $0xFFFF  }
0x3ca: {  	_ =	strace $0x90000047  }
0x3cb: {  	s0 =	stileid.u32;
	[bflag:$0x2] =	sbarrier.arrive $0xFFFF  }
0x3cc: {  	p0 =	sne.s32 s0, $0x0;
	s0 =	rddreg [dreg:$0x1]  }
0x3cd: {  	s0 =	sadd.s32 @!p0 $0x100000, s0  }
0x3ce: {  	[sflag:s0] =	ssyncadd.tile.s32 @!p0 $0x1;
	_ =	shalt  }
.Lfunc_end2:
_tile_overlayer_lowered:
.L_overlay_start_2:
0x3cf: {  	(tag) =	ssettag $0x2  }
0x3d0: {  	s0 =	rddreg [dreg:$0x0];
	s2 =	stileid.u32  }
0x3d1: {  	s1 =	rddreg [dreg:$0x1];
	p0 =	sne.s32 s2, $0x0  }
0x3d2: {  	s3 =	rddreg [dreg:$0x2];
	[bflag:$0x3] =	sbarrier.arrive $0xFFFF;
	s2 =	simm.s32 @!p0 $0x1C05  }
0x3d3: {  	[timem:s3], [sflag:s2] =	dma.local @!p0 [hbm:s0], s1  }
0x3d4: {  	s0 =	simm.s32 @!p0 $0x5  }
0x3d5: {  	_ =	swait.ge @!p0 [sflag:s0], s1  }
0x3d6: {  	s1 =	ssub.s32 @!p0 $0x0, s1;
	[sflag:s0] =	ssyncset.done @!p0 $0x0  }
0x3d7: {  	[sflag:s0] =	ssyncadd.s32 @!p0 s1  }
0x3d8: {  	[bflag:$0x3] =	sbarrier.arrive $0xFFFF  }
0x3d9: {  	_ =	shalt  }

</sc_bundles>
